<compile_context>
chip_gen: v7x
topology: tpu7x:2x2x1
jax: 0.10.2.dev20260603
libtpu: 0.0.44.dev20260713+nightly
codegen_flags: <defaults>
</compile_context>

<pallas_src>
import dataclasses
import functools

import jax
import jax.numpy as jnp
from jax import lax
from jax.experimental import pallas as pl
from jax.experimental.pallas import tpu as pltpu
from jax.experimental.pallas import tpu_sc as plsc

MAX_LEN = 1024
NEG = -1e8
S = 512
TAIL = 128

BS, SEQ, NA = 64, 2048, 512
_NC, _NS = 2, 16
_NW = _NC * _NS
_CH = 32
_CHE = _CH * NA
_BATCH_E = SEQ * NA
_GROUP = 8


def _sc_masks_body(o_ref, ones_b, pat_b, mix_b, sem):
    cid = lax.axis_index("c")
    sid = lax.axis_index("s")
    wid = sid * _NC + cid

    lane = lax.iota(jnp.int32, 16)
    pat16 = (lane == 15).astype(jnp.float32)
    ones16 = jnp.ones(16, jnp.float32)
    zeros16 = jnp.zeros(16, jnp.float32)

    @pl.loop(0, _CH)
    def _fill(r):
        off0 = r * NA

        @pl.loop(0, NA // 16)
        def _fillc(c):
            off = off0 + c * 16
            ones_b[pl.ds(off, 16)] = ones16
            pat_b[pl.ds(off, 16)] = zeros16
            mix_b[pl.ds(off, 16)] = zeros16

        pat_b[pl.ds(off0 + NA - 16, 16)] = pat16
        mix_b[pl.ds(off0 + NA - 16, 16)] = pat16

    @pl.loop(0, NA // 16)
    def _fixmix(c):
        mix_b[pl.ds(c * 16, 16)] = ones16

    base = wid * 2 * _BATCH_E
    chunks_per_batch = SEQ // _CH
    valid_chunks = MAX_LEN // _CH
    cps = []
    for bb in range(2):
        for c in range(chunks_per_batch):
            if c < valid_chunks:
                src = ones_b
            elif c == valid_chunks:
                src = mix_b
            else:
                src = pat_b
            dst = o_ref.at[pl.ds(base + bb * _BATCH_E + c * _CHE, _CHE)]
            cps.append(pltpu.async_copy(src, dst, sem))
            if len(cps) == _GROUP:
                for cp in cps:
                    cp.wait()
                cps = []
    for cp in cps:
        cp.wait()


_sc_cp = pltpu.CompilerParams()
if "needs_layout_passes" in pltpu.CompilerParams.__dataclass_fields__:
    _sc_cp = dataclasses.replace(_sc_cp, needs_layout_passes=False)

_sc_masks = functools.partial(
    pl.kernel,
    out_type=jax.ShapeDtypeStruct((BS * SEQ * NA,), jnp.float32),
    mesh=plsc.VectorSubcoreMesh(core_axis_name="c", subcore_axis_name="s"),
    scratch_types=[
        pltpu.VMEM((_CHE,), jnp.float32),
        pltpu.VMEM((_CHE,), jnp.float32),
        pltpu.VMEM((_CHE,), jnp.float32),
        pltpu.SemaphoreType.DMA,
    ],
    compiler_params=_sc_cp,
)(_sc_masks_body)


def _argmax_rows(v, na):
    af = lax.broadcasted_iota(jnp.int32, v.shape, 1).astype(jnp.float32)
    rowmax = jnp.max(v, axis=-1, keepdims=True)
    idxf = jnp.min(jnp.where(v == rowmax, af, jnp.float32(na)), axis=-1, keepdims=True)
    return jnp.broadcast_to(idxf, (v.shape[0], 128))


def _body(x_ref, xt_ref, mx_ref, sel_ref):
    j = pl.program_id(1)
    s, na = mx_ref.shape[1], mx_ref.shape[2]
    njv = (MAX_LEN + S) // S

    @pl.when(j < njv - 1)
    def _():
        x = x_ref[0]
        mx_ref[0] = x
        sel_ref[0, 0] = _argmax_rows(x, na)

    @pl.when(j == njv - 1)
    def _():
        x = x_ref[0]
        i = j * s + lax.broadcasted_iota(jnp.int32, (s, na), 0)
        a = lax.broadcasted_iota(jnp.int32, (s, na), 1)
        mask = (i <= MAX_LEN) | (a == na - 1)
        mx = jnp.where(mask, x, jnp.float32(NEG))
        mx_ref[0] = mx
        sel_ref[0, 0] = _argmax_rows(mx, na)

    @pl.when(j >= njv)
    def _():
        t = xt_ref[0]
        a2 = lax.broadcasted_iota(jnp.int32, (s, TAIL), 1)
        mx_ref[0, :, : na - TAIL] = jnp.full((s, na - TAIL), NEG, jnp.float32)
        mx_ref[0, :, na - TAIL :] = jnp.where(a2 == TAIL - 1, t, jnp.float32(NEG))
        selv = jnp.max(
            jnp.where(
                (a2 == TAIL - 1) & (t > jnp.float32(NEG)),
                jnp.float32(na - 1), jnp.float32(0.0),
            ),
            axis=-1, keepdims=True,
        )
        sel_ref[0, 0] = jnp.broadcast_to(selv, (s, 128))


def kernel(x):
    bs, seq, na = x.shape
    nj = seq // S
    njv = (MAX_LEN + S) // S
    mx, sel = pl.pallas_call(
        _body,
        grid=(bs, nj),
        in_specs=[
            pl.BlockSpec((1, S, na), lambda b, j: (b, jnp.minimum(j, njv - 1), 0)),
            pl.BlockSpec((1, S, TAIL), lambda b, j: (b, nj - 1, (na - TAIL) // TAIL)),
        ],
        out_specs=[
            pl.BlockSpec((1, S, na), lambda b, j: (b, j, 0)),
            pl.BlockSpec((1, 1, S, 128), lambda b, j: (b, j, 0, 0)),
        ],
        out_shape=[
            jax.ShapeDtypeStruct((bs, seq, na), jnp.float32),
            jax.ShapeDtypeStruct((bs, nj, S, 128), jnp.float32),
        ],
        compiler_params=pltpu.CompilerParams(
            dimension_semantics=("parallel", "arbitrary"),
        ),
    )(x, x)
    m = _sc_masks().reshape(bs, seq, na)
    return mx, m, sel[:, :, :, 0].astype(jnp.int32).reshape(bs, seq)

# --- scband reference (transcript-rebuilt; emitter-appended) ---
"""Pipeline reference for scband-net-m-35313221107802 (READ-ONLY COPY).

The authoritative reference and input builder live on the scoring server;
editing this copy changes nothing except your own understanding.
"""

import jax, jax.numpy as jnp
import numpy as np

MAX_LEN = 1024  # init kwarg max_len


def setup_inputs(seed: int = 0) -> dict:
    key = jax.random.key(seed)
    x = jax.random.normal(key, (64, 2048, 512), dtype=jnp.float32)
    return {"x": x}


def reference(x):
    # Faithful (vectorized) translation of NetM.forward.
    # The original loops over seq positions: for i <= max_len the Builders
    # object reports which ops are valid (all ops valid in the unconstrained
    # case); for i > max_len only the terminal action (n_actions-1) is valid.
    # Invalid logits are overwritten with -1e8; a masks tensor records validity.
    bs, seq_len, n_actions = x.shape
    pos = jnp.arange(seq_len)
    act = jnp.arange(n_actions)
    # mask2d[i, a] = True if action a is valid at step i
    mask2d = (pos[:, None] <= MAX_LEN) | (act[None, :] == (n_actions - 1))
    masks = jnp.broadcast_to(mask2d[None, :, :], (bs, seq_len, n_actions)).astype(jnp.float32)
    masked_x = jnp.where(mask2d[None, :, :], x, jnp.float32(-1e8))
    # greedy argmax per step (used by the Builders state in the original;
    # computed here for fidelity, returned alongside outputs)
    select = jnp.argmax(masked_x, axis=-1)
    return masked_x, masks, select

if __name__ == "__main__":
    import jax
    _d = setup_inputs()
    print(jax.jit(kernel)(*tuple(_d.values())))

</pallas_src>

<mosaic_0001>
#map = affine_map<(d0, d1) -> (0)>
module attributes {stable_mosaic.version = 14 : i64} {
  func.func @_sc_masks_body(%arg0: i32, %arg1: i32, %arg2: memref<67108864xf32, #tpu.memory_space<hbm>>, %arg3: memref<16384xf32, #tpu.memory_space<vmem>>, %arg4: memref<16384xf32, #tpu.memory_space<vmem>>, %arg5: memref<16384xf32, #tpu.memory_space<vmem>>, %arg6: memref<!tpu.dma_semaphore, #tpu.memory_space<semaphore_mem>>) attributes {dimension_semantics = [#tpu.dimension_semantics<core_parallel>, #tpu.dimension_semantics<subcore_parallel>], iteration_bounds = array<i64: 2, 16>, scalar_prefetch = 0 : i64, scratch_operands = 4 : i64, tpu.core_type = #tpu.core_type<sc_vector_subcore>, window_params = [{transform_indices = #map}]} {
    %mul3A = arith.constant 2 : i32
    %mul3A_0 = arith.muli %arg1, %mul3A : i32
    %add3A = arith.addi %mul3A_0, %arg0 : i32
    %iota3A = tpu.iota {dimensions = array<i32: 0>} : vector<16xi32>
    %eq3A = arith.constant 15 : i32
    %eq3A_1 = vector.broadcast %eq3A : i32 to vector<16xi32>
    %eq3A_2 = arith.cmpi eq, %iota3A, %eq3A_1 : vector<16xi32>
    %convert_element_type3A = arith.extui %eq3A_2 : vector<16xi1> to vector<16xi32>
    %convert_element_type3A_3 = arith.sitofp %convert_element_type3A : vector<16xi32> to vector<16xf32>
    %broadcast_in_dim3A = arith.constant 1.000000e+00 : f32
    %broadcast_in_dim3A_4 = vector.broadcast %broadcast_in_dim3A : f32 to vector<16xf32>
    %broadcast_in_dim3A_5 = arith.constant 0.000000e+00 : f32
    %broadcast_in_dim3A_6 = vector.broadcast %broadcast_in_dim3A_5 : f32 to vector<16xf32>
    %scan3A = arith.constant 0 : i32
    %scan3A_7 = arith.constant 32 : i32
    %scan3A_8 = arith.addi %scan3A, %scan3A_7 : i32
    %scan3A_9 = arith.constant 1 : i32
    scf.for %scan3A_1042 = %scan3A to %scan3A_8 step %scan3A_9  : i32 {
      %mul3A_1043 = arith.constant 1 : i32
      %mul3A_1044 = arith.muli %scan3A_1042, %mul3A_1043 : i32
      %add3A_1045 = arith.constant 0 : i32
      %add3A_1046 = arith.addi %add3A_1045, %mul3A_1044 : i32
      %mul3A_1047 = arith.constant 512 : i32
      %mul3A_1048 = arith.muli %add3A_1046, %mul3A_1047 : i32
      %scan3A_1049 = arith.constant 0 : i32
      %scan3A_1050 = arith.constant 32 : i32
      %scan3A_1051 = arith.addi %scan3A_1049, %scan3A_1050 : i32
      %scan3A_1052 = arith.constant 1 : i32
      scf.for %scan3A_1064 = %scan3A_1049 to %scan3A_1051 step %scan3A_1052  : i32 {
        %mul3A_1065 = arith.constant 1 : i32
        %mul3A_1066 = arith.muli %scan3A_1064, %mul3A_1065 : i32
        %add3A_1067 = arith.constant 0 : i32
        %add3A_1068 = arith.addi %add3A_1067, %mul3A_1066 : i32
        %mul3A_1069 = arith.constant 16 : i32
        %mul3A_1070 = arith.muli %add3A_1068, %mul3A_1069 : i32
        %add3A_1071 = arith.addi %mul3A_1048, %mul3A_1070 : i32
        %swap3A_1072 = arith.index_cast %add3A_1071 : i32 to index
        %swap3A_1073 = tpu.vector_load %arg3[%swap3A_1072] {strides = array<i32>} : memref<16384xf32, #tpu.memory_space<vmem>>, vector<16xf32>,
        tpu.vector_store %arg3[%swap3A_1072], %broadcast_in_dim3A_4 {strides = array<i32>} : memref<16384xf32, #tpu.memory_space<vmem>>, vector<16xf32>,
        %swap3A_1074 = arith.index_cast %add3A_1071 : i32 to index
        %swap3A_1075 = tpu.vector_load %arg4[%swap3A_1074] {strides = array<i32>} : memref<16384xf32, #tpu.memory_space<vmem>>, vector<16xf32>,
        tpu.vector_store %arg4[%swap3A_1074], %broadcast_in_dim3A_6 {strides = array<i32>} : memref<16384xf32, #tpu.memory_space<vmem>>, vector<16xf32>,
        %swap3A_1076 = arith.index_cast %add3A_1071 : i32 to index
        %swap3A_1077 = tpu.vector_load %arg5[%swap3A_1076] {strides = array<i32>} : memref<16384xf32, #tpu.memory_space<vmem>>, vector<16xf32>,
        tpu.vector_store %arg5[%swap3A_1076], %broadcast_in_dim3A_6 {strides = array<i32>} : memref<16384xf32, #tpu.memory_space<vmem>>, vector<16xf32>,
      }
      %scan3A_1053 = arith.constant 32 : i32
      %add3A_1054 = arith.constant 512 : i32
      %add3A_1055 = arith.addi %mul3A_1048, %add3A_1054 : i32
      %sub3A = arith.constant 16 : i32
      %sub3A_1056 = arith.subi %add3A_1055, %sub3A : i32
      %swap3A = arith.index_cast %sub3A_1056 : i32 to index
      %swap3A_1057 = tpu.vector_load %arg4[%swap3A] {strides = array<i32>} : memref<16384xf32, #tpu.memory_space<vmem>>, vector<16xf32>,
      tpu.vector_store %arg4[%swap3A], %convert_element_type3A_3 {strides = array<i32>} : memref<16384xf32, #tpu.memory_space<vmem>>, vector<16xf32>,
      %add3A_1058 = arith.constant 512 : i32
      %add3A_1059 = arith.addi %mul3A_1048, %add3A_1058 : i32
      %sub3A_1060 = arith.constant 16 : i32
      %sub3A_1061 = arith.subi %add3A_1059, %sub3A_1060 : i32
      %swap3A_1062 = arith.index_cast %sub3A_1061 : i32 to index
      %swap3A_1063 = tpu.vector_load %arg5[%swap3A_1062] {strides = array<i32>} : memref<16384xf32, #tpu.memory_space<vmem>>, vector<16xf32>,
      tpu.vector_store %arg5[%swap3A_1062], %convert_element_type3A_3 {strides = array<i32>} : memref<16384xf32, #tpu.memory_space<vmem>>, vector<16xf32>,
    }
    %scan3A_10 = arith.constant 32 : i32
    %scan3A_11 = arith.constant 0 : i32
    %scan3A_12 = arith.constant 32 : i32
    %scan3A_13 = arith.addi %scan3A_11, %scan3A_12 : i32
    %scan3A_14 = arith.constant 1 : i32
    scf.for %scan3A_1042 = %scan3A_11 to %scan3A_13 step %scan3A_14  : i32 {
      %mul3A_1043 = arith.constant 1 : i32
      %mul3A_1044 = arith.muli %scan3A_1042, %mul3A_1043 : i32
      %add3A_1045 = arith.constant 0 : i32
      %add3A_1046 = arith.addi %add3A_1045, %mul3A_1044 : i32
      %mul3A_1047 = arith.constant 16 : i32
      %mul3A_1048 = arith.muli %add3A_1046, %mul3A_1047 : i32
      %swap3A = arith.index_cast %mul3A_1048 : i32 to index
      %swap3A_1049 = tpu.vector_load %arg5[%swap3A] {strides = array<i32>} : memref<16384xf32, #tpu.memory_space<vmem>>, vector<16xf32>,
      tpu.vector_store %arg5[%swap3A], %broadcast_in_dim3A_4 {strides = array<i32>} : memref<16384xf32, #tpu.memory_space<vmem>>, vector<16xf32>,
    }
    %scan3A_15 = arith.constant 32 : i32
    %mul3A_16 = arith.constant 2 : i32
    %mul3A_17 = arith.muli %add3A, %mul3A_16 : i32
    %mul3A_18 = arith.constant 1048576 : i32
    %mul3A_19 = arith.muli %mul3A_17, %mul3A_18 : i32
    %add3A_20 = arith.constant 0 : i32
    %add3A_21 = arith.addi %mul3A_19, %add3A_20 : i32
    %add3A_22 = arith.constant 0 : i32
    %add3A_23 = arith.addi %add3A_21, %add3A_22 : i32
    %dma_start3A = tpu.memref_slice %arg2[%add3A_23] : memref<67108864xf32, #tpu.memory_space<hbm>> -> memref<16384xf32, #tpu.memory_space<hbm>>
    %dma_start3A_24 = tpu.memref_slice %arg2[%add3A_23] : memref<67108864xf32, #tpu.memory_space<hbm>> -> memref<16384xf32, #tpu.memory_space<hbm>>
    tpu.enqueue_dma source(%arg3 : memref<16384xf32, #tpu.memory_space<vmem>>) target(%dma_start3A_24 : memref<16384xf32, #tpu.memory_space<hbm>>) target_semaphore(%arg6 : memref<!tpu.dma_semaphore, #tpu.memory_space<semaphore_mem>>)
    %add3A_25 = arith.constant 0 : i32
    %add3A_26 = arith.addi %mul3A_19, %add3A_25 : i32
    %add3A_27 = arith.constant 16384 : i32
    %add3A_28 = arith.addi %add3A_26, %add3A_27 : i32
    %dma_start3A_29 = tpu.memref_slice %arg2[%add3A_28] : memref<67108864xf32, #tpu.memory_space<hbm>> -> memref<16384xf32, #tpu.memory_space<hbm>>
    %dma_start3A_30 = tpu.memref_slice %arg2[%add3A_28] : memref<67108864xf32, #tpu.memory_space<hbm>> -> memref<16384xf32, #tpu.memory_space<hbm>>
    tpu.enqueue_dma source(%arg3 : memref<16384xf32, #tpu.memory_space<vmem>>) target(%dma_start3A_30 : memref<16384xf32, #tpu.memory_space<hbm>>) target_semaphore(%arg6 : memref<!tpu.dma_semaphore, #tpu.memory_space<semaphore_mem>>)
    %add3A_31 = arith.constant 0 : i32
    %add3A_32 = arith.addi %mul3A_19, %add3A_31 : i32
    %add3A_33 = arith.constant 32768 : i32
    %add3A_34 = arith.addi %add3A_32, %add3A_33 : i32
    %dma_start3A_35 = tpu.memref_slice %arg2[%add3A_34] : memref<67108864xf32, #tpu.memory_space<hbm>> -> memref<16384xf32, #tpu.memory_space<hbm>>
    %dma_start3A_36 = tpu.memref_slice %arg2[%add3A_34] : memref<67108864xf32, #tpu.memory_space<hbm>> -> memref<16384xf32, #tpu.memory_space<hbm>>
    tpu.enqueue_dma source(%arg3 : memref<16384xf32, #tpu.memory_space<vmem>>) target(%dma_start3A_36 : memref<16384xf32, #tpu.memory_space<hbm>>) target_semaphore(%arg6 : memref<!tpu.dma_semaphore, #tpu.memory_space<semaphore_mem>>)
    %add3A_37 = arith.constant 0 : i32
    %add3A_38 = arith.addi %mul3A_19, %add3A_37 : i32
    %add3A_39 = arith.constant 49152 : i32
    %add3A_40 = arith.addi %add3A_38, %add3A_39 : i32
    %dma_start3A_41 = tpu.memref_slice %arg2[%add3A_40] : memref<67108864xf32, #tpu.memory_space<hbm>> -> memref<16384xf32, #tpu.memory_space<hbm>>
    %dma_start3A_42 = tpu.memref_slice %arg2[%add3A_40] : memref<67108864xf32, #tpu.memory_space<hbm>> -> memref<16384xf32, #tpu.memory_space<hbm>>
    tpu.enqueue_dma source(%arg3 : memref<16384xf32, #tpu.memory_space<vmem>>) target(%dma_start3A_42 : memref<16384xf32, #tpu.memory_space<hbm>>) target_semaphore(%arg6 : memref<!tpu.dma_semaphore, #tpu.memory_space<semaphore_mem>>)
    %add3A_43 = arith.constant 0 : i32
    %add3A_44 = arith.addi %mul3A_19, %add3A_43 : i32
    %add3A_45 = arith.constant 65536 : i32
    %add3A_46 = arith.addi %add3A_44, %add3A_45 : i32
    %dma_start3A_47 = tpu.memref_slice %arg2[%add3A_46] : memref<67108864xf32, #tpu.memory_space<hbm>> -> memref<16384xf32, #tpu.memory_space<hbm>>
    %dma_start3A_48 = tpu.memref_slice %arg2[%add3A_46] : memref<67108864xf32, #tpu.memory_space<hbm>> -> memref<16384xf32, #tpu.memory_space<hbm>>
    tpu.enqueue_dma source(%arg3 : memref<16384xf32, #tpu.memory_space<vmem>>) target(%dma_start3A_48 : memref<16384xf32, #tpu.memory_space<hbm>>) target_semaphore(%arg6 : memref<!tpu.dma_semaphore, #tpu.memory_space<semaphore_mem>>)
    %add3A_49 = arith.constant 0 : i32
    %add3A_50 = arith.addi %mul3A_19, %add3A_49 : i32
    %add3A_51 = arith.constant 81920 : i32
    %add3A_52 = arith.addi %add3A_50, %add3A_51 : i32
    %dma_start3A_53 = tpu.memref_slice %arg2[%add3A_52] : memref<67108864xf32, #tpu.memory_space<hbm>> -> memref<16384xf32, #tpu.memory_space<hbm>>
    %dma_start3A_54 = tpu.memref_slice %arg2[%add3A_52] : memref<67108864xf32, #tpu.memory_space<hbm>> -> memref<16384xf32, #tpu.memory_space<hbm>>
    tpu.enqueue_dma source(%arg3 : memref<16384xf32, #tpu.memory_space<vmem>>) target(%dma_start3A_54 : memref<16384xf32, #tpu.memory_space<hbm>>) target_semaphore(%arg6 : memref<!tpu.dma_semaphore, #tpu.memory_space<semaphore_mem>>)
    %add3A_55 = arith.constant 0 : i32
    %add3A_56 = arith.addi %mul3A_19, %add3A_55 : i32
    %add3A_57 = arith.constant 98304 : i32
    %add3A_58 = arith.addi %add3A_56, %add3A_57 : i32
    %dma_start3A_59 = tpu.memref_slice %arg2[%add3A_58] : memref<67108864xf32, #tpu.memory_space<hbm>> -> memref<16384xf32, #tpu.memory_space<hbm>>
    %dma_start3A_60 = tpu.memref_slice %arg2[%add3A_58] : memref<67108864xf32, #tpu.memory_space<hbm>> -> memref<16384xf32, #tpu.memory_space<hbm>>
    tpu.enqueue_dma source(%arg3 : memref<16384xf32, #tpu.memory_space<vmem>>) target(%dma_start3A_60 : memref<16384xf32, #tpu.memory_space<hbm>>) target_semaphore(%arg6 : memref<!tpu.dma_semaphore, #tpu.memory_space<semaphore_mem>>)
    %add3A_61 = arith.constant 0 : i32
    %add3A_62 = arith.addi %mul3A_19, %add3A_61 : i32
    %add3A_63 = arith.constant 114688 : i32
    %add3A_64 = arith.addi %add3A_62, %add3A_63 : i32
    %dma_start3A_65 = tpu.memref_slice %arg2[%add3A_64] : memref<67108864xf32, #tpu.memory_space<hbm>> -> memref<16384xf32, #tpu.memory_space<hbm>>
    %dma_start3A_66 = tpu.memref_slice %arg2[%add3A_64] : memref<67108864xf32, #tpu.memory_space<hbm>> -> memref<16384xf32, #tpu.memory_space<hbm>>
    tpu.enqueue_dma source(%arg3 : memref<16384xf32, #tpu.memory_space<vmem>>) target(%dma_start3A_66 : memref<16384xf32, #tpu.memory_space<hbm>>) target_semaphore(%arg6 : memref<!tpu.dma_semaphore, #tpu.memory_space<semaphore_mem>>)
    %dma_wait3A = tpu.memref_slice %arg2[%add3A_23] : memref<67108864xf32, #tpu.memory_space<hbm>> -> memref<16384xf32, #tpu.memory_space<hbm>>
    %dma_wait3A_67 = tpu.memref_slice %arg2[%add3A_23] : memref<67108864xf32, #tpu.memory_space<hbm>> -> memref<16384xf32, #tpu.memory_space<hbm>>
    tpu.wait_dma2 semaphore(%arg6 : memref<!tpu.dma_semaphore, #tpu.memory_space<semaphore_mem>>) src(%arg3 : memref<16384xf32, #tpu.memory_space<vmem>>) dst(%dma_wait3A_67 : memref<16384xf32, #tpu.memory_space<hbm>>)
    %dma_wait3A_68 = tpu.memref_slice %arg2[%add3A_28] : memref<67108864xf32, #tpu.memory_space<hbm>> -> memref<16384xf32, #tpu.memory_space<hbm>>
    %dma_wait3A_69 = tpu.memref_slice %arg2[%add3A_28] : memref<67108864xf32, #tpu.memory_space<hbm>> -> memref<16384xf32, #tpu.memory_space<hbm>>
    tpu.wait_dma2 semaphore(%arg6 : memref<!tpu.dma_semaphore, #tpu.memory_space<semaphore_mem>>) src(%arg3 : memref<16384xf32, #tpu.memory_space<vmem>>) dst(%dma_wait3A_69 : memref<16384xf32, #tpu.memory_space<hbm>>)
    %dma_wait3A_70 = tpu.memref_slice %arg2[%add3A_34] : memref<67108864xf32, #tpu.memory_space<hbm>> -> memref<16384xf32, #tpu.memory_space<hbm>>
    %dma_wait3A_71 = tpu.memref_slice %arg2[%add3A_34] : memref<67108864xf32, #tpu.memory_space<hbm>> -> memref<16384xf32, #tpu.memory_space<hbm>>
    tpu.wait_dma2 semaphore(%arg6 : memref<!tpu.dma_semaphore, #tpu.memory_space<semaphore_mem>>) src(%arg3 : memref<16384xf32, #tpu.memory_space<vmem>>) dst(%dma_wait3A_71 : memref<16384xf32, #tpu.memory_space<hbm>>)
    %dma_wait3A_72 = tpu.memref_slice %arg2[%add3A_40] : memref<67108864xf32, #tpu.memory_space<hbm>> -> memref<16384xf32, #tpu.memory_space<hbm>>
    %dma_wait3A_73 = tpu.memref_slice %arg2[%add3A_40] : memref<67108864xf32, #tpu.memory_space<hbm>> -> memref<16384xf32, #tpu.memory_space<hbm>>
    tpu.wait_dma2 semaphore(%arg6 : memref<!tpu.dma_semaphore, #tpu.memory_space<semaphore_mem>>) src(%arg3 : memref<16384xf32, #tpu.memory_space<vmem>>) dst(%dma_wait3A_73 : memref<16384xf32, #tpu.memory_space<hbm>>)
    %dma_wait3A_74 = tpu.memref_slice %arg2[%add3A_46] : memref<67108864xf32, #tpu.memory_space<hbm>> -> memref<16384xf32, #tpu.memory_space<hbm>>
    %dma_wait3A_75 = tpu.memref_slice %arg2[%add3A_46] : memref<67108864xf32, #tpu.memory_space<hbm>> -> memref<16384xf32, #tpu.memory_space<hbm>>
    tpu.wait_dma2 semaphore(%arg6 : memref<!tpu.dma_semaphore, #tpu.memory_space<semaphore_mem>>) src(%arg3 : memref<16384xf32, #tpu.memory_space<vmem>>) dst(%dma_wait3A_75 : memref<16384xf32, #tpu.memory_space<hbm>>)
    %dma_wait3A_76 = tpu.memref_slice %arg2[%add3A_52] : memref<67108864xf32, #tpu.memory_space<hbm>> -> memref<16384xf32, #tpu.memory_space<hbm>>
    %dma_wait3A_77 = tpu.memref_slice %arg2[%add3A_52] : memref<67108864xf32, #tpu.memory_space<hbm>> -> memref<16384xf32, #tpu.memory_space<hbm>>
    tpu.wait_dma2 semaphore(%arg6 : memref<!tpu.dma_semaphore, #tpu.memory_space<semaphore_mem>>) src(%arg3 : memref<16384xf32, #tpu.memory_space<vmem>>) dst(%dma_wait3A_77 : memref<16384xf32, #tpu.memory_space<hbm>>)
    %dma_wait3A_78 = tpu.memref_slice %arg2[%add3A_58] : memref<67108864xf32, #tpu.memory_space<hbm>> -> memref<16384xf32, #tpu.memory_space<hbm>>
    %dma_wait3A_79 = tpu.memref_slice %arg2[%add3A_58] : memref<67108864xf32, #tpu.memory_space<hbm>> -> memref<16384xf32, #tpu.memory_space<hbm>>
    tpu.wait_dma2 semaphore(%arg6 : memref<!tpu.dma_semaphore, #tpu.memory_space<semaphore_mem>>) src(%arg3 : memref<16384xf32, #tpu.memory_space<vmem>>) dst(%dma_wait3A_79 : memref<16384xf32, #tpu.memory_space<hbm>>)
    %dma_wait3A_80 = tpu.memref_slice %arg2[%add3A_64] : memref<67108864xf32, #tpu.memory_space<hbm>> -> memref<16384xf32, #tpu.memory_space<hbm>>
    %dma_wait3A_81 = tpu.memref_slice %arg2[%add3A_64] : memref<67108864xf32, #tpu.memory_space<hbm>> -> memref<16384xf32, #tpu.memory_space<hbm>>
    tpu.wait_dma2 semaphore(%arg6 : memref<!tpu.dma_semaphore, #tpu.memory_space<semaphore_mem>>) src(%arg3 : memref<16384xf32, #tpu.memory_space<vmem>>) dst(%dma_wait3A_81 : memref<16384xf32, #tpu.memory_space<hbm>>)
    %add3A_82 = arith.constant 0 : i32
    %add3A_83 = arith.addi %mul3A_19, %add3A_82 : i32
    %add3A_84 = arith.constant 131072 : i32
    %add3A_85 = arith.addi %add3A_83, %add3A_84 : i32
    %dma_start3A_86 = tpu.memref_slice %arg2[%add3A_85] : memref<67108864xf32, #tpu.memory_space<hbm>> -> memref<16384xf32, #tpu.memory_space<hbm>>
    %dma_start3A_87 = tpu.memref_slice %arg2[%add3A_85] : memref<67108864xf32, #tpu.memory_space<hbm>> -> memref<16384xf32, #tpu.memory_space<hbm>>
    tpu.enqueue_dma source(%arg3 : memref<16384xf32, #tpu.memory_space<vmem>>) target(%dma_start3A_87 : memref<16384xf32, #tpu.memory_space<hbm>>) target_semaphore(%arg6 : memref<!tpu.dma_semaphore, #tpu.memory_space<semaphore_mem>>)
    %add3A_88 = arith.constant 0 : i32
    %add3A_89 = arith.addi %mul3A_19, %add3A_88 : i32
    %add3A_90 = arith.constant 147456 : i32
    %add3A_91 = arith.addi %add3A_89, %add3A_90 : i32
    %dma_start3A_92 = tpu.memref_slice %arg2[%add3A_91] : memref<67108864xf32, #tpu.memory_space<hbm>> -> memref<16384xf32, #tpu.memory_space<hbm>>
    %dma_start3A_93 = tpu.memref_slice %arg2[%add3A_91] : memref<67108864xf32, #tpu.memory_space<hbm>> -> memref<16384xf32, #tpu.memory_space<hbm>>
    tpu.enqueue_dma source(%arg3 : memref<16384xf32, #tpu.memory_space<vmem>>) target(%dma_start3A_93 : memref<16384xf32, #tpu.memory_space<hbm>>) target_semaphore(%arg6 : memref<!tpu.dma_semaphore, #tpu.memory_space<semaphore_mem>>)
    %add3A_94 = arith.constant 0 : i32
    %add3A_95 = arith.addi %mul3A_19, %add3A_94 : i32
    %add3A_96 = arith.constant 163840 : i32
    %add3A_97 = arith.addi %add3A_95, %add3A_96 : i32
    %dma_start3A_98 = tpu.memref_slice %arg2[%add3A_97] : memref<67108864xf32, #tpu.memory_space<hbm>> -> memref<16384xf32, #tpu.memory_space<hbm>>
    %dma_start3A_99 = tpu.memref_slice %arg2[%add3A_97] : memref<67108864xf32, #tpu.memory_space<hbm>> -> memref<16384xf32, #tpu.memory_space<hbm>>
    tpu.enqueue_dma source(%arg3 : memref<16384xf32, #tpu.memory_space<vmem>>) target(%dma_start3A_99 : memref<16384xf32, #tpu.memory_space<hbm>>) target_semaphore(%arg6 : memref<!tpu.dma_semaphore, #tpu.memory_space<semaphore_mem>>)
    %add3A_100 = arith.constant 0 : i32
    %add3A_101 = arith.addi %mul3A_19, %add3A_100 : i32
    %add3A_102 = arith.constant 180224 : i32
    %add3A_103 = arith.addi %add3A_101, %add3A_102 : i32
    %dma_start3A_104 = tpu.memref_slice %arg2[%add3A_103] : memref<67108864xf32, #tpu.memory_space<hbm>> -> memref<16384xf32, #tpu.memory_space<hbm>>
    %dma_start3A_105 = tpu.memref_slice %arg2[%add3A_103] : memref<67108864xf32, #tpu.memory_space<hbm>> -> memref<16384xf32, #tpu.memory_space<hbm>>
    tpu.enqueue_dma source(%arg3 : memref<16384xf32, #tpu.memory_space<vmem>>) target(%dma_start3A_105 : memref<16384xf32, #tpu.memory_space<hbm>>) target_semaphore(%arg6 : memref<!tpu.dma_semaphore, #tpu.memory_space<semaphore_mem>>)
    %add3A_106 = arith.constant 0 : i32
    %add3A_107 = arith.addi %mul3A_19, %add3A_106 : i32
    %add3A_108 = arith.constant 196608 : i32
    %add3A_109 = arith.addi %add3A_107, %add3A_108 : i32
    %dma_start3A_110 = tpu.memref_slice %arg2[%add3A_109] : memref<67108864xf32, #tpu.memory_space<hbm>> -> memref<16384xf32, #tpu.memory_space<hbm>>
    %dma_start3A_111 = tpu.memref_slice %arg2[%add3A_109] : memref<67108864xf32, #tpu.memory_space<hbm>> -> memref<16384xf32, #tpu.memory_space<hbm>>
    tpu.enqueue_dma source(%arg3 : memref<16384xf32, #tpu.memory_space<vmem>>) target(%dma_start3A_111 : memref<16384xf32, #tpu.memory_space<hbm>>) target_semaphore(%arg6 : memref<!tpu.dma_semaphore, #tpu.memory_space<semaphore_mem>>)
    %add3A_112 = arith.constant 0 : i32
    %add3A_113 = arith.addi %mul3A_19, %add3A_112 : i32
    %add3A_114 = arith.constant 212992 : i32
    %add3A_115 = arith.addi %add3A_113, %add3A_114 : i32
    %dma_start3A_116 = tpu.memref_slice %arg2[%add3A_115] : memref<67108864xf32, #tpu.memory_space<hbm>> -> memref<16384xf32, #tpu.memory_space<hbm>>
    %dma_start3A_117 = tpu.memref_slice %arg2[%add3A_115] : memref<67108864xf32, #tpu.memory_space<hbm>> -> memref<16384xf32, #tpu.memory_space<hbm>>
    tpu.enqueue_dma source(%arg3 : memref<16384xf32, #tpu.memory_space<vmem>>) target(%dma_start3A_117 : memref<16384xf32, #tpu.memory_space<hbm>>) target_semaphore(%arg6 : memref<!tpu.dma_semaphore, #tpu.memory_space<semaphore_mem>>)
    %add3A_118 = arith.constant 0 : i32
    %add3A_119 = arith.addi %mul3A_19, %add3A_118 : i32
    %add3A_120 = arith.constant 229376 : i32
    %add3A_121 = arith.addi %add3A_119, %add3A_120 : i32
    %dma_start3A_122 = tpu.memref_slice %arg2[%add3A_121] : memref<67108864xf32, #tpu.memory_space<hbm>> -> memref<16384xf32, #tpu.memory_space<hbm>>
    %dma_start3A_123 = tpu.memref_slice %arg2[%add3A_121] : memref<67108864xf32, #tpu.memory_space<hbm>> -> memref<16384xf32, #tpu.memory_space<hbm>>
    tpu.enqueue_dma source(%arg3 : memref<16384xf32, #tpu.memory_space<vmem>>) target(%dma_start3A_123 : memref<16384xf32, #tpu.memory_space<hbm>>) target_semaphore(%arg6 : memref<!tpu.dma_semaphore, #tpu.memory_space<semaphore_mem>>)
    %add3A_124 = arith.constant 0 : i32
    %add3A_125 = arith.addi %mul3A_19, %add3A_124 : i32
    %add3A_126 = arith.constant 245760 : i32
    %add3A_127 = arith.addi %add3A_125, %add3A_126 : i32
    %dma_start3A_128 = tpu.memref_slice %arg2[%add3A_127] : memref<67108864xf32, #tpu.memory_space<hbm>> -> memref<16384xf32, #tpu.memory_space<hbm>>
    %dma_start3A_129 = tpu.memref_slice %arg2[%add3A_127] : memref<67108864xf32, #tpu.memory_space<hbm>> -> memref<16384xf32, #tpu.memory_space<hbm>>
    tpu.enqueue_dma source(%arg3 : memref<16384xf32, #tpu.memory_space<vmem>>) target(%dma_start3A_129 : memref<16384xf32, #tpu.memory_space<hbm>>) target_semaphore(%arg6 : memref<!tpu.dma_semaphore, #tpu.memory_space<semaphore_mem>>)
    %dma_wait3A_130 = tpu.memref_slice %arg2[%add3A_85] : memref<67108864xf32, #tpu.memory_space<hbm>> -> memref<16384xf32, #tpu.memory_space<hbm>>
    %dma_wait3A_131 = tpu.memref_slice %arg2[%add3A_85] : memref<67108864xf32, #tpu.memory_space<hbm>> -> memref<16384xf32, #tpu.memory_space<hbm>>
    tpu.wait_dma2 semaphore(%arg6 : memref<!tpu.dma_semaphore, #tpu.memory_space<semaphore_mem>>) src(%arg3 : memref<16384xf32, #tpu.memory_space<vmem>>) dst(%dma_wait3A_131 : memref<16384xf32, #tpu.memory_space<hbm>>)
    %dma_wait3A_132 = tpu.memref_slice %arg2[%add3A_91] : memref<67108864xf32, #tpu.memory_space<hbm>> -> memref<16384xf32, #tpu.memory_space<hbm>>
    %dma_wait3A_133 = tpu.memref_slice %arg2[%add3A_91] : memref<67108864xf32, #tpu.memory_space<hbm>> -> memref<16384xf32, #tpu.memory_space<hbm>>
    tpu.wait_dma2 semaphore(%arg6 : memref<!tpu.dma_semaphore, #tpu.memory_space<semaphore_mem>>) src(%arg3 : memref<16384xf32, #tpu.memory_space<vmem>>) dst(%dma_wait3A_133 : memref<16384xf32, #tpu.memory_space<hbm>>)
    %dma_wait3A_134 = tpu.memref_slice %arg2[%add3A_97] : memref<67108864xf32, #tpu.memory_space<hbm>> -> memref<16384xf32, #tpu.memory_space<hbm>>
    %dma_wait3A_135 = tpu.memref_slice %arg2[%add3A_97] : memref<67108864xf32, #tpu.memory_space<hbm>> -> memref<16384xf32, #tpu.memory_space<hbm>>
    tpu.wait_dma2 semaphore(%arg6 : memref<!tpu.dma_semaphore, #tpu.memory_space<semaphore_mem>>) src(%arg3 : memref<16384xf32, #tpu.memory_space<vmem>>) dst(%dma_wait3A_135 : memref<16384xf32, #tpu.memory_space<hbm>>)
    %dma_wait3A_136 = tpu.memref_slice %arg2[%add3A_103] : memref<67108864xf32, #tpu.memory_space<hbm>> -> memref<16384xf32, #tpu.memory_space<hbm>>
    %dma_wait3A_137 = tpu.memref_slice %arg2[%add3A_103] : memref<67108864xf32, #tpu.memory_space<hbm>> -> memref<16384xf32, #tpu.memory_space<hbm>>
    tpu.wait_dma2 semaphore(%arg6 : memref<!tpu.dma_semaphore, #tpu.memory_space<semaphore_mem>>) src(%arg3 : memref<16384xf32, #tpu.memory_space<vmem>>) dst(%dma_wait3A_137 : memref<16384xf32, #tpu.memory_space<hbm>>)
    %dma_wait3A_138 = tpu.memref_slice %arg2[%add3A_109] : memref<67108864xf32, #tpu.memory_space<hbm>> -> memref<16384xf32, #tpu.memory_space<hbm>>
    %dma_wait3A_139 = tpu.memref_slice %arg2[%add3A_109] : memref<67108864xf32, #tpu.memory_space<hbm>> -> memref<16384xf32, #tpu.memory_space<hbm>>
    tpu.wait_dma2 semaphore(%arg6 : memref<!tpu.dma_semaphore, #tpu.memory_space<semaphore_mem>>) src(%arg3 : memref<16384xf32, #tpu.memory_space<vmem>>) dst(%dma_wait3A_139 : memref<16384xf32, #tpu.memory_space<hbm>>)
    %dma_wait3A_140 = tpu.memref_slice %arg2[%add3A_115] : memref<67108864xf32, #tpu.memory_space<hbm>> -> memref<16384xf32, #tpu.memory_space<hbm>>
    %dma_wait3A_141 = tpu.memref_slice %arg2[%add3A_115] : memref<67108864xf32, #tpu.memory_space<hbm>> -> memref<16384xf32, #tpu.memory_space<hbm>>
    tpu.wait_dma2 semaphore(%arg6 : memref<!tpu.dma_semaphore, #tpu.memory_space<semaphore_mem>>) src(%arg3 : memref<16384xf32, #tpu.memory_space<vmem>>) dst(%dma_wait3A_141 : memref<16384xf32, #tpu.memory_space<hbm>>)
    %dma_wait3A_142 = tpu.memref_slice %arg2[%add3A_121] : memref<67108864xf32, #tpu.memory_space<hbm>> -> memref<16384xf32, #tpu.memory_space<hbm>>
    %dma_wait3A_143 = tpu.memref_slice %arg2[%add3A_121] : memref<67108864xf32, #tpu.memory_space<hbm>> -> memref<16384xf32, #tpu.memory_space<hbm>>
    tpu.wait_dma2 semaphore(%arg6 : memref<!tpu.dma_semaphore, #tpu.memory_space<semaphore_mem>>) src(%arg3 : memref<16384xf32, #tpu.memory_space<vmem>>) dst(%dma_wait3A_143 : memref<16384xf32, #tpu.memory_space<hbm>>)
    %dma_wait3A_144 = tpu.memref_slice %arg2[%add3A_127] : memref<67108864xf32, #tpu.memory_space<hbm>> -> memref<16384xf32, #tpu.memory_space<hbm>>
    %dma_wait3A_145 = tpu.memref_slice %arg2[%add3A_127] : memref<67108864xf32, #tpu.memory_space<hbm>> -> memref<16384xf32, #tpu.memory_space<hbm>>
    tpu.wait_dma2 semaphore(%arg6 : memref<!tpu.dma_semaphore, #tpu.memory_space<semaphore_mem>>) src(%arg3 : memref<16384xf32, #tpu.memory_space<vmem>>) dst(%dma_wait3A_145 : memref<16384xf32, #tpu.memory_space<hbm>>)
    %add3A_146 = arith.constant 0 : i32
    %add3A_147 = arith.addi %mul3A_19, %add3A_146 : i32
    %add3A_148 = arith.constant 262144 : i32
    %add3A_149 = arith.addi %add3A_147, %add3A_148 : i32
    %dma_start3A_150 = tpu.memref_slice %arg2[%add3A_149] : memref<67108864xf32, #tpu.memory_space<hbm>> -> memref<16384xf32, #tpu.memory_space<hbm>>
    %dma_start3A_151 = tpu.memref_slice %arg2[%add3A_149] : memref<67108864xf32, #tpu.memory_space<hbm>> -> memref<16384xf32, #tpu.memory_space<hbm>>
    tpu.enqueue_dma source(%arg3 : memref<16384xf32, #tpu.memory_space<vmem>>) target(%dma_start3A_151 : memref<16384xf32, #tpu.memory_space<hbm>>) target_semaphore(%arg6 : memref<!tpu.dma_semaphore, #tpu.memory_space<semaphore_mem>>)
    %add3A_152 = arith.constant 0 : i32
    %add3A_153 = arith.addi %mul3A_19, %add3A_152 : i32
    %add3A_154 = arith.constant 278528 : i32
    %add3A_155 = arith.addi %add3A_153, %add3A_154 : i32
    %dma_start3A_156 = tpu.memref_slice %arg2[%add3A_155] : memref<67108864xf32, #tpu.memory_space<hbm>> -> memref<16384xf32, #tpu.memory_space<hbm>>
    %dma_start3A_157 = tpu.memref_slice %arg2[%add3A_155] : memref<67108864xf32, #tpu.memory_space<hbm>> -> memref<16384xf32, #tpu.memory_space<hbm>>
    tpu.enqueue_dma source(%arg3 : memref<16384xf32, #tpu.memory_space<vmem>>) target(%dma_start3A_157 : memref<16384xf32, #tpu.memory_space<hbm>>) target_semaphore(%arg6 : memref<!tpu.dma_semaphore, #tpu.memory_space<semaphore_mem>>)
    %add3A_158 = arith.constant 0 : i32
    %add3A_159 = arith.addi %mul3A_19, %add3A_158 : i32
    %add3A_160 = arith.constant 294912 : i32
    %add3A_161 = arith.addi %add3A_159, %add3A_160 : i32
    %dma_start3A_162 = tpu.memref_slice %arg2[%add3A_161] : memref<67108864xf32, #tpu.memory_space<hbm>> -> memref<16384xf32, #tpu.memory_space<hbm>>
    %dma_start3A_163 = tpu.memref_slice %arg2[%add3A_161] : memref<67108864xf32, #tpu.memory_space<hbm>> -> memref<16384xf32, #tpu.memory_space<hbm>>
    tpu.enqueue_dma source(%arg3 : memref<16384xf32, #tpu.memory_space<vmem>>) target(%dma_start3A_163 : memref<16384xf32, #tpu.memory_space<hbm>>) target_semaphore(%arg6 : memref<!tpu.dma_semaphore, #tpu.memory_space<semaphore_mem>>)
    %add3A_164 = arith.constant 0 : i32
    %add3A_165 = arith.addi %mul3A_19, %add3A_164 : i32
    %add3A_166 = arith.constant 311296 : i32
    %add3A_167 = arith.addi %add3A_165, %add3A_166 : i32
    %dma_start3A_168 = tpu.memref_slice %arg2[%add3A_167] : memref<67108864xf32, #tpu.memory_space<hbm>> -> memref<16384xf32, #tpu.memory_space<hbm>>
    %dma_start3A_169 = tpu.memref_slice %arg2[%add3A_167] : memref<67108864xf32, #tpu.memory_space<hbm>> -> memref<16384xf32, #tpu.memory_space<hbm>>
    tpu.enqueue_dma source(%arg3 : memref<16384xf32, #tpu.memory_space<vmem>>) target(%dma_start3A_169 : memref<16384xf32, #tpu.memory_space<hbm>>) target_semaphore(%arg6 : memref<!tpu.dma_semaphore, #tpu.memory_space<semaphore_mem>>)
    %add3A_170 = arith.constant 0 : i32
    %add3A_171 = arith.addi %mul3A_19, %add3A_170 : i32
    %add3A_172 = arith.constant 327680 : i32
    %add3A_173 = arith.addi %add3A_171, %add3A_172 : i32
    %dma_start3A_174 = tpu.memref_slice %arg2[%add3A_173] : memref<67108864xf32, #tpu.memory_space<hbm>> -> memref<16384xf32, #tpu.memory_space<hbm>>
    %dma_start3A_175 = tpu.memref_slice %arg2[%add3A_173] : memref<67108864xf32, #tpu.memory_space<hbm>> -> memref<16384xf32, #tpu.memory_space<hbm>>
    tpu.enqueue_dma source(%arg3 : memref<16384xf32, #tpu.memory_space<vmem>>) target(%dma_start3A_175 : memref<16384xf32, #tpu.memory_space<hbm>>) target_semaphore(%arg6 : memref<!tpu.dma_semaphore, #tpu.memory_space<semaphore_mem>>)
    %add3A_176 = arith.constant 0 : i32
    %add3A_177 = arith.addi %mul3A_19, %add3A_176 : i32
    %add3A_178 = arith.constant 344064 : i32
    %add3A_179 = arith.addi %add3A_177, %add3A_178 : i32
    %dma_start3A_180 = tpu.memref_slice %arg2[%add3A_179] : memref<67108864xf32, #tpu.memory_space<hbm>> -> memref<16384xf32, #tpu.memory_space<hbm>>
    %dma_start3A_181 = tpu.memref_slice %arg2[%add3A_179] : memref<67108864xf32, #tpu.memory_space<hbm>> -> memref<16384xf32, #tpu.memory_space<hbm>>
    tpu.enqueue_dma source(%arg3 : memref<16384xf32, #tpu.memory_space<vmem>>) target(%dma_start3A_181 : memref<16384xf32, #tpu.memory_space<hbm>>) target_semaphore(%arg6 : memref<!tpu.dma_semaphore, #tpu.memory_space<semaphore_mem>>)
    %add3A_182 = arith.constant 0 : i32
    %add3A_183 = arith.addi %mul3A_19, %add3A_182 : i32
    %add3A_184 = arith.constant 360448 : i32
    %add3A_185 = arith.addi %add3A_183, %add3A_184 : i32
    %dma_start3A_186 = tpu.memref_slice %arg2[%add3A_185] : memref<67108864xf32, #tpu.memory_space<hbm>> -> memref<16384xf32, #tpu.memory_space<hbm>>
    %dma_start3A_187 = tpu.memref_slice %arg2[%add3A_185] : memref<67108864xf32, #tpu.memory_space<hbm>> -> memref<16384xf32, #tpu.memory_space<hbm>>
    tpu.enqueue_dma source(%arg3 : memref<16384xf32, #tpu.memory_space<vmem>>) target(%dma_start3A_187 : memref<16384xf32, #tpu.memory_space<hbm>>) target_semaphore(%arg6 : memref<!tpu.dma_semaphore, #tpu.memory_space<semaphore_mem>>)
    %add3A_188 = arith.constant 0 : i32
    %add3A_189 = arith.addi %mul3A_19, %add3A_188 : i32
    %add3A_190 = arith.constant 376832 : i32
    %add3A_191 = arith.addi %add3A_189, %add3A_190 : i32
    %dma_start3A_192 = tpu.memref_slice %arg2[%add3A_191] : memref<67108864xf32, #tpu.memory_space<hbm>> -> memref<16384xf32, #tpu.memory_space<hbm>>
    %dma_start3A_193 = tpu.memref_slice %arg2[%add3A_191] : memref<67108864xf32, #tpu.memory_space<hbm>> -> memref<16384xf32, #tpu.memory_space<hbm>>
    tpu.enqueue_dma source(%arg3 : memref<16384xf32, #tpu.memory_space<vmem>>) target(%dma_start3A_193 : memref<16384xf32, #tpu.memory_space<hbm>>) target_semaphore(%arg6 : memref<!tpu.dma_semaphore, #tpu.memory_space<semaphore_mem>>)
    %dma_wait3A_194 = tpu.memref_slice %arg2[%add3A_149] : memref<67108864xf32, #tpu.memory_space<hbm>> -> memref<16384xf32, #tpu.memory_space<hbm>>
    %dma_wait3A_195 = tpu.memref_slice %arg2[%add3A_149] : memref<67108864xf32, #tpu.memory_space<hbm>> -> memref<16384xf32, #tpu.memory_space<hbm>>
    tpu.wait_dma2 semaphore(%arg6 : memref<!tpu.dma_semaphore, #tpu.memory_space<semaphore_mem>>) src(%arg3 : memref<16384xf32, #tpu.memory_space<vmem>>) dst(%dma_wait3A_195 : memref<16384xf32, #tpu.memory_space<hbm>>)
    %dma_wait3A_196 = tpu.memref_slice %arg2[%add3A_155] : memref<67108864xf32, #tpu.memory_space<hbm>> -> memref<16384xf32, #tpu.memory_space<hbm>>
    %dma_wait3A_197 = tpu.memref_slice %arg2[%add3A_155] : memref<67108864xf32, #tpu.memory_space<hbm>> -> memref<16384xf32, #tpu.memory_space<hbm>>
    tpu.wait_dma2 semaphore(%arg6 : memref<!tpu.dma_semaphore, #tpu.memory_space<semaphore_mem>>) src(%arg3 : memref<16384xf32, #tpu.memory_space<vmem>>) dst(%dma_wait3A_197 : memref<16384xf32, #tpu.memory_space<hbm>>)
    %dma_wait3A_198 = tpu.memref_slice %arg2[%add3A_161] : memref<67108864xf32, #tpu.memory_space<hbm>> -> memref<16384xf32, #tpu.memory_space<hbm>>
    %dma_wait3A_199 = tpu.memref_slice %arg2[%add3A_161] : memref<67108864xf32, #tpu.memory_space<hbm>> -> memref<16384xf32, #tpu.memory_space<hbm>>
    tpu.wait_dma2 semaphore(%arg6 : memref<!tpu.dma_semaphore, #tpu.memory_space<semaphore_mem>>) src(%arg3 : memref<16384xf32, #tpu.memory_space<vmem>>) dst(%dma_wait3A_199 : memref<16384xf32, #tpu.memory_space<hbm>>)
    %dma_wait3A_200 = tpu.memref_slice %arg2[%add3A_167] : memref<67108864xf32, #tpu.memory_space<hbm>> -> memref<16384xf32, #tpu.memory_space<hbm>>
    %dma_wait3A_201 = tpu.memref_slice %arg2[%add3A_167] : memref<67108864xf32, #tpu.memory_space<hbm>> -> memref<16384xf32, #tpu.memory_space<hbm>>
    tpu.wait_dma2 semaphore(%arg6 : memref<!tpu.dma_semaphore, #tpu.memory_space<semaphore_mem>>) src(%arg3 : memref<16384xf32, #tpu.memory_space<vmem>>) dst(%dma_wait3A_201 : memref<16384xf32, #tpu.memory_space<hbm>>)
    %dma_wait3A_202 = tpu.memref_slice %arg2[%add3A_173] : memref<67108864xf32, #tpu.memory_space<hbm>> -> memref<16384xf32, #tpu.memory_space<hbm>>
    %dma_wait3A_203 = tpu.memref_slice %arg2[%add3A_173] : memref<67108864xf32, #tpu.memory_space<hbm>> -> memref<16384xf32, #tpu.memory_space<hbm>>
    tpu.wait_dma2 semaphore(%arg6 : memref<!tpu.dma_semaphore, #tpu.memory_space<semaphore_mem>>) src(%arg3 : memref<16384xf32, #tpu.memory_space<vmem>>) dst(%dma_wait3A_203 : memref<16384xf32, #tpu.memory_space<hbm>>)
    %dma_wait3A_204 = tpu.memref_slice %arg2[%add3A_179] : memref<67108864xf32, #tpu.memory_space<hbm>> -> memref<16384xf32, #tpu.memory_space<hbm>>
    %dma_wait3A_205 = tpu.memref_slice %arg2[%add3A_179] : memref<67108864xf32, #tpu.memory_space<hbm>> -> memref<16384xf32, #tpu.memory_space<hbm>>
    tpu.wait_dma2 semaphore(%arg6 : memref<!tpu.dma_semaphore, #tpu.memory_space<semaphore_mem>>) src(%arg3 : memref<16384xf32, #tpu.memory_space<vmem>>) dst(%dma_wait3A_205 : memref<16384xf32, #tpu.memory_space<hbm>>)
    %dma_wait3A_206 = tpu.memref_slice %arg2[%add3A_185] : memref<67108864xf32, #tpu.memory_space<hbm>> -> memref<16384xf32, #tpu.memory_space<hbm>>
    %dma_wait3A_207 = tpu.memref_slice %arg2[%add3A_185] : memref<67108864xf32, #tpu.memory_space<hbm>> -> memref<16384xf32, #tpu.memory_space<hbm>>
    tpu.wait_dma2 semaphore(%arg6 : memref<!tpu.dma_semaphore, #tpu.memory_space<semaphore_mem>>) src(%arg3 : memref<16384xf32, #tpu.memory_space<vmem>>) dst(%dma_wait3A_207 : memref<16384xf32, #tpu.memory_space<hbm>>)
    %dma_wait3A_208 = tpu.memref_slice %arg2[%add3A_191] : memref<67108864xf32, #tpu.memory_space<hbm>> -> memref<16384xf32, #tpu.memory_space<hbm>>
    %dma_wait3A_209 = tpu.memref_slice %arg2[%add3A_191] : memref<67108864xf32, #tpu.memory_space<hbm>> -> memref<16384xf32, #tpu.memory_space<hbm>>
    tpu.wait_dma2 semaphore(%arg6 : memref<!tpu.dma_semaphore, #tpu.memory_space<semaphore_mem>>) src(%arg3 : memref<16384xf32, #tpu.memory_space<vmem>>) dst(%dma_wait3A_209 : memref<16384xf32, #tpu.memory_space<hbm>>)
    %add3A_210 = arith.constant 0 : i32
    %add3A_211 = arith.addi %mul3A_19, %add3A_210 : i32
    %add3A_212 = arith.constant 393216 : i32
    %add3A_213 = arith.addi %add3A_211, %add3A_212 : i32
    %dma_start3A_214 = tpu.memref_slice %arg2[%add3A_213] : memref<67108864xf32, #tpu.memory_space<hbm>> -> memref<16384xf32, #tpu.memory_space<hbm>>
    %dma_start3A_215 = tpu.memref_slice %arg2[%add3A_213] : memref<67108864xf32, #tpu.memory_space<hbm>> -> memref<16384xf32, #tpu.memory_space<hbm>>
    tpu.enqueue_dma source(%arg3 : memref<16384xf32, #tpu.memory_space<vmem>>) target(%dma_start3A_215 : memref<16384xf32, #tpu.memory_space<hbm>>) target_semaphore(%arg6 : memref<!tpu.dma_semaphore, #tpu.memory_space<semaphore_mem>>)
    %add3A_216 = arith.constant 0 : i32
    %add3A_217 = arith.addi %mul3A_19, %add3A_216 : i32
    %add3A_218 = arith.constant 409600 : i32
    %add3A_219 = arith.addi %add3A_217, %add3A_218 : i32
    %dma_start3A_220 = tpu.memref_slice %arg2[%add3A_219] : memref<67108864xf32, #tpu.memory_space<hbm>> -> memref<16384xf32, #tpu.memory_space<hbm>>
    %dma_start3A_221 = tpu.memref_slice %arg2[%add3A_219] : memref<67108864xf32, #tpu.memory_space<hbm>> -> memref<16384xf32, #tpu.memory_space<hbm>>
    tpu.enqueue_dma source(%arg3 : memref<16384xf32, #tpu.memory_space<vmem>>) target(%dma_start3A_221 : memref<16384xf32, #tpu.memory_space<hbm>>) target_semaphore(%arg6 : memref<!tpu.dma_semaphore, #tpu.memory_space<semaphore_mem>>)
    %add3A_222 = arith.constant 0 : i32
    %add3A_223 = arith.addi %mul3A_19, %add3A_222 : i32
    %add3A_224 = arith.constant 425984 : i32
    %add3A_225 = arith.addi %add3A_223, %add3A_224 : i32
    %dma_start3A_226 = tpu.memref_slice %arg2[%add3A_225] : memref<67108864xf32, #tpu.memory_space<hbm>> -> memref<16384xf32, #tpu.memory_space<hbm>>
    %dma_start3A_227 = tpu.memref_slice %arg2[%add3A_225] : memref<67108864xf32, #tpu.memory_space<hbm>> -> memref<16384xf32, #tpu.memory_space<hbm>>
    tpu.enqueue_dma source(%arg3 : memref<16384xf32, #tpu.memory_space<vmem>>) target(%dma_start3A_227 : memref<16384xf32, #tpu.memory_space<hbm>>) target_semaphore(%arg6 : memref<!tpu.dma_semaphore, #tpu.memory_space<semaphore_mem>>)
    %add3A_228 = arith.constant 0 : i32
    %add3A_229 = arith.addi %mul3A_19, %add3A_228 : i32
    %add3A_230 = arith.constant 442368 : i32
    %add3A_231 = arith.addi %add3A_229, %add3A_230 : i32
    %dma_start3A_232 = tpu.memref_slice %arg2[%add3A_231] : memref<67108864xf32, #tpu.memory_space<hbm>> -> memref<16384xf32, #tpu.memory_space<hbm>>
    %dma_start3A_233 = tpu.memref_slice %arg2[%add3A_231] : memref<67108864xf32, #tpu.memory_space<hbm>> -> memref<16384xf32, #tpu.memory_space<hbm>>
    tpu.enqueue_dma source(%arg3 : memref<16384xf32, #tpu.memory_space<vmem>>) target(%dma_start3A_233 : memref<16384xf32, #tpu.memory_space<hbm>>) target_semaphore(%arg6 : memref<!tpu.dma_semaphore, #tpu.memory_space<semaphore_mem>>)
    %add3A_234 = arith.constant 0 : i32
    %add3A_235 = arith.addi %mul3A_19, %add3A_234 : i32
    %add3A_236 = arith.constant 458752 : i32
    %add3A_237 = arith.addi %add3A_235, %add3A_236 : i32
    %dma_start3A_238 = tpu.memref_slice %arg2[%add3A_237] : memref<67108864xf32, #tpu.memory_space<hbm>> -> memref<16384xf32, #tpu.memory_space<hbm>>
    %dma_start3A_239 = tpu.memref_slice %arg2[%add3A_237] : memref<67108864xf32, #tpu.memory_space<hbm>> -> memref<16384xf32, #tpu.memory_space<hbm>>
    tpu.enqueue_dma source(%arg3 : memref<16384xf32, #tpu.memory_space<vmem>>) target(%dma_start3A_239 : memref<16384xf32, #tpu.memory_space<hbm>>) target_semaphore(%arg6 : memref<!tpu.dma_semaphore, #tpu.memory_space<semaphore_mem>>)
    %add3A_240 = arith.constant 0 : i32
    %add3A_241 = arith.addi %mul3A_19, %add3A_240 : i32
    %add3A_242 = arith.constant 475136 : i32
    %add3A_243 = arith.addi %add3A_241, %add3A_242 : i32
    %dma_start3A_244 = tpu.memref_slice %arg2[%add3A_243] : memref<67108864xf32, #tpu.memory_space<hbm>> -> memref<16384xf32, #tpu.memory_space<hbm>>
    %dma_start3A_245 = tpu.memref_slice %arg2[%add3A_243] : memref<67108864xf32, #tpu.memory_space<hbm>> -> memref<16384xf32, #tpu.memory_space<hbm>>
    tpu.enqueue_dma source(%arg3 : memref<16384xf32, #tpu.memory_space<vmem>>) target(%dma_start3A_245 : memref<16384xf32, #tpu.memory_space<hbm>>) target_semaphore(%arg6 : memref<!tpu.dma_semaphore, #tpu.memory_space<semaphore_mem>>)
    %add3A_246 = arith.constant 0 : i32
    %add3A_247 = arith.addi %mul3A_19, %add3A_246 : i32
    %add3A_248 = arith.constant 491520 : i32
    %add3A_249 = arith.addi %add3A_247, %add3A_248 : i32
    %dma_start3A_250 = tpu.memref_slice %arg2[%add3A_249] : memref<67108864xf32, #tpu.memory_space<hbm>> -> memref<16384xf32, #tpu.memory_space<hbm>>
    %dma_start3A_251 = tpu.memref_slice %arg2[%add3A_249] : memref<67108864xf32, #tpu.memory_space<hbm>> -> memref<16384xf32, #tpu.memory_space<hbm>>
    tpu.enqueue_dma source(%arg3 : memref<16384xf32, #tpu.memory_space<vmem>>) target(%dma_start3A_251 : memref<16384xf32, #tpu.memory_space<hbm>>) target_semaphore(%arg6 : memref<!tpu.dma_semaphore, #tpu.memory_space<semaphore_mem>>)
    %add3A_252 = arith.constant 0 : i32
    %add3A_253 = arith.addi %mul3A_19, %add3A_252 : i32
    %add3A_254 = arith.constant 507904 : i32
    %add3A_255 = arith.addi %add3A_253, %add3A_254 : i32
    %dma_start3A_256 = tpu.memref_slice %arg2[%add3A_255] : memref<67108864xf32, #tpu.memory_space<hbm>> -> memref<16384xf32, #tpu.memory_space<hbm>>
    %dma_start3A_257 = tpu.memref_slice %arg2[%add3A_255] : memref<67108864xf32, #tpu.memory_space<hbm>> -> memref<16384xf32, #tpu.memory_space<hbm>>
    tpu.enqueue_dma source(%arg3 : memref<16384xf32, #tpu.memory_space<vmem>>) target(%dma_start3A_257 : memref<16384xf32, #tpu.memory_space<hbm>>) target_semaphore(%arg6 : memref<!tpu.dma_semaphore, #tpu.memory_space<semaphore_mem>>)
    %dma_wait3A_258 = tpu.memref_slice %arg2[%add3A_213] : memref<67108864xf32, #tpu.memory_space<hbm>> -> memref<16384xf32, #tpu.memory_space<hbm>>
    %dma_wait3A_259 = tpu.memref_slice %arg2[%add3A_213] : memref<67108864xf32, #tpu.memory_space<hbm>> -> memref<16384xf32, #tpu.memory_space<hbm>>
    tpu.wait_dma2 semaphore(%arg6 : memref<!tpu.dma_semaphore, #tpu.memory_space<semaphore_mem>>) src(%arg3 : memref<16384xf32, #tpu.memory_space<vmem>>) dst(%dma_wait3A_259 : memref<16384xf32, #tpu.memory_space<hbm>>)
    %dma_wait3A_260 = tpu.memref_slice %arg2[%add3A_219] : memref<67108864xf32, #tpu.memory_space<hbm>> -> memref<16384xf32, #tpu.memory_space<hbm>>
    %dma_wait3A_261 = tpu.memref_slice %arg2[%add3A_219] : memref<67108864xf32, #tpu.memory_space<hbm>> -> memref<16384xf32, #tpu.memory_space<hbm>>
    tpu.wait_dma2 semaphore(%arg6 : memref<!tpu.dma_semaphore, #tpu.memory_space<semaphore_mem>>) src(%arg3 : memref<16384xf32, #tpu.memory_space<vmem>>) dst(%dma_wait3A_261 : memref<16384xf32, #tpu.memory_space<hbm>>)
    %dma_wait3A_262 = tpu.memref_slice %arg2[%add3A_225] : memref<67108864xf32, #tpu.memory_space<hbm>> -> memref<16384xf32, #tpu.memory_space<hbm>>
    %dma_wait3A_263 = tpu.memref_slice %arg2[%add3A_225] : memref<67108864xf32, #tpu.memory_space<hbm>> -> memref<16384xf32, #tpu.memory_space<hbm>>
    tpu.wait_dma2 semaphore(%arg6 : memref<!tpu.dma_semaphore, #tpu.memory_space<semaphore_mem>>) src(%arg3 : memref<16384xf32, #tpu.memory_space<vmem>>) dst(%dma_wait3A_263 : memref<16384xf32, #tpu.memory_space<hbm>>)
    %dma_wait3A_264 = tpu.memref_slice %arg2[%add3A_231] : memref<67108864xf32, #tpu.memory_space<hbm>> -> memref<16384xf32, #tpu.memory_space<hbm>>
    %dma_wait3A_265 = tpu.memref_slice %arg2[%add3A_231] : memref<67108864xf32, #tpu.memory_space<hbm>> -> memref<16384xf32, #tpu.memory_space<hbm>>
    tpu.wait_dma2 semaphore(%arg6 : memref<!tpu.dma_semaphore, #tpu.memory_space<semaphore_mem>>) src(%arg3 : memref<16384xf32, #tpu.memory_space<vmem>>) dst(%dma_wait3A_265 : memref<16384xf32, #tpu.memory_space<hbm>>)
    %dma_wait3A_266 = tpu.memref_slice %arg2[%add3A_237] : memref<67108864xf32, #tpu.memory_space<hbm>> -> memref<16384xf32, #tpu.memory_space<hbm>>
    %dma_wait3A_267 = tpu.memref_slice %arg2[%add3A_237] : memref<67108864xf32, #tpu.memory_space<hbm>> -> memref<16384xf32, #tpu.memory_space<hbm>>
    tpu.wait_dma2 semaphore(%arg6 : memref<!tpu.dma_semaphore, #tpu.memory_space<semaphore_mem>>) src(%arg3 : memref<16384xf32, #tpu.memory_space<vmem>>) dst(%dma_wait3A_267 : memref<16384xf32, #tpu.memory_space<hbm>>)
    %dma_wait3A_268 = tpu.memref_slice %arg2[%add3A_243] : memref<67108864xf32, #tpu.memory_space<hbm>> -> memref<16384xf32, #tpu.memory_space<hbm>>
    %dma_wait3A_269 = tpu.memref_slice %arg2[%add3A_243] : memref<67108864xf32, #tpu.memory_space<hbm>> -> memref<16384xf32, #tpu.memory_space<hbm>>
    tpu.wait_dma2 semaphore(%arg6 : memref<!tpu.dma_semaphore, #tpu.memory_space<semaphore_mem>>) src(%arg3 : memref<16384xf32, #tpu.memory_space<vmem>>) dst(%dma_wait3A_269 : memref<16384xf32, #tpu.memory_space<hbm>>)
    %dma_wait3A_270 = tpu.memref_slice %arg2[%add3A_249] : memref<67108864xf32, #tpu.memory_space<hbm>> -> memref<16384xf32, #tpu.memory_space<hbm>>
    %dma_wait3A_271 = tpu.memref_slice %arg2[%add3A_249] : memref<67108864xf32, #tpu.memory_space<hbm>> -> memref<16384xf32, #tpu.memory_space<hbm>>
    tpu.wait_dma2 semaphore(%arg6 : memref<!tpu.dma_semaphore, #tpu.memory_space<semaphore_mem>>) src(%arg3 : memref<16384xf32, #tpu.memory_space<vmem>>) dst(%dma_wait3A_271 : memref<16384xf32, #tpu.memory_space<hbm>>)
    %dma_wait3A_272 = tpu.memref_slice %arg2[%add3A_255] : memref<67108864xf32, #tpu.memory_space<hbm>> -> memref<16384xf32, #tpu.memory_space<hbm>>
    %dma_wait3A_273 = tpu.memref_slice %arg2[%add3A_255] : memref<67108864xf32, #tpu.memory_space<hbm>> -> memref<16384xf32, #tpu.memory_space<hbm>>
    tpu.wait_dma2 semaphore(%arg6 : memref<!tpu.dma_semaphore, #tpu.memory_space<semaphore_mem>>) src(%arg3 : memref<16384xf32, #tpu.memory_space<vmem>>) dst(%dma_wait3A_273 : memref<16384xf32, #tpu.memory_space<hbm>>)
    %add3A_274 = arith.constant 0 : i32
    %add3A_275 = arith.addi %mul3A_19, %add3A_274 : i32
    %add3A_276 = arith.constant 524288 : i32
    %add3A_277 = arith.addi %add3A_275, %add3A_276 : i32
    %dma_start3A_278 = tpu.memref_slice %arg2[%add3A_277] : memref<67108864xf32, #tpu.memory_space<hbm>> -> memref<16384xf32, #tpu.memory_space<hbm>>
    %dma_start3A_279 = tpu.memref_slice %arg2[%add3A_277] : memref<67108864xf32, #tpu.memory_space<hbm>> -> memref<16384xf32, #tpu.memory_space<hbm>>
    tpu.enqueue_dma source(%arg5 : memref<16384xf32, #tpu.memory_space<vmem>>) target(%dma_start3A_279 : memref<16384xf32, #tpu.memory_space<hbm>>) target_semaphore(%arg6 : memref<!tpu.dma_semaphore, #tpu.memory_space<semaphore_mem>>)
    %add3A_280 = arith.constant 0 : i32
    %add3A_281 = arith.addi %mul3A_19, %add3A_280 : i32
    %add3A_282 = arith.constant 540672 : i32
    %add3A_283 = arith.addi %add3A_281, %add3A_282 : i32
    %dma_start3A_284 = tpu.memref_slice %arg2[%add3A_283] : memref<67108864xf32, #tpu.memory_space<hbm>> -> memref<16384xf32, #tpu.memory_space<hbm>>
    %dma_start3A_285 = tpu.memref_slice %arg2[%add3A_283] : memref<67108864xf32, #tpu.memory_space<hbm>> -> memref<16384xf32, #tpu.memory_space<hbm>>
    tpu.enqueue_dma source(%arg4 : memref<16384xf32, #tpu.memory_space<vmem>>) target(%dma_start3A_285 : memref<16384xf32, #tpu.memory_space<hbm>>) target_semaphore(%arg6 : memref<!tpu.dma_semaphore, #tpu.memory_space<semaphore_mem>>)
    %add3A_286 = arith.constant 0 : i32
    %add3A_287 = arith.addi %mul3A_19, %add3A_286 : i32
    %add3A_288 = arith.constant 557056 : i32
    %add3A_289 = arith.addi %add3A_287, %add3A_288 : i32
    %dma_start3A_290 = tpu.memref_slice %arg2[%add3A_289] : memref<67108864xf32, #tpu.memory_space<hbm>> -> memref<16384xf32, #tpu.memory_space<hbm>>
    %dma_start3A_291 = tpu.memref_slice %arg2[%add3A_289] : memref<67108864xf32, #tpu.memory_space<hbm>> -> memref<16384xf32, #tpu.memory_space<hbm>>
    tpu.enqueue_dma source(%arg4 : memref<16384xf32, #tpu.memory_space<vmem>>) target(%dma_start3A_291 : memref<16384xf32, #tpu.memory_space<hbm>>) target_semaphore(%arg6 : memref<!tpu.dma_semaphore, #tpu.memory_space<semaphore_mem>>)
    %add3A_292 = arith.constant 0 : i32
    %add3A_293 = arith.addi %mul3A_19, %add3A_292 : i32
    %add3A_294 = arith.constant 573440 : i32
    %add3A_295 = arith.addi %add3A_293, %add3A_294 : i32
    %dma_start3A_296 = tpu.memref_slice %arg2[%add3A_295] : memref<67108864xf32, #tpu.memory_space<hbm>> -> memref<16384xf32, #tpu.memory_space<hbm>>
    %dma_start3A_297 = tpu.memref_slice %arg2[%add3A_295] : memref<67108864xf32, #tpu.memory_space<hbm>> -> memref<16384xf32, #tpu.memory_space<hbm>>
    tpu.enqueue_dma source(%arg4 : memref<16384xf32, #tpu.memory_space<vmem>>) target(%dma_start3A_297 : memref<16384xf32, #tpu.memory_space<hbm>>) target_semaphore(%arg6 : memref<!tpu.dma_semaphore, #tpu.memory_space<semaphore_mem>>)
    %add3A_298 = arith.constant 0 : i32
    %add3A_299 = arith.addi %mul3A_19, %add3A_298 : i32
    %add3A_300 = arith.constant 589824 : i32
    %add3A_301 = arith.addi %add3A_299, %add3A_300 : i32
    %dma_start3A_302 = tpu.memref_slice %arg2[%add3A_301] : memref<67108864xf32, #tpu.memory_space<hbm>> -> memref<16384xf32, #tpu.memory_space<hbm>>
    %dma_start3A_303 = tpu.memref_slice %arg2[%add3A_301] : memref<67108864xf32, #tpu.memory_space<hbm>> -> memref<16384xf32, #tpu.memory_space<hbm>>
    tpu.enqueue_dma source(%arg4 : memref<16384xf32, #tpu.memory_space<vmem>>) target(%dma_start3A_303 : memref<16384xf32, #tpu.memory_space<hbm>>) target_semaphore(%arg6 : memref<!tpu.dma_semaphore, #tpu.memory_space<semaphore_mem>>)
    %add3A_304 = arith.constant 0 : i32
    %add3A_305 = arith.addi %mul3A_19, %add3A_304 : i32
    %add3A_306 = arith.constant 606208 : i32
    %add3A_307 = arith.addi %add3A_305, %add3A_306 : i32
    %dma_start3A_308 = tpu.memref_slice %arg2[%add3A_307] : memref<67108864xf32, #tpu.memory_space<hbm>> -> memref<16384xf32, #tpu.memory_space<hbm>>
    %dma_start3A_309 = tpu.memref_slice %arg2[%add3A_307] : memref<67108864xf32, #tpu.memory_space<hbm>> -> memref<16384xf32, #tpu.memory_space<hbm>>
    tpu.enqueue_dma source(%arg4 : memref<16384xf32, #tpu.memory_space<vmem>>) target(%dma_start3A_309 : memref<16384xf32, #tpu.memory_space<hbm>>) target_semaphore(%arg6 : memref<!tpu.dma_semaphore, #tpu.memory_space<semaphore_mem>>)
    %add3A_310 = arith.constant 0 : i32
    %add3A_311 = arith.addi %mul3A_19, %add3A_310 : i32
    %add3A_312 = arith.constant 622592 : i32
    %add3A_313 = arith.addi %add3A_311, %add3A_312 : i32
    %dma_start3A_314 = tpu.memref_slice %arg2[%add3A_313] : memref<67108864xf32, #tpu.memory_space<hbm>> -> memref<16384xf32, #tpu.memory_space<hbm>>
    %dma_start3A_315 = tpu.memref_slice %arg2[%add3A_313] : memref<67108864xf32, #tpu.memory_space<hbm>> -> memref<16384xf32, #tpu.memory_space<hbm>>
    tpu.enqueue_dma source(%arg4 : memref<16384xf32, #tpu.memory_space<vmem>>) target(%dma_start3A_315 : memref<16384xf32, #tpu.memory_space<hbm>>) target_semaphore(%arg6 : memref<!tpu.dma_semaphore, #tpu.memory_space<semaphore_mem>>)
    %add3A_316 = arith.constant 0 : i32
    %add3A_317 = arith.addi %mul3A_19, %add3A_316 : i32
    %add3A_318 = arith.constant 638976 : i32
    %add3A_319 = arith.addi %add3A_317, %add3A_318 : i32
    %dma_start3A_320 = tpu.memref_slice %arg2[%add3A_319] : memref<67108864xf32, #tpu.memory_space<hbm>> -> memref<16384xf32, #tpu.memory_space<hbm>>
    %dma_start3A_321 = tpu.memref_slice %arg2[%add3A_319] : memref<67108864xf32, #tpu.memory_space<hbm>> -> memref<16384xf32, #tpu.memory_space<hbm>>
    tpu.enqueue_dma source(%arg4 : memref<16384xf32, #tpu.memory_space<vmem>>) target(%dma_start3A_321 : memref<16384xf32, #tpu.memory_space<hbm>>) target_semaphore(%arg6 : memref<!tpu.dma_semaphore, #tpu.memory_space<semaphore_mem>>)
    %dma_wait3A_322 = tpu.memref_slice %arg2[%add3A_277] : memref<67108864xf32, #tpu.memory_space<hbm>> -> memref<16384xf32, #tpu.memory_space<hbm>>
    %dma_wait3A_323 = tpu.memref_slice %arg2[%add3A_277] : memref<67108864xf32, #tpu.memory_space<hbm>> -> memref<16384xf32, #tpu.memory_space<hbm>>
    tpu.wait_dma2 semaphore(%arg6 : memref<!tpu.dma_semaphore, #tpu.memory_space<semaphore_mem>>) src(%arg5 : memref<16384xf32, #tpu.memory_space<vmem>>) dst(%dma_wait3A_323 : memref<16384xf32, #tpu.memory_space<hbm>>)
    %dma_wait3A_324 = tpu.memref_slice %arg2[%add3A_283] : memref<67108864xf32, #tpu.memory_space<hbm>> -> memref<16384xf32, #tpu.memory_space<hbm>>
    %dma_wait3A_325 = tpu.memref_slice %arg2[%add3A_283] : memref<67108864xf32, #tpu.memory_space<hbm>> -> memref<16384xf32, #tpu.memory_space<hbm>>
    tpu.wait_dma2 semaphore(%arg6 : memref<!tpu.dma_semaphore, #tpu.memory_space<semaphore_mem>>) src(%arg4 : memref<16384xf32, #tpu.memory_space<vmem>>) dst(%dma_wait3A_325 : memref<16384xf32, #tpu.memory_space<hbm>>)
    %dma_wait3A_326 = tpu.memref_slice %arg2[%add3A_289] : memref<67108864xf32, #tpu.memory_space<hbm>> -> memref<16384xf32, #tpu.memory_space<hbm>>
    %dma_wait3A_327 = tpu.memref_slice %arg2[%add3A_289] : memref<67108864xf32, #tpu.memory_space<hbm>> -> memref<16384xf32, #tpu.memory_space<hbm>>
    tpu.wait_dma2 semaphore(%arg6 : memref<!tpu.dma_semaphore, #tpu.memory_space<semaphore_mem>>) src(%arg4 : memref<16384xf32, #tpu.memory_space<vmem>>) dst(%dma_wait3A_327 : memref<16384xf32, #tpu.memory_space<hbm>>)
    %dma_wait3A_328 = tpu.memref_slice %arg2[%add3A_295] : memref<67108864xf32, #tpu.memory_space<hbm>> -> memref<16384xf32, #tpu.memory_space<hbm>>
    %dma_wait3A_329 = tpu.memref_slice %arg2[%add3A_295] : memref<67108864xf32, #tpu.memory_space<hbm>> -> memref<16384xf32, #tpu.memory_space<hbm>>
    tpu.wait_dma2 semaphore(%arg6 : memref<!tpu.dma_semaphore, #tpu.memory_space<semaphore_mem>>) src(%arg4 : memref<16384xf32, #tpu.memory_space<vmem>>) dst(%dma_wait3A_329 : memref<16384xf32, #tpu.memory_space<hbm>>)
    %dma_wait3A_330 = tpu.memref_slice %arg2[%add3A_301] : memref<67108864xf32, #tpu.memory_space<hbm>> -> memref<16384xf32, #tpu.memory_space<hbm>>
    %dma_wait3A_331 = tpu.memref_slice %arg2[%add3A_301] : memref<67108864xf32, #tpu.memory_space<hbm>> -> memref<16384xf32, #tpu.memory_space<hbm>>
    tpu.wait_dma2 semaphore(%arg6 : memref<!tpu.dma_semaphore, #tpu.memory_space<semaphore_mem>>) src(%arg4 : memref<16384xf32, #tpu.memory_space<vmem>>) dst(%dma_wait3A_331 : memref<16384xf32, #tpu.memory_space<hbm>>)
    %dma_wait3A_332 = tpu.memref_slice %arg2[%add3A_307] : memref<67108864xf32, #tpu.memory_space<hbm>> -> memref<16384xf32, #tpu.memory_space<hbm>>
    %dma_wait3A_333 = tpu.memref_slice %arg2[%add3A_307] : memref<67108864xf32, #tpu.memory_space<hbm>> -> memref<16384xf32, #tpu.memory_space<hbm>>
    tpu.wait_dma2 semaphore(%arg6 : memref<!tpu.dma_semaphore, #tpu.memory_space<semaphore_mem>>) src(%arg4 : memref<16384xf32, #tpu.memory_space<vmem>>) dst(%dma_wait3A_333 : memref<16384xf32, #tpu.memory_space<hbm>>)
    %dma_wait3A_334 = tpu.memref_slice %arg2[%add3A_313] : memref<67108864xf32, #tpu.memory_space<hbm>> -> memref<16384xf32, #tpu.memory_space<hbm>>
    %dma_wait3A_335 = tpu.memref_slice %arg2[%add3A_313] : memref<67108864xf32, #tpu.memory_space<hbm>> -> memref<16384xf32, #tpu.memory_space<hbm>>
    tpu.wait_dma2 semaphore(%arg6 : memref<!tpu.dma_semaphore, #tpu.memory_space<semaphore_mem>>) src(%arg4 : memref<16384xf32, #tpu.memory_space<vmem>>) dst(%dma_wait3A_335 : memref<16384xf32, #tpu.memory_space<hbm>>)
    %dma_wait3A_336 = tpu.memref_slice %arg2[%add3A_319] : memref<67108864xf32, #tpu.memory_space<hbm>> -> memref<16384xf32, #tpu.memory_space<hbm>>
    %dma_wait3A_337 = tpu.memref_slice %arg2[%add3A_319] : memref<67108864xf32, #tpu.memory_space<hbm>> -> memref<16384xf32, #tpu.memory_space<hbm>>
    tpu.wait_dma2 semaphore(%arg6 : memref<!tpu.dma_semaphore, #tpu.memory_space<semaphore_mem>>) src(%arg4 : memref<16384xf32, #tpu.memory_space<vmem>>) dst(%dma_wait3A_337 : memref<16384xf32, #tpu.memory_space<hbm>>)
    %add3A_338 = arith.constant 0 : i32
    %add3A_339 = arith.addi %mul3A_19, %add3A_338 : i32
    %add3A_340 = arith.constant 655360 : i32
    %add3A_341 = arith.addi %add3A_339, %add3A_340 : i32
    %dma_start3A_342 = tpu.memref_slice %arg2[%add3A_341] : memref<67108864xf32, #tpu.memory_space<hbm>> -> memref<16384xf32, #tpu.memory_space<hbm>>
    %dma_start3A_343 = tpu.memref_slice %arg2[%add3A_341] : memref<67108864xf32, #tpu.memory_space<hbm>> -> memref<16384xf32, #tpu.memory_space<hbm>>
    tpu.enqueue_dma source(%arg4 : memref<16384xf32, #tpu.memory_space<vmem>>) target(%dma_start3A_343 : memref<16384xf32, #tpu.memory_space<hbm>>) target_semaphore(%arg6 : memref<!tpu.dma_semaphore, #tpu.memory_space<semaphore_mem>>)
    %add3A_344 = arith.constant 0 : i32
    %add3A_345 = arith.addi %mul3A_19, %add3A_344 : i32
    %add3A_346 = arith.constant 671744 : i32
    %add3A_347 = arith.addi %add3A_345, %add3A_346 : i32
    %dma_start3A_348 = tpu.memref_slice %arg2[%add3A_347] : memref<67108864xf32, #tpu.memory_space<hbm>> -> memref<16384xf32, #tpu.memory_space<hbm>>
    %dma_start3A_349 = tpu.memref_slice %arg2[%add3A_347] : memref<67108864xf32, #tpu.memory_space<hbm>> -> memref<16384xf32, #tpu.memory_space<hbm>>
    tpu.enqueue_dma source(%arg4 : memref<16384xf32, #tpu.memory_space<vmem>>) target(%dma_start3A_349 : memref<16384xf32, #tpu.memory_space<hbm>>) target_semaphore(%arg6 : memref<!tpu.dma_semaphore, #tpu.memory_space<semaphore_mem>>)
    %add3A_350 = arith.constant 0 : i32
    %add3A_351 = arith.addi %mul3A_19, %add3A_350 : i32
    %add3A_352 = arith.constant 688128 : i32
    %add3A_353 = arith.addi %add3A_351, %add3A_352 : i32
    %dma_start3A_354 = tpu.memref_slice %arg2[%add3A_353] : memref<67108864xf32, #tpu.memory_space<hbm>> -> memref<16384xf32, #tpu.memory_space<hbm>>
    %dma_start3A_355 = tpu.memref_slice %arg2[%add3A_353] : memref<67108864xf32, #tpu.memory_space<hbm>> -> memref<16384xf32, #tpu.memory_space<hbm>>
    tpu.enqueue_dma source(%arg4 : memref<16384xf32, #tpu.memory_space<vmem>>) target(%dma_start3A_355 : memref<16384xf32, #tpu.memory_space<hbm>>) target_semaphore(%arg6 : memref<!tpu.dma_semaphore, #tpu.memory_space<semaphore_mem>>)
    %add3A_356 = arith.constant 0 : i32
    %add3A_357 = arith.addi %mul3A_19, %add3A_356 : i32
    %add3A_358 = arith.constant 704512 : i32
    %add3A_359 = arith.addi %add3A_357, %add3A_358 : i32
    %dma_start3A_360 = tpu.memref_slice %arg2[%add3A_359] : memref<67108864xf32, #tpu.memory_space<hbm>> -> memref<16384xf32, #tpu.memory_space<hbm>>
    %dma_start3A_361 = tpu.memref_slice %arg2[%add3A_359] : memref<67108864xf32, #tpu.memory_space<hbm>> -> memref<16384xf32, #tpu.memory_space<hbm>>
    tpu.enqueue_dma source(%arg4 : memref<16384xf32, #tpu.memory_space<vmem>>) target(%dma_start3A_361 : memref<16384xf32, #tpu.memory_space<hbm>>) target_semaphore(%arg6 : memref<!tpu.dma_semaphore, #tpu.memory_space<semaphore_mem>>)
    %add3A_362 = arith.constant 0 : i32
    %add3A_363 = arith.addi %mul3A_19, %add3A_362 : i32
    %add3A_364 = arith.constant 720896 : i32
    %add3A_365 = arith.addi %add3A_363, %add3A_364 : i32
    %dma_start3A_366 = tpu.memref_slice %arg2[%add3A_365] : memref<67108864xf32, #tpu.memory_space<hbm>> -> memref<16384xf32, #tpu.memory_space<hbm>>
    %dma_start3A_367 = tpu.memref_slice %arg2[%add3A_365] : memref<67108864xf32, #tpu.memory_space<hbm>> -> memref<16384xf32, #tpu.memory_space<hbm>>
    tpu.enqueue_dma source(%arg4 : memref<16384xf32, #tpu.memory_space<vmem>>) target(%dma_start3A_367 : memref<16384xf32, #tpu.memory_space<hbm>>) target_semaphore(%arg6 : memref<!tpu.dma_semaphore, #tpu.memory_space<semaphore_mem>>)
    %add3A_368 = arith.constant 0 : i32
    %add3A_369 = arith.addi %mul3A_19, %add3A_368 : i32
    %add3A_370 = arith.constant 737280 : i32
    %add3A_371 = arith.addi %add3A_369, %add3A_370 : i32
    %dma_start3A_372 = tpu.memref_slice %arg2[%add3A_371] : memref<67108864xf32, #tpu.memory_space<hbm>> -> memref<16384xf32, #tpu.memory_space<hbm>>
    %dma_start3A_373 = tpu.memref_slice %arg2[%add3A_371] : memref<67108864xf32, #tpu.memory_space<hbm>> -> memref<16384xf32, #tpu.memory_space<hbm>>
    tpu.enqueue_dma source(%arg4 : memref<16384xf32, #tpu.memory_space<vmem>>) target(%dma_start3A_373 : memref<16384xf32, #tpu.memory_space<hbm>>) target_semaphore(%arg6 : memref<!tpu.dma_semaphore, #tpu.memory_space<semaphore_mem>>)
    %add3A_374 = arith.constant 0 : i32
    %add3A_375 = arith.addi %mul3A_19, %add3A_374 : i32
    %add3A_376 = arith.constant 753664 : i32
    %add3A_377 = arith.addi %add3A_375, %add3A_376 : i32
    %dma_start3A_378 = tpu.memref_slice %arg2[%add3A_377] : memref<67108864xf32, #tpu.memory_space<hbm>> -> memref<16384xf32, #tpu.memory_space<hbm>>
    %dma_start3A_379 = tpu.memref_slice %arg2[%add3A_377] : memref<67108864xf32, #tpu.memory_space<hbm>> -> memref<16384xf32, #tpu.memory_space<hbm>>
    tpu.enqueue_dma source(%arg4 : memref<16384xf32, #tpu.memory_space<vmem>>) target(%dma_start3A_379 : memref<16384xf32, #tpu.memory_space<hbm>>) target_semaphore(%arg6 : memref<!tpu.dma_semaphore, #tpu.memory_space<semaphore_mem>>)
    %add3A_380 = arith.constant 0 : i32
    %add3A_381 = arith.addi %mul3A_19, %add3A_380 : i32
    %add3A_382 = arith.constant 770048 : i32
    %add3A_383 = arith.addi %add3A_381, %add3A_382 : i32
    %dma_start3A_384 = tpu.memref_slice %arg2[%add3A_383] : memref<67108864xf32, #tpu.memory_space<hbm>> -> memref<16384xf32, #tpu.memory_space<hbm>>
    %dma_start3A_385 = tpu.memref_slice %arg2[%add3A_383] : memref<67108864xf32, #tpu.memory_space<hbm>> -> memref<16384xf32, #tpu.memory_space<hbm>>
    tpu.enqueue_dma source(%arg4 : memref<16384xf32, #tpu.memory_space<vmem>>) target(%dma_start3A_385 : memref<16384xf32, #tpu.memory_space<hbm>>) target_semaphore(%arg6 : memref<!tpu.dma_semaphore, #tpu.memory_space<semaphore_mem>>)
    %dma_wait3A_386 = tpu.memref_slice %arg2[%add3A_341] : memref<67108864xf32, #tpu.memory_space<hbm>> -> memref<16384xf32, #tpu.memory_space<hbm>>
    %dma_wait3A_387 = tpu.memref_slice %arg2[%add3A_341] : memref<67108864xf32, #tpu.memory_space<hbm>> -> memref<16384xf32, #tpu.memory_space<hbm>>
    tpu.wait_dma2 semaphore(%arg6 : memref<!tpu.dma_semaphore, #tpu.memory_space<semaphore_mem>>) src(%arg4 : memref<16384xf32, #tpu.memory_space<vmem>>) dst(%dma_wait3A_387 : memref<16384xf32, #tpu.memory_space<hbm>>)
    %dma_wait3A_388 = tpu.memref_slice %arg2[%add3A_347] : memref<67108864xf32, #tpu.memory_space<hbm>> -> memref<16384xf32, #tpu.memory_space<hbm>>
    %dma_wait3A_389 = tpu.memref_slice %arg2[%add3A_347] : memref<67108864xf32, #tpu.memory_space<hbm>> -> memref<16384xf32, #tpu.memory_space<hbm>>
    tpu.wait_dma2 semaphore(%arg6 : memref<!tpu.dma_semaphore, #tpu.memory_space<semaphore_mem>>) src(%arg4 : memref<16384xf32, #tpu.memory_space<vmem>>) dst(%dma_wait3A_389 : memref<16384xf32, #tpu.memory_space<hbm>>)
    %dma_wait3A_390 = tpu.memref_slice %arg2[%add3A_353] : memref<67108864xf32, #tpu.memory_space<hbm>> -> memref<16384xf32, #tpu.memory_space<hbm>>
    %dma_wait3A_391 = tpu.memref_slice %arg2[%add3A_353] : memref<67108864xf32, #tpu.memory_space<hbm>> -> memref<16384xf32, #tpu.memory_space<hbm>>
    tpu.wait_dma2 semaphore(%arg6 : memref<!tpu.dma_semaphore, #tpu.memory_space<semaphore_mem>>) src(%arg4 : memref<16384xf32, #tpu.memory_space<vmem>>) dst(%dma_wait3A_391 : memref<16384xf32, #tpu.memory_space<hbm>>)
    %dma_wait3A_392 = tpu.memref_slice %arg2[%add3A_359] : memref<67108864xf32, #tpu.memory_space<hbm>> -> memref<16384xf32, #tpu.memory_space<hbm>>
    %dma_wait3A_393 = tpu.memref_slice %arg2[%add3A_359] : memref<67108864xf32, #tpu.memory_space<hbm>> -> memref<16384xf32, #tpu.memory_space<hbm>>
    tpu.wait_dma2 semaphore(%arg6 : memref<!tpu.dma_semaphore, #tpu.memory_space<semaphore_mem>>) src(%arg4 : memref<16384xf32, #tpu.memory_space<vmem>>) dst(%dma_wait3A_393 : memref<16384xf32, #tpu.memory_space<hbm>>)
    %dma_wait3A_394 = tpu.memref_slice %arg2[%add3A_365] : memref<67108864xf32, #tpu.memory_space<hbm>> -> memref<16384xf32, #tpu.memory_space<hbm>>
    %dma_wait3A_395 = tpu.memref_slice %arg2[%add3A_365] : memref<67108864xf32, #tpu.memory_space<hbm>> -> memref<16384xf32, #tpu.memory_space<hbm>>
    tpu.wait_dma2 semaphore(%arg6 : memref<!tpu.dma_semaphore, #tpu.memory_space<semaphore_mem>>) src(%arg4 : memref<16384xf32, #tpu.memory_space<vmem>>) dst(%dma_wait3A_395 : memref<16384xf32, #tpu.memory_space<hbm>>)
    %dma_wait3A_396 = tpu.memref_slice %arg2[%add3A_371] : memref<67108864xf32, #tpu.memory_space<hbm>> -> memref<16384xf32, #tpu.memory_space<hbm>>
    %dma_wait3A_397 = tpu.memref_slice %arg2[%add3A_371] : memref<67108864xf32, #tpu.memory_space<hbm>> -> memref<16384xf32, #tpu.memory_space<hbm>>
    tpu.wait_dma2 semaphore(%arg6 : memref<!tpu.dma_semaphore, #tpu.memory_space<semaphore_mem>>) src(%arg4 : memref<16384xf32, #tpu.memory_space<vmem>>) dst(%dma_wait3A_397 : memref<16384xf32, #tpu.memory_space<hbm>>)
    %dma_wait3A_398 = tpu.memref_slice %arg2[%add3A_377] : memref<67108864xf32, #tpu.memory_space<hbm>> -> memref<16384xf32, #tpu.memory_space<hbm>>
    %dma_wait3A_399 = tpu.memref_slice %arg2[%add3A_377] : memref<67108864xf32, #tpu.memory_space<hbm>> -> memref<16384xf32, #tpu.memory_space<hbm>>
    tpu.wait_dma2 semaphore(%arg6 : memref<!tpu.dma_semaphore, #tpu.memory_space<semaphore_mem>>) src(%arg4 : memref<16384xf32, #tpu.memory_space<vmem>>) dst(%dma_wait3A_399 : memref<16384xf32, #tpu.memory_space<hbm>>)
    %dma_wait3A_400 = tpu.memref_slice %arg2[%add3A_383] : memref<67108864xf32, #tpu.memory_space<hbm>> -> memref<16384xf32, #tpu.memory_space<hbm>>
    %dma_wait3A_401 = tpu.memref_slice %arg2[%add3A_383] : memref<67108864xf32, #tpu.memory_space<hbm>> -> memref<16384xf32, #tpu.memory_space<hbm>>
    tpu.wait_dma2 semaphore(%arg6 : memref<!tpu.dma_semaphore, #tpu.memory_space<semaphore_mem>>) src(%arg4 : memref<16384xf32, #tpu.memory_space<vmem>>) dst(%dma_wait3A_401 : memref<16384xf32, #tpu.memory_space<hbm>>)
    %add3A_402 = arith.constant 0 : i32
    %add3A_403 = arith.addi %mul3A_19, %add3A_402 : i32
    %add3A_404 = arith.constant 786432 : i32
    %add3A_405 = arith.addi %add3A_403, %add3A_404 : i32
    %dma_start3A_406 = tpu.memref_slice %arg2[%add3A_405] : memref<67108864xf32, #tpu.memory_space<hbm>> -> memref<16384xf32, #tpu.memory_space<hbm>>
    %dma_start3A_407 = tpu.memref_slice %arg2[%add3A_405] : memref<67108864xf32, #tpu.memory_space<hbm>> -> memref<16384xf32, #tpu.memory_space<hbm>>
    tpu.enqueue_dma source(%arg4 : memref<16384xf32, #tpu.memory_space<vmem>>) target(%dma_start3A_407 : memref<16384xf32, #tpu.memory_space<hbm>>) target_semaphore(%arg6 : memref<!tpu.dma_semaphore, #tpu.memory_space<semaphore_mem>>)
    %add3A_408 = arith.constant 0 : i32
    %add3A_409 = arith.addi %mul3A_19, %add3A_408 : i32
    %add3A_410 = arith.constant 802816 : i32
    %add3A_411 = arith.addi %add3A_409, %add3A_410 : i32
    %dma_start3A_412 = tpu.memref_slice %arg2[%add3A_411] : memref<67108864xf32, #tpu.memory_space<hbm>> -> memref<16384xf32, #tpu.memory_space<hbm>>
    %dma_start3A_413 = tpu.memref_slice %arg2[%add3A_411] : memref<67108864xf32, #tpu.memory_space<hbm>> -> memref<16384xf32, #tpu.memory_space<hbm>>
    tpu.enqueue_dma source(%arg4 : memref<16384xf32, #tpu.memory_space<vmem>>) target(%dma_start3A_413 : memref<16384xf32, #tpu.memory_space<hbm>>) target_semaphore(%arg6 : memref<!tpu.dma_semaphore, #tpu.memory_space<semaphore_mem>>)
    %add3A_414 = arith.constant 0 : i32
    %add3A_415 = arith.addi %mul3A_19, %add3A_414 : i32
    %add3A_416 = arith.constant 819200 : i32
    %add3A_417 = arith.addi %add3A_415, %add3A_416 : i32
    %dma_start3A_418 = tpu.memref_slice %arg2[%add3A_417] : memref<67108864xf32, #tpu.memory_space<hbm>> -> memref<16384xf32, #tpu.memory_space<hbm>>
    %dma_start3A_419 = tpu.memref_slice %arg2[%add3A_417] : memref<67108864xf32, #tpu.memory_space<hbm>> -> memref<16384xf32, #tpu.memory_space<hbm>>
    tpu.enqueue_dma source(%arg4 : memref<16384xf32, #tpu.memory_space<vmem>>) target(%dma_start3A_419 : memref<16384xf32, #tpu.memory_space<hbm>>) target_semaphore(%arg6 : memref<!tpu.dma_semaphore, #tpu.memory_space<semaphore_mem>>)
    %add3A_420 = arith.constant 0 : i32
    %add3A_421 = arith.addi %mul3A_19, %add3A_420 : i32
    %add3A_422 = arith.constant 835584 : i32
    %add3A_423 = arith.addi %add3A_421, %add3A_422 : i32
    %dma_start3A_424 = tpu.memref_slice %arg2[%add3A_423] : memref<67108864xf32, #tpu.memory_space<hbm>> -> memref<16384xf32, #tpu.memory_space<hbm>>
    %dma_start3A_425 = tpu.memref_slice %arg2[%add3A_423] : memref<67108864xf32, #tpu.memory_space<hbm>> -> memref<16384xf32, #tpu.memory_space<hbm>>
    tpu.enqueue_dma source(%arg4 : memref<16384xf32, #tpu.memory_space<vmem>>) target(%dma_start3A_425 : memref<16384xf32, #tpu.memory_space<hbm>>) target_semaphore(%arg6 : memref<!tpu.dma_semaphore, #tpu.memory_space<semaphore_mem>>)
    %add3A_426 = arith.constant 0 : i32
    %add3A_427 = arith.addi %mul3A_19, %add3A_426 : i32
    %add3A_428 = arith.constant 851968 : i32
    %add3A_429 = arith.addi %add3A_427, %add3A_428 : i32
    %dma_start3A_430 = tpu.memref_slice %arg2[%add3A_429] : memref<67108864xf32, #tpu.memory_space<hbm>> -> memref<16384xf32, #tpu.memory_space<hbm>>
    %dma_start3A_431 = tpu.memref_slice %arg2[%add3A_429] : memref<67108864xf32, #tpu.memory_space<hbm>> -> memref<16384xf32, #tpu.memory_space<hbm>>
    tpu.enqueue_dma source(%arg4 : memref<16384xf32, #tpu.memory_space<vmem>>) target(%dma_start3A_431 : memref<16384xf32, #tpu.memory_space<hbm>>) target_semaphore(%arg6 : memref<!tpu.dma_semaphore, #tpu.memory_space<semaphore_mem>>)
    %add3A_432 = arith.constant 0 : i32
    %add3A_433 = arith.addi %mul3A_19, %add3A_432 : i32
    %add3A_434 = arith.constant 868352 : i32
    %add3A_435 = arith.addi %add3A_433, %add3A_434 : i32
    %dma_start3A_436 = tpu.memref_slice %arg2[%add3A_435] : memref<67108864xf32, #tpu.memory_space<hbm>> -> memref<16384xf32, #tpu.memory_space<hbm>>
    %dma_start3A_437 = tpu.memref_slice %arg2[%add3A_435] : memref<67108864xf32, #tpu.memory_space<hbm>> -> memref<16384xf32, #tpu.memory_space<hbm>>
    tpu.enqueue_dma source(%arg4 : memref<16384xf32, #tpu.memory_space<vmem>>) target(%dma_start3A_437 : memref<16384xf32, #tpu.memory_space<hbm>>) target_semaphore(%arg6 : memref<!tpu.dma_semaphore, #tpu.memory_space<semaphore_mem>>)
    %add3A_438 = arith.constant 0 : i32
    %add3A_439 = arith.addi %mul3A_19, %add3A_438 : i32
    %add3A_440 = arith.constant 884736 : i32
    %add3A_441 = arith.addi %add3A_439, %add3A_440 : i32
    %dma_start3A_442 = tpu.memref_slice %arg2[%add3A_441] : memref<67108864xf32, #tpu.memory_space<hbm>> -> memref<16384xf32, #tpu.memory_space<hbm>>
    %dma_start3A_443 = tpu.memref_slice %arg2[%add3A_441] : memref<67108864xf32, #tpu.memory_space<hbm>> -> memref<16384xf32, #tpu.memory_space<hbm>>
    tpu.enqueue_dma source(%arg4 : memref<16384xf32, #tpu.memory_space<vmem>>) target(%dma_start3A_443 : memref<16384xf32, #tpu.memory_space<hbm>>) target_semaphore(%arg6 : memref<!tpu.dma_semaphore, #tpu.memory_space<semaphore_mem>>)
    %add3A_444 = arith.constant 0 : i32
    %add3A_445 = arith.addi %mul3A_19, %add3A_444 : i32
    %add3A_446 = arith.constant 901120 : i32
    %add3A_447 = arith.addi %add3A_445, %add3A_446 : i32
    %dma_start3A_448 = tpu.memref_slice %arg2[%add3A_447] : memref<67108864xf32, #tpu.memory_space<hbm>> -> memref<16384xf32, #tpu.memory_space<hbm>>
    %dma_start3A_449 = tpu.memref_slice %arg2[%add3A_447] : memref<67108864xf32, #tpu.memory_space<hbm>> -> memref<16384xf32, #tpu.memory_space<hbm>>
    tpu.enqueue_dma source(%arg4 : memref<16384xf32, #tpu.memory_space<vmem>>) target(%dma_start3A_449 : memref<16384xf32, #tpu.memory_space<hbm>>) target_semaphore(%arg6 : memref<!tpu.dma_semaphore, #tpu.memory_space<semaphore_mem>>)
    %dma_wait3A_450 = tpu.memref_slice %arg2[%add3A_405] : memref<67108864xf32, #tpu.memory_space<hbm>> -> memref<16384xf32, #tpu.memory_space<hbm>>
    %dma_wait3A_451 = tpu.memref_slice %arg2[%add3A_405] : memref<67108864xf32, #tpu.memory_space<hbm>> -> memref<16384xf32, #tpu.memory_space<hbm>>
    tpu.wait_dma2 semaphore(%arg6 : memref<!tpu.dma_semaphore, #tpu.memory_space<semaphore_mem>>) src(%arg4 : memref<16384xf32, #tpu.memory_space<vmem>>) dst(%dma_wait3A_451 : memref<16384xf32, #tpu.memory_space<hbm>>)
    %dma_wait3A_452 = tpu.memref_slice %arg2[%add3A_411] : memref<67108864xf32, #tpu.memory_space<hbm>> -> memref<16384xf32, #tpu.memory_space<hbm>>
    %dma_wait3A_453 = tpu.memref_slice %arg2[%add3A_411] : memref<67108864xf32, #tpu.memory_space<hbm>> -> memref<16384xf32, #tpu.memory_space<hbm>>
    tpu.wait_dma2 semaphore(%arg6 : memref<!tpu.dma_semaphore, #tpu.memory_space<semaphore_mem>>) src(%arg4 : memref<16384xf32, #tpu.memory_space<vmem>>) dst(%dma_wait3A_453 : memref<16384xf32, #tpu.memory_space<hbm>>)
    %dma_wait3A_454 = tpu.memref_slice %arg2[%add3A_417] : memref<67108864xf32, #tpu.memory_space<hbm>> -> memref<16384xf32, #tpu.memory_space<hbm>>
    %dma_wait3A_455 = tpu.memref_slice %arg2[%add3A_417] : memref<67108864xf32, #tpu.memory_space<hbm>> -> memref<16384xf32, #tpu.memory_space<hbm>>
    tpu.wait_dma2 semaphore(%arg6 : memref<!tpu.dma_semaphore, #tpu.memory_space<semaphore_mem>>) src(%arg4 : memref<16384xf32, #tpu.memory_space<vmem>>) dst(%dma_wait3A_455 : memref<16384xf32, #tpu.memory_space<hbm>>)
    %dma_wait3A_456 = tpu.memref_slice %arg2[%add3A_423] : memref<67108864xf32, #tpu.memory_space<hbm>> -> memref<16384xf32, #tpu.memory_space<hbm>>
    %dma_wait3A_457 = tpu.memref_slice %arg2[%add3A_423] : memref<67108864xf32, #tpu.memory_space<hbm>> -> memref<16384xf32, #tpu.memory_space<hbm>>
    tpu.wait_dma2 semaphore(%arg6 : memref<!tpu.dma_semaphore, #tpu.memory_space<semaphore_mem>>) src(%arg4 : memref<16384xf32, #tpu.memory_space<vmem>>) dst(%dma_wait3A_457 : memref<16384xf32, #tpu.memory_space<hbm>>)
    %dma_wait3A_458 = tpu.memref_slice %arg2[%add3A_429] : memref<67108864xf32, #tpu.memory_space<hbm>> -> memref<16384xf32, #tpu.memory_space<hbm>>
    %dma_wait3A_459 = tpu.memref_slice %arg2[%add3A_429] : memref<67108864xf32, #tpu.memory_space<hbm>> -> memref<16384xf32, #tpu.memory_space<hbm>>
    tpu.wait_dma2 semaphore(%arg6 : memref<!tpu.dma_semaphore, #tpu.memory_space<semaphore_mem>>) src(%arg4 : memref<16384xf32, #tpu.memory_space<vmem>>) dst(%dma_wait3A_459 : memref<16384xf32, #tpu.memory_space<hbm>>)
    %dma_wait3A_460 = tpu.memref_slice %arg2[%add3A_435] : memref<67108864xf32, #tpu.memory_space<hbm>> -> memref<16384xf32, #tpu.memory_space<hbm>>
    %dma_wait3A_461 = tpu.memref_slice %arg2[%add3A_435] : memref<67108864xf32, #tpu.memory_space<hbm>> -> memref<16384xf32, #tpu.memory_space<hbm>>
    tpu.wait_dma2 semaphore(%arg6 : memref<!tpu.dma_semaphore, #tpu.memory_space<semaphore_mem>>) src(%arg4 : memref<16384xf32, #tpu.memory_space<vmem>>) dst(%dma_wait3A_461 : memref<16384xf32, #tpu.memory_space<hbm>>)
    %dma_wait3A_462 = tpu.memref_slice %arg2[%add3A_441] : memref<67108864xf32, #tpu.memory_space<hbm>> -> memref<16384xf32, #tpu.memory_space<hbm>>
    %dma_wait3A_463 = tpu.memref_slice %arg2[%add3A_441] : memref<67108864xf32, #tpu.memory_space<hbm>> -> memref<16384xf32, #tpu.memory_space<hbm>>
    tpu.wait_dma2 semaphore(%arg6 : memref<!tpu.dma_semaphore, #tpu.memory_space<semaphore_mem>>) src(%arg4 : memref<16384xf32, #tpu.memory_space<vmem>>) dst(%dma_wait3A_463 : memref<16384xf32, #tpu.memory_space<hbm>>)
    %dma_wait3A_464 = tpu.memref_slice %arg2[%add3A_447] : memref<67108864xf32, #tpu.memory_space<hbm>> -> memref<16384xf32, #tpu.memory_space<hbm>>
    %dma_wait3A_465 = tpu.memref_slice %arg2[%add3A_447] : memref<67108864xf32, #tpu.memory_space<hbm>> -> memref<16384xf32, #tpu.memory_space<hbm>>
    tpu.wait_dma2 semaphore(%arg6 : memref<!tpu.dma_semaphore, #tpu.memory_space<semaphore_mem>>) src(%arg4 : memref<16384xf32, #tpu.memory_space<vmem>>) dst(%dma_wait3A_465 : memref<16384xf32, #tpu.memory_space<hbm>>)
    %add3A_466 = arith.constant 0 : i32
    %add3A_467 = arith.addi %mul3A_19, %add3A_466 : i32
    %add3A_468 = arith.constant 917504 : i32
    %add3A_469 = arith.addi %add3A_467, %add3A_468 : i32
    %dma_start3A_470 = tpu.memref_slice %arg2[%add3A_469] : memref<67108864xf32, #tpu.memory_space<hbm>> -> memref<16384xf32, #tpu.memory_space<hbm>>
    %dma_start3A_471 = tpu.memref_slice %arg2[%add3A_469] : memref<67108864xf32, #tpu.memory_space<hbm>> -> memref<16384xf32, #tpu.memory_space<hbm>>
    tpu.enqueue_dma source(%arg4 : memref<16384xf32, #tpu.memory_space<vmem>>) target(%dma_start3A_471 : memref<16384xf32, #tpu.memory_space<hbm>>) target_semaphore(%arg6 : memref<!tpu.dma_semaphore, #tpu.memory_space<semaphore_mem>>)
    %add3A_472 = arith.constant 0 : i32
    %add3A_473 = arith.addi %mul3A_19, %add3A_472 : i32
    %add3A_474 = arith.constant 933888 : i32
    %add3A_475 = arith.addi %add3A_473, %add3A_474 : i32
    %dma_start3A_476 = tpu.memref_slice %arg2[%add3A_475] : memref<67108864xf32, #tpu.memory_space<hbm>> -> memref<16384xf32, #tpu.memory_space<hbm>>
    %dma_start3A_477 = tpu.memref_slice %arg2[%add3A_475] : memref<67108864xf32, #tpu.memory_space<hbm>> -> memref<16384xf32, #tpu.memory_space<hbm>>
    tpu.enqueue_dma source(%arg4 : memref<16384xf32, #tpu.memory_space<vmem>>) target(%dma_start3A_477 : memref<16384xf32, #tpu.memory_space<hbm>>) target_semaphore(%arg6 : memref<!tpu.dma_semaphore, #tpu.memory_space<semaphore_mem>>)
    %add3A_478 = arith.constant 0 : i32
    %add3A_479 = arith.addi %mul3A_19, %add3A_478 : i32
    %add3A_480 = arith.constant 950272 : i32
    %add3A_481 = arith.addi %add3A_479, %add3A_480 : i32
    %dma_start3A_482 = tpu.memref_slice %arg2[%add3A_481] : memref<67108864xf32, #tpu.memory_space<hbm>> -> memref<16384xf32, #tpu.memory_space<hbm>>
    %dma_start3A_483 = tpu.memref_slice %arg2[%add3A_481] : memref<67108864xf32, #tpu.memory_space<hbm>> -> memref<16384xf32, #tpu.memory_space<hbm>>
    tpu.enqueue_dma source(%arg4 : memref<16384xf32, #tpu.memory_space<vmem>>) target(%dma_start3A_483 : memref<16384xf32, #tpu.memory_space<hbm>>) target_semaphore(%arg6 : memref<!tpu.dma_semaphore, #tpu.memory_space<semaphore_mem>>)
    %add3A_484 = arith.constant 0 : i32
    %add3A_485 = arith.addi %mul3A_19, %add3A_484 : i32
    %add3A_486 = arith.constant 966656 : i32
    %add3A_487 = arith.addi %add3A_485, %add3A_486 : i32
    %dma_start3A_488 = tpu.memref_slice %arg2[%add3A_487] : memref<67108864xf32, #tpu.memory_space<hbm>> -> memref<16384xf32, #tpu.memory_space<hbm>>
    %dma_start3A_489 = tpu.memref_slice %arg2[%add3A_487] : memref<67108864xf32, #tpu.memory_space<hbm>> -> memref<16384xf32, #tpu.memory_space<hbm>>
    tpu.enqueue_dma source(%arg4 : memref<16384xf32, #tpu.memory_space<vmem>>) target(%dma_start3A_489 : memref<16384xf32, #tpu.memory_space<hbm>>) target_semaphore(%arg6 : memref<!tpu.dma_semaphore, #tpu.memory_space<semaphore_mem>>)
    %add3A_490 = arith.constant 0 : i32
    %add3A_491 = arith.addi %mul3A_19, %add3A_490 : i32
    %add3A_492 = arith.constant 983040 : i32
    %add3A_493 = arith.addi %add3A_491, %add3A_492 : i32
    %dma_start3A_494 = tpu.memref_slice %arg2[%add3A_493] : memref<67108864xf32, #tpu.memory_space<hbm>> -> memref<16384xf32, #tpu.memory_space<hbm>>
    %dma_start3A_495 = tpu.memref_slice %arg2[%add3A_493] : memref<67108864xf32, #tpu.memory_space<hbm>> -> memref<16384xf32, #tpu.memory_space<hbm>>
    tpu.enqueue_dma source(%arg4 : memref<16384xf32, #tpu.memory_space<vmem>>) target(%dma_start3A_495 : memref<16384xf32, #tpu.memory_space<hbm>>) target_semaphore(%arg6 : memref<!tpu.dma_semaphore, #tpu.memory_space<semaphore_mem>>)
    %add3A_496 = arith.constant 0 : i32
    %add3A_497 = arith.addi %mul3A_19, %add3A_496 : i32
    %add3A_498 = arith.constant 999424 : i32
    %add3A_499 = arith.addi %add3A_497, %add3A_498 : i32
    %dma_start3A_500 = tpu.memref_slice %arg2[%add3A_499] : memref<67108864xf32, #tpu.memory_space<hbm>> -> memref<16384xf32, #tpu.memory_space<hbm>>
    %dma_start3A_501 = tpu.memref_slice %arg2[%add3A_499] : memref<67108864xf32, #tpu.memory_space<hbm>> -> memref<16384xf32, #tpu.memory_space<hbm>>
    tpu.enqueue_dma source(%arg4 : memref<16384xf32, #tpu.memory_space<vmem>>) target(%dma_start3A_501 : memref<16384xf32, #tpu.memory_space<hbm>>) target_semaphore(%arg6 : memref<!tpu.dma_semaphore, #tpu.memory_space<semaphore_mem>>)
    %add3A_502 = arith.constant 0 : i32
    %add3A_503 = arith.addi %mul3A_19, %add3A_502 : i32
    %add3A_504 = arith.constant 1015808 : i32
    %add3A_505 = arith.addi %add3A_503, %add3A_504 : i32
    %dma_start3A_506 = tpu.memref_slice %arg2[%add3A_505] : memref<67108864xf32, #tpu.memory_space<hbm>> -> memref<16384xf32, #tpu.memory_space<hbm>>
    %dma_start3A_507 = tpu.memref_slice %arg2[%add3A_505] : memref<67108864xf32, #tpu.memory_space<hbm>> -> memref<16384xf32, #tpu.memory_space<hbm>>
    tpu.enqueue_dma source(%arg4 : memref<16384xf32, #tpu.memory_space<vmem>>) target(%dma_start3A_507 : memref<16384xf32, #tpu.memory_space<hbm>>) target_semaphore(%arg6 : memref<!tpu.dma_semaphore, #tpu.memory_space<semaphore_mem>>)
    %add3A_508 = arith.constant 0 : i32
    %add3A_509 = arith.addi %mul3A_19, %add3A_508 : i32
    %add3A_510 = arith.constant 1032192 : i32
    %add3A_511 = arith.addi %add3A_509, %add3A_510 : i32
    %dma_start3A_512 = tpu.memref_slice %arg2[%add3A_511] : memref<67108864xf32, #tpu.memory_space<hbm>> -> memref<16384xf32, #tpu.memory_space<hbm>>
    %dma_start3A_513 = tpu.memref_slice %arg2[%add3A_511] : memref<67108864xf32, #tpu.memory_space<hbm>> -> memref<16384xf32, #tpu.memory_space<hbm>>
    tpu.enqueue_dma source(%arg4 : memref<16384xf32, #tpu.memory_space<vmem>>) target(%dma_start3A_513 : memref<16384xf32, #tpu.memory_space<hbm>>) target_semaphore(%arg6 : memref<!tpu.dma_semaphore, #tpu.memory_space<semaphore_mem>>)
    %dma_wait3A_514 = tpu.memref_slice %arg2[%add3A_469] : memref<67108864xf32, #tpu.memory_space<hbm>> -> memref<16384xf32, #tpu.memory_space<hbm>>
    %dma_wait3A_515 = tpu.memref_slice %arg2[%add3A_469] : memref<67108864xf32, #tpu.memory_space<hbm>> -> memref<16384xf32, #tpu.memory_space<hbm>>
    tpu.wait_dma2 semaphore(%arg6 : memref<!tpu.dma_semaphore, #tpu.memory_space<semaphore_mem>>) src(%arg4 : memref<16384xf32, #tpu.memory_space<vmem>>) dst(%dma_wait3A_515 : memref<16384xf32, #tpu.memory_space<hbm>>)
    %dma_wait3A_516 = tpu.memref_slice %arg2[%add3A_475] : memref<67108864xf32, #tpu.memory_space<hbm>> -> memref<16384xf32, #tpu.memory_space<hbm>>
    %dma_wait3A_517 = tpu.memref_slice %arg2[%add3A_475] : memref<67108864xf32, #tpu.memory_space<hbm>> -> memref<16384xf32, #tpu.memory_space<hbm>>
    tpu.wait_dma2 semaphore(%arg6 : memref<!tpu.dma_semaphore, #tpu.memory_space<semaphore_mem>>) src(%arg4 : memref<16384xf32, #tpu.memory_space<vmem>>) dst(%dma_wait3A_517 : memref<16384xf32, #tpu.memory_space<hbm>>)
    %dma_wait3A_518 = tpu.memref_slice %arg2[%add3A_481] : memref<67108864xf32, #tpu.memory_space<hbm>> -> memref<16384xf32, #tpu.memory_space<hbm>>
    %dma_wait3A_519 = tpu.memref_slice %arg2[%add3A_481] : memref<67108864xf32, #tpu.memory_space<hbm>> -> memref<16384xf32, #tpu.memory_space<hbm>>
    tpu.wait_dma2 semaphore(%arg6 : memref<!tpu.dma_semaphore, #tpu.memory_space<semaphore_mem>>) src(%arg4 : memref<16384xf32, #tpu.memory_space<vmem>>) dst(%dma_wait3A_519 : memref<16384xf32, #tpu.memory_space<hbm>>)
    %dma_wait3A_520 = tpu.memref_slice %arg2[%add3A_487] : memref<67108864xf32, #tpu.memory_space<hbm>> -> memref<16384xf32, #tpu.memory_space<hbm>>
    %dma_wait3A_521 = tpu.memref_slice %arg2[%add3A_487] : memref<67108864xf32, #tpu.memory_space<hbm>> -> memref<16384xf32, #tpu.memory_space<hbm>>
    tpu.wait_dma2 semaphore(%arg6 : memref<!tpu.dma_semaphore, #tpu.memory_space<semaphore_mem>>) src(%arg4 : memref<16384xf32, #tpu.memory_space<vmem>>) dst(%dma_wait3A_521 : memref<16384xf32, #tpu.memory_space<hbm>>)
    %dma_wait3A_522 = tpu.memref_slice %arg2[%add3A_493] : memref<67108864xf32, #tpu.memory_space<hbm>> -> memref<16384xf32, #tpu.memory_space<hbm>>
    %dma_wait3A_523 = tpu.memref_slice %arg2[%add3A_493] : memref<67108864xf32, #tpu.memory_space<hbm>> -> memref<16384xf32, #tpu.memory_space<hbm>>
    tpu.wait_dma2 semaphore(%arg6 : memref<!tpu.dma_semaphore, #tpu.memory_space<semaphore_mem>>) src(%arg4 : memref<16384xf32, #tpu.memory_space<vmem>>) dst(%dma_wait3A_523 : memref<16384xf32, #tpu.memory_space<hbm>>)
    %dma_wait3A_524 = tpu.memref_slice %arg2[%add3A_499] : memref<67108864xf32, #tpu.memory_space<hbm>> -> memref<16384xf32, #tpu.memory_space<hbm>>
    %dma_wait3A_525 = tpu.memref_slice %arg2[%add3A_499] : memref<67108864xf32, #tpu.memory_space<hbm>> -> memref<16384xf32, #tpu.memory_space<hbm>>
    tpu.wait_dma2 semaphore(%arg6 : memref<!tpu.dma_semaphore, #tpu.memory_space<semaphore_mem>>) src(%arg4 : memref<16384xf32, #tpu.memory_space<vmem>>) dst(%dma_wait3A_525 : memref<16384xf32, #tpu.memory_space<hbm>>)
    %dma_wait3A_526 = tpu.memref_slice %arg2[%add3A_505] : memref<67108864xf32, #tpu.memory_space<hbm>> -> memref<16384xf32, #tpu.memory_space<hbm>>
    %dma_wait3A_527 = tpu.memref_slice %arg2[%add3A_505] : memref<67108864xf32, #tpu.memory_space<hbm>> -> memref<16384xf32, #tpu.memory_space<hbm>>
    tpu.wait_dma2 semaphore(%arg6 : memref<!tpu.dma_semaphore, #tpu.memory_space<semaphore_mem>>) src(%arg4 : memref<16384xf32, #tpu.memory_space<vmem>>) dst(%dma_wait3A_527 : memref<16384xf32, #tpu.memory_space<hbm>>)
    %dma_wait3A_528 = tpu.memref_slice %arg2[%add3A_511] : memref<67108864xf32, #tpu.memory_space<hbm>> -> memref<16384xf32, #tpu.memory_space<hbm>>
    %dma_wait3A_529 = tpu.memref_slice %arg2[%add3A_511] : memref<67108864xf32, #tpu.memory_space<hbm>> -> memref<16384xf32, #tpu.memory_space<hbm>>
    tpu.wait_dma2 semaphore(%arg6 : memref<!tpu.dma_semaphore, #tpu.memory_space<semaphore_mem>>) src(%arg4 : memref<16384xf32, #tpu.memory_space<vmem>>) dst(%dma_wait3A_529 : memref<16384xf32, #tpu.memory_space<hbm>>)
    %add3A_530 = arith.constant 1048576 : i32
    %add3A_531 = arith.addi %mul3A_19, %add3A_530 : i32
    %add3A_532 = arith.constant 0 : i32
    %add3A_533 = arith.addi %add3A_531, %add3A_532 : i32
    %dma_start3A_534 = tpu.memref_slice %arg2[%add3A_533] : memref<67108864xf32, #tpu.memory_space<hbm>> -> memref<16384xf32, #tpu.memory_space<hbm>>
    %dma_start3A_535 = tpu.memref_slice %arg2[%add3A_533] : memref<67108864xf32, #tpu.memory_space<hbm>> -> memref<16384xf32, #tpu.memory_space<hbm>>
    tpu.enqueue_dma source(%arg3 : memref<16384xf32, #tpu.memory_space<vmem>>) target(%dma_start3A_535 : memref<16384xf32, #tpu.memory_space<hbm>>) target_semaphore(%arg6 : memref<!tpu.dma_semaphore, #tpu.memory_space<semaphore_mem>>)
    %add3A_536 = arith.constant 1048576 : i32
    %add3A_537 = arith.addi %mul3A_19, %add3A_536 : i32
    %add3A_538 = arith.constant 16384 : i32
    %add3A_539 = arith.addi %add3A_537, %add3A_538 : i32
    %dma_start3A_540 = tpu.memref_slice %arg2[%add3A_539] : memref<67108864xf32, #tpu.memory_space<hbm>> -> memref<16384xf32, #tpu.memory_space<hbm>>
    %dma_start3A_541 = tpu.memref_slice %arg2[%add3A_539] : memref<67108864xf32, #tpu.memory_space<hbm>> -> memref<16384xf32, #tpu.memory_space<hbm>>
    tpu.enqueue_dma source(%arg3 : memref<16384xf32, #tpu.memory_space<vmem>>) target(%dma_start3A_541 : memref<16384xf32, #tpu.memory_space<hbm>>) target_semaphore(%arg6 : memref<!tpu.dma_semaphore, #tpu.memory_space<semaphore_mem>>)
    %add3A_542 = arith.constant 1048576 : i32
    %add3A_543 = arith.addi %mul3A_19, %add3A_542 : i32
    %add3A_544 = arith.constant 32768 : i32
    %add3A_545 = arith.addi %add3A_543, %add3A_544 : i32
    %dma_start3A_546 = tpu.memref_slice %arg2[%add3A_545] : memref<67108864xf32, #tpu.memory_space<hbm>> -> memref<16384xf32, #tpu.memory_space<hbm>>
    %dma_start3A_547 = tpu.memref_slice %arg2[%add3A_545] : memref<67108864xf32, #tpu.memory_space<hbm>> -> memref<16384xf32, #tpu.memory_space<hbm>>
    tpu.enqueue_dma source(%arg3 : memref<16384xf32, #tpu.memory_space<vmem>>) target(%dma_start3A_547 : memref<16384xf32, #tpu.memory_space<hbm>>) target_semaphore(%arg6 : memref<!tpu.dma_semaphore, #tpu.memory_space<semaphore_mem>>)
    %add3A_548 = arith.constant 1048576 : i32
    %add3A_549 = arith.addi %mul3A_19, %add3A_548 : i32
    %add3A_550 = arith.constant 49152 : i32
    %add3A_551 = arith.addi %add3A_549, %add3A_550 : i32
    %dma_start3A_552 = tpu.memref_slice %arg2[%add3A_551] : memref<67108864xf32, #tpu.memory_space<hbm>> -> memref<16384xf32, #tpu.memory_space<hbm>>
    %dma_start3A_553 = tpu.memref_slice %arg2[%add3A_551] : memref<67108864xf32, #tpu.memory_space<hbm>> -> memref<16384xf32, #tpu.memory_space<hbm>>
    tpu.enqueue_dma source(%arg3 : memref<16384xf32, #tpu.memory_space<vmem>>) target(%dma_start3A_553 : memref<16384xf32, #tpu.memory_space<hbm>>) target_semaphore(%arg6 : memref<!tpu.dma_semaphore, #tpu.memory_space<semaphore_mem>>)
    %add3A_554 = arith.constant 1048576 : i32
    %add3A_555 = arith.addi %mul3A_19, %add3A_554 : i32
    %add3A_556 = arith.constant 65536 : i32
    %add3A_557 = arith.addi %add3A_555, %add3A_556 : i32
    %dma_start3A_558 = tpu.memref_slice %arg2[%add3A_557] : memref<67108864xf32, #tpu.memory_space<hbm>> -> memref<16384xf32, #tpu.memory_space<hbm>>
    %dma_start3A_559 = tpu.memref_slice %arg2[%add3A_557] : memref<67108864xf32, #tpu.memory_space<hbm>> -> memref<16384xf32, #tpu.memory_space<hbm>>
    tpu.enqueue_dma source(%arg3 : memref<16384xf32, #tpu.memory_space<vmem>>) target(%dma_start3A_559 : memref<16384xf32, #tpu.memory_space<hbm>>) target_semaphore(%arg6 : memref<!tpu.dma_semaphore, #tpu.memory_space<semaphore_mem>>)
    %add3A_560 = arith.constant 1048576 : i32
    %add3A_561 = arith.addi %mul3A_19, %add3A_560 : i32
    %add3A_562 = arith.constant 81920 : i32
    %add3A_563 = arith.addi %add3A_561, %add3A_562 : i32
    %dma_start3A_564 = tpu.memref_slice %arg2[%add3A_563] : memref<67108864xf32, #tpu.memory_space<hbm>> -> memref<16384xf32, #tpu.memory_space<hbm>>
    %dma_start3A_565 = tpu.memref_slice %arg2[%add3A_563] : memref<67108864xf32, #tpu.memory_space<hbm>> -> memref<16384xf32, #tpu.memory_space<hbm>>
    tpu.enqueue_dma source(%arg3 : memref<16384xf32, #tpu.memory_space<vmem>>) target(%dma_start3A_565 : memref<16384xf32, #tpu.memory_space<hbm>>) target_semaphore(%arg6 : memref<!tpu.dma_semaphore, #tpu.memory_space<semaphore_mem>>)
    %add3A_566 = arith.constant 1048576 : i32
    %add3A_567 = arith.addi %mul3A_19, %add3A_566 : i32
    %add3A_568 = arith.constant 98304 : i32
    %add3A_569 = arith.addi %add3A_567, %add3A_568 : i32
    %dma_start3A_570 = tpu.memref_slice %arg2[%add3A_569] : memref<67108864xf32, #tpu.memory_space<hbm>> -> memref<16384xf32, #tpu.memory_space<hbm>>
    %dma_start3A_571 = tpu.memref_slice %arg2[%add3A_569] : memref<67108864xf32, #tpu.memory_space<hbm>> -> memref<16384xf32, #tpu.memory_space<hbm>>
    tpu.enqueue_dma source(%arg3 : memref<16384xf32, #tpu.memory_space<vmem>>) target(%dma_start3A_571 : memref<16384xf32, #tpu.memory_space<hbm>>) target_semaphore(%arg6 : memref<!tpu.dma_semaphore, #tpu.memory_space<semaphore_mem>>)
    %add3A_572 = arith.constant 1048576 : i32
    %add3A_573 = arith.addi %mul3A_19, %add3A_572 : i32
    %add3A_574 = arith.constant 114688 : i32
    %add3A_575 = arith.addi %add3A_573, %add3A_574 : i32
    %dma_start3A_576 = tpu.memref_slice %arg2[%add3A_575] : memref<67108864xf32, #tpu.memory_space<hbm>> -> memref<16384xf32, #tpu.memory_space<hbm>>
    %dma_start3A_577 = tpu.memref_slice %arg2[%add3A_575] : memref<67108864xf32, #tpu.memory_space<hbm>> -> memref<16384xf32, #tpu.memory_space<hbm>>
    tpu.enqueue_dma source(%arg3 : memref<16384xf32, #tpu.memory_space<vmem>>) target(%dma_start3A_577 : memref<16384xf32, #tpu.memory_space<hbm>>) target_semaphore(%arg6 : memref<!tpu.dma_semaphore, #tpu.memory_space<semaphore_mem>>)
    %dma_wait3A_578 = tpu.memref_slice %arg2[%add3A_533] : memref<67108864xf32, #tpu.memory_space<hbm>> -> memref<16384xf32, #tpu.memory_space<hbm>>
    %dma_wait3A_579 = tpu.memref_slice %arg2[%add3A_533] : memref<67108864xf32, #tpu.memory_space<hbm>> -> memref<16384xf32, #tpu.memory_space<hbm>>
    tpu.wait_dma2 semaphore(%arg6 : memref<!tpu.dma_semaphore, #tpu.memory_space<semaphore_mem>>) src(%arg3 : memref<16384xf32, #tpu.memory_space<vmem>>) dst(%dma_wait3A_579 : memref<16384xf32, #tpu.memory_space<hbm>>)
    %dma_wait3A_580 = tpu.memref_slice %arg2[%add3A_539] : memref<67108864xf32, #tpu.memory_space<hbm>> -> memref<16384xf32, #tpu.memory_space<hbm>>
    %dma_wait3A_581 = tpu.memref_slice %arg2[%add3A_539] : memref<67108864xf32, #tpu.memory_space<hbm>> -> memref<16384xf32, #tpu.memory_space<hbm>>
    tpu.wait_dma2 semaphore(%arg6 : memref<!tpu.dma_semaphore, #tpu.memory_space<semaphore_mem>>) src(%arg3 : memref<16384xf32, #tpu.memory_space<vmem>>) dst(%dma_wait3A_581 : memref<16384xf32, #tpu.memory_space<hbm>>)
    %dma_wait3A_582 = tpu.memref_slice %arg2[%add3A_545] : memref<67108864xf32, #tpu.memory_space<hbm>> -> memref<16384xf32, #tpu.memory_space<hbm>>
    %dma_wait3A_583 = tpu.memref_slice %arg2[%add3A_545] : memref<67108864xf32, #tpu.memory_space<hbm>> -> memref<16384xf32, #tpu.memory_space<hbm>>
    tpu.wait_dma2 semaphore(%arg6 : memref<!tpu.dma_semaphore, #tpu.memory_space<semaphore_mem>>) src(%arg3 : memref<16384xf32, #tpu.memory_space<vmem>>) dst(%dma_wait3A_583 : memref<16384xf32, #tpu.memory_space<hbm>>)
    %dma_wait3A_584 = tpu.memref_slice %arg2[%add3A_551] : memref<67108864xf32, #tpu.memory_space<hbm>> -> memref<16384xf32, #tpu.memory_space<hbm>>
    %dma_wait3A_585 = tpu.memref_slice %arg2[%add3A_551] : memref<67108864xf32, #tpu.memory_space<hbm>> -> memref<16384xf32, #tpu.memory_space<hbm>>
    tpu.wait_dma2 semaphore(%arg6 : memref<!tpu.dma_semaphore, #tpu.memory_space<semaphore_mem>>) src(%arg3 : memref<16384xf32, #tpu.memory_space<vmem>>) dst(%dma_wait3A_585 : memref<16384xf32, #tpu.memory_space<hbm>>)
    %dma_wait3A_586 = tpu.memref_slice %arg2[%add3A_557] : memref<67108864xf32, #tpu.memory_space<hbm>> -> memref<16384xf32, #tpu.memory_space<hbm>>
    %dma_wait3A_587 = tpu.memref_slice %arg2[%add3A_557] : memref<67108864xf32, #tpu.memory_space<hbm>> -> memref<16384xf32, #tpu.memory_space<hbm>>
    tpu.wait_dma2 semaphore(%arg6 : memref<!tpu.dma_semaphore, #tpu.memory_space<semaphore_mem>>) src(%arg3 : memref<16384xf32, #tpu.memory_space<vmem>>) dst(%dma_wait3A_587 : memref<16384xf32, #tpu.memory_space<hbm>>)
    %dma_wait3A_588 = tpu.memref_slice %arg2[%add3A_563] : memref<67108864xf32, #tpu.memory_space<hbm>> -> memref<16384xf32, #tpu.memory_space<hbm>>
    %dma_wait3A_589 = tpu.memref_slice %arg2[%add3A_563] : memref<67108864xf32, #tpu.memory_space<hbm>> -> memref<16384xf32, #tpu.memory_space<hbm>>
    tpu.wait_dma2 semaphore(%arg6 : memref<!tpu.dma_semaphore, #tpu.memory_space<semaphore_mem>>) src(%arg3 : memref<16384xf32, #tpu.memory_space<vmem>>) dst(%dma_wait3A_589 : memref<16384xf32, #tpu.memory_space<hbm>>)
    %dma_wait3A_590 = tpu.memref_slice %arg2[%add3A_569] : memref<67108864xf32, #tpu.memory_space<hbm>> -> memref<16384xf32, #tpu.memory_space<hbm>>
    %dma_wait3A_591 = tpu.memref_slice %arg2[%add3A_569] : memref<67108864xf32, #tpu.memory_space<hbm>> -> memref<16384xf32, #tpu.memory_space<hbm>>
    tpu.wait_dma2 semaphore(%arg6 : memref<!tpu.dma_semaphore, #tpu.memory_space<semaphore_mem>>) src(%arg3 : memref<16384xf32, #tpu.memory_space<vmem>>) dst(%dma_wait3A_591 : memref<16384xf32, #tpu.memory_space<hbm>>)
    %dma_wait3A_592 = tpu.memref_slice %arg2[%add3A_575] : memref<67108864xf32, #tpu.memory_space<hbm>> -> memref<16384xf32, #tpu.memory_space<hbm>>
    %dma_wait3A_593 = tpu.memref_slice %arg2[%add3A_575] : memref<67108864xf32, #tpu.memory_space<hbm>> -> memref<16384xf32, #tpu.memory_space<hbm>>
    tpu.wait_dma2 semaphore(%arg6 : memref<!tpu.dma_semaphore, #tpu.memory_space<semaphore_mem>>) src(%arg3 : memref<16384xf32, #tpu.memory_space<vmem>>) dst(%dma_wait3A_593 : memref<16384xf32, #tpu.memory_space<hbm>>)
    %add3A_594 = arith.constant 1048576 : i32
    %add3A_595 = arith.addi %mul3A_19, %add3A_594 : i32
    %add3A_596 = arith.constant 131072 : i32
    %add3A_597 = arith.addi %add3A_595, %add3A_596 : i32
    %dma_start3A_598 = tpu.memref_slice %arg2[%add3A_597] : memref<67108864xf32, #tpu.memory_space<hbm>> -> memref<16384xf32, #tpu.memory_space<hbm>>
    %dma_start3A_599 = tpu.memref_slice %arg2[%add3A_597] : memref<67108864xf32, #tpu.memory_space<hbm>> -> memref<16384xf32, #tpu.memory_space<hbm>>
    tpu.enqueue_dma source(%arg3 : memref<16384xf32, #tpu.memory_space<vmem>>) target(%dma_start3A_599 : memref<16384xf32, #tpu.memory_space<hbm>>) target_semaphore(%arg6 : memref<!tpu.dma_semaphore, #tpu.memory_space<semaphore_mem>>)
    %add3A_600 = arith.constant 1048576 : i32
    %add3A_601 = arith.addi %mul3A_19, %add3A_600 : i32
    %add3A_602 = arith.constant 147456 : i32
    %add3A_603 = arith.addi %add3A_601, %add3A_602 : i32
    %dma_start3A_604 = tpu.memref_slice %arg2[%add3A_603] : memref<67108864xf32, #tpu.memory_space<hbm>> -> memref<16384xf32, #tpu.memory_space<hbm>>
    %dma_start3A_605 = tpu.memref_slice %arg2[%add3A_603] : memref<67108864xf32, #tpu.memory_space<hbm>> -> memref<16384xf32, #tpu.memory_space<hbm>>
    tpu.enqueue_dma source(%arg3 : memref<16384xf32, #tpu.memory_space<vmem>>) target(%dma_start3A_605 : memref<16384xf32, #tpu.memory_space<hbm>>) target_semaphore(%arg6 : memref<!tpu.dma_semaphore, #tpu.memory_space<semaphore_mem>>)
    %add3A_606 = arith.constant 1048576 : i32
    %add3A_607 = arith.addi %mul3A_19, %add3A_606 : i32
    %add3A_608 = arith.constant 163840 : i32
    %add3A_609 = arith.addi %add3A_607, %add3A_608 : i32
    %dma_start3A_610 = tpu.memref_slice %arg2[%add3A_609] : memref<67108864xf32, #tpu.memory_space<hbm>> -> memref<16384xf32, #tpu.memory_space<hbm>>
    %dma_start3A_611 = tpu.memref_slice %arg2[%add3A_609] : memref<67108864xf32, #tpu.memory_space<hbm>> -> memref<16384xf32, #tpu.memory_space<hbm>>
    tpu.enqueue_dma source(%arg3 : memref<16384xf32, #tpu.memory_space<vmem>>) target(%dma_start3A_611 : memref<16384xf32, #tpu.memory_space<hbm>>) target_semaphore(%arg6 : memref<!tpu.dma_semaphore, #tpu.memory_space<semaphore_mem>>)
    %add3A_612 = arith.constant 1048576 : i32
    %add3A_613 = arith.addi %mul3A_19, %add3A_612 : i32
    %add3A_614 = arith.constant 180224 : i32
    %add3A_615 = arith.addi %add3A_613, %add3A_614 : i32
    %dma_start3A_616 = tpu.memref_slice %arg2[%add3A_615] : memref<67108864xf32, #tpu.memory_space<hbm>> -> memref<16384xf32, #tpu.memory_space<hbm>>
    %dma_start3A_617 = tpu.memref_slice %arg2[%add3A_615] : memref<67108864xf32, #tpu.memory_space<hbm>> -> memref<16384xf32, #tpu.memory_space<hbm>>
    tpu.enqueue_dma source(%arg3 : memref<16384xf32, #tpu.memory_space<vmem>>) target(%dma_start3A_617 : memref<16384xf32, #tpu.memory_space<hbm>>) target_semaphore(%arg6 : memref<!tpu.dma_semaphore, #tpu.memory_space<semaphore_mem>>)
    %add3A_618 = arith.constant 1048576 : i32
    %add3A_619 = arith.addi %mul3A_19, %add3A_618 : i32
    %add3A_620 = arith.constant 196608 : i32
    %add3A_621 = arith.addi %add3A_619, %add3A_620 : i32
    %dma_start3A_622 = tpu.memref_slice %arg2[%add3A_621] : memref<67108864xf32, #tpu.memory_space<hbm>> -> memref<16384xf32, #tpu.memory_space<hbm>>
    %dma_start3A_623 = tpu.memref_slice %arg2[%add3A_621] : memref<67108864xf32, #tpu.memory_space<hbm>> -> memref<16384xf32, #tpu.memory_space<hbm>>
    tpu.enqueue_dma source(%arg3 : memref<16384xf32, #tpu.memory_space<vmem>>) target(%dma_start3A_623 : memref<16384xf32, #tpu.memory_space<hbm>>) target_semaphore(%arg6 : memref<!tpu.dma_semaphore, #tpu.memory_space<semaphore_mem>>)
    %add3A_624 = arith.constant 1048576 : i32
    %add3A_625 = arith.addi %mul3A_19, %add3A_624 : i32
    %add3A_626 = arith.constant 212992 : i32
    %add3A_627 = arith.addi %add3A_625, %add3A_626 : i32
    %dma_start3A_628 = tpu.memref_slice %arg2[%add3A_627] : memref<67108864xf32, #tpu.memory_space<hbm>> -> memref<16384xf32, #tpu.memory_space<hbm>>
    %dma_start3A_629 = tpu.memref_slice %arg2[%add3A_627] : memref<67108864xf32, #tpu.memory_space<hbm>> -> memref<16384xf32, #tpu.memory_space<hbm>>
    tpu.enqueue_dma source(%arg3 : memref<16384xf32, #tpu.memory_space<vmem>>) target(%dma_start3A_629 : memref<16384xf32, #tpu.memory_space<hbm>>) target_semaphore(%arg6 : memref<!tpu.dma_semaphore, #tpu.memory_space<semaphore_mem>>)
    %add3A_630 = arith.constant 1048576 : i32
    %add3A_631 = arith.addi %mul3A_19, %add3A_630 : i32
    %add3A_632 = arith.constant 229376 : i32
    %add3A_633 = arith.addi %add3A_631, %add3A_632 : i32
    %dma_start3A_634 = tpu.memref_slice %arg2[%add3A_633] : memref<67108864xf32, #tpu.memory_space<hbm>> -> memref<16384xf32, #tpu.memory_space<hbm>>
    %dma_start3A_635 = tpu.memref_slice %arg2[%add3A_633] : memref<67108864xf32, #tpu.memory_space<hbm>> -> memref<16384xf32, #tpu.memory_space<hbm>>
    tpu.enqueue_dma source(%arg3 : memref<16384xf32, #tpu.memory_space<vmem>>) target(%dma_start3A_635 : memref<16384xf32, #tpu.memory_space<hbm>>) target_semaphore(%arg6 : memref<!tpu.dma_semaphore, #tpu.memory_space<semaphore_mem>>)
    %add3A_636 = arith.constant 1048576 : i32
    %add3A_637 = arith.addi %mul3A_19, %add3A_636 : i32
    %add3A_638 = arith.constant 245760 : i32
    %add3A_639 = arith.addi %add3A_637, %add3A_638 : i32
    %dma_start3A_640 = tpu.memref_slice %arg2[%add3A_639] : memref<67108864xf32, #tpu.memory_space<hbm>> -> memref<16384xf32, #tpu.memory_space<hbm>>
    %dma_start3A_641 = tpu.memref_slice %arg2[%add3A_639] : memref<67108864xf32, #tpu.memory_space<hbm>> -> memref<16384xf32, #tpu.memory_space<hbm>>
    tpu.enqueue_dma source(%arg3 : memref<16384xf32, #tpu.memory_space<vmem>>) target(%dma_start3A_641 : memref<16384xf32, #tpu.memory_space<hbm>>) target_semaphore(%arg6 : memref<!tpu.dma_semaphore, #tpu.memory_space<semaphore_mem>>)
    %dma_wait3A_642 = tpu.memref_slice %arg2[%add3A_597] : memref<67108864xf32, #tpu.memory_space<hbm>> -> memref<16384xf32, #tpu.memory_space<hbm>>
    %dma_wait3A_643 = tpu.memref_slice %arg2[%add3A_597] : memref<67108864xf32, #tpu.memory_space<hbm>> -> memref<16384xf32, #tpu.memory_space<hbm>>
    tpu.wait_dma2 semaphore(%arg6 : memref<!tpu.dma_semaphore, #tpu.memory_space<semaphore_mem>>) src(%arg3 : memref<16384xf32, #tpu.memory_space<vmem>>) dst(%dma_wait3A_643 : memref<16384xf32, #tpu.memory_space<hbm>>)
    %dma_wait3A_644 = tpu.memref_slice %arg2[%add3A_603] : memref<67108864xf32, #tpu.memory_space<hbm>> -> memref<16384xf32, #tpu.memory_space<hbm>>
    %dma_wait3A_645 = tpu.memref_slice %arg2[%add3A_603] : memref<67108864xf32, #tpu.memory_space<hbm>> -> memref<16384xf32, #tpu.memory_space<hbm>>
    tpu.wait_dma2 semaphore(%arg6 : memref<!tpu.dma_semaphore, #tpu.memory_space<semaphore_mem>>) src(%arg3 : memref<16384xf32, #tpu.memory_space<vmem>>) dst(%dma_wait3A_645 : memref<16384xf32, #tpu.memory_space<hbm>>)
    %dma_wait3A_646 = tpu.memref_slice %arg2[%add3A_609] : memref<67108864xf32, #tpu.memory_space<hbm>> -> memref<16384xf32, #tpu.memory_space<hbm>>
    %dma_wait3A_647 = tpu.memref_slice %arg2[%add3A_609] : memref<67108864xf32, #tpu.memory_space<hbm>> -> memref<16384xf32, #tpu.memory_space<hbm>>
    tpu.wait_dma2 semaphore(%arg6 : memref<!tpu.dma_semaphore, #tpu.memory_space<semaphore_mem>>) src(%arg3 : memref<16384xf32, #tpu.memory_space<vmem>>) dst(%dma_wait3A_647 : memref<16384xf32, #tpu.memory_space<hbm>>)
    %dma_wait3A_648 = tpu.memref_slice %arg2[%add3A_615] : memref<67108864xf32, #tpu.memory_space<hbm>> -> memref<16384xf32, #tpu.memory_space<hbm>>
    %dma_wait3A_649 = tpu.memref_slice %arg2[%add3A_615] : memref<67108864xf32, #tpu.memory_space<hbm>> -> memref<16384xf32, #tpu.memory_space<hbm>>
    tpu.wait_dma2 semaphore(%arg6 : memref<!tpu.dma_semaphore, #tpu.memory_space<semaphore_mem>>) src(%arg3 : memref<16384xf32, #tpu.memory_space<vmem>>) dst(%dma_wait3A_649 : memref<16384xf32, #tpu.memory_space<hbm>>)
    %dma_wait3A_650 = tpu.memref_slice %arg2[%add3A_621] : memref<67108864xf32, #tpu.memory_space<hbm>> -> memref<16384xf32, #tpu.memory_space<hbm>>
    %dma_wait3A_651 = tpu.memref_slice %arg2[%add3A_621] : memref<67108864xf32, #tpu.memory_space<hbm>> -> memref<16384xf32, #tpu.memory_space<hbm>>
    tpu.wait_dma2 semaphore(%arg6 : memref<!tpu.dma_semaphore, #tpu.memory_space<semaphore_mem>>) src(%arg3 : memref<16384xf32, #tpu.memory_space<vmem>>) dst(%dma_wait3A_651 : memref<16384xf32, #tpu.memory_space<hbm>>)
    %dma_wait3A_652 = tpu.memref_slice %arg2[%add3A_627] : memref<67108864xf32, #tpu.memory_space<hbm>> -> memref<16384xf32, #tpu.memory_space<hbm>>
    %dma_wait3A_653 = tpu.memref_slice %arg2[%add3A_627] : memref<67108864xf32, #tpu.memory_space<hbm>> -> memref<16384xf32, #tpu.memory_space<hbm>>
    tpu.wait_dma2 semaphore(%arg6 : memref<!tpu.dma_semaphore, #tpu.memory_space<semaphore_mem>>) src(%arg3 : memref<16384xf32, #tpu.memory_space<vmem>>) dst(%dma_wait3A_653 : memref<16384xf32, #tpu.memory_space<hbm>>)
    %dma_wait3A_654 = tpu.memref_slice %arg2[%add3A_633] : memref<67108864xf32, #tpu.memory_space<hbm>> -> memref<16384xf32, #tpu.memory_space<hbm>>
    %dma_wait3A_655 = tpu.memref_slice %arg2[%add3A_633] : memref<67108864xf32, #tpu.memory_space<hbm>> -> memref<16384xf32, #tpu.memory_space<hbm>>
    tpu.wait_dma2 semaphore(%arg6 : memref<!tpu.dma_semaphore, #tpu.memory_space<semaphore_mem>>) src(%arg3 : memref<16384xf32, #tpu.memory_space<vmem>>) dst(%dma_wait3A_655 : memref<16384xf32, #tpu.memory_space<hbm>>)
    %dma_wait3A_656 = tpu.memref_slice %arg2[%add3A_639] : memref<67108864xf32, #tpu.memory_space<hbm>> -> memref<16384xf32, #tpu.memory_space<hbm>>
    %dma_wait3A_657 = tpu.memref_slice %arg2[%add3A_639] : memref<67108864xf32, #tpu.memory_space<hbm>> -> memref<16384xf32, #tpu.memory_space<hbm>>
    tpu.wait_dma2 semaphore(%arg6 : memref<!tpu.dma_semaphore, #tpu.memory_space<semaphore_mem>>) src(%arg3 : memref<16384xf32, #tpu.memory_space<vmem>>) dst(%dma_wait3A_657 : memref<16384xf32, #tpu.memory_space<hbm>>)
    %add3A_658 = arith.constant 1048576 : i32
    %add3A_659 = arith.addi %mul3A_19, %add3A_658 : i32
    %add3A_660 = arith.constant 262144 : i32
    %add3A_661 = arith.addi %add3A_659, %add3A_660 : i32
    %dma_start3A_662 = tpu.memref_slice %arg2[%add3A_661] : memref<67108864xf32, #tpu.memory_space<hbm>> -> memref<16384xf32, #tpu.memory_space<hbm>>
    %dma_start3A_663 = tpu.memref_slice %arg2[%add3A_661] : memref<67108864xf32, #tpu.memory_space<hbm>> -> memref<16384xf32, #tpu.memory_space<hbm>>
    tpu.enqueue_dma source(%arg3 : memref<16384xf32, #tpu.memory_space<vmem>>) target(%dma_start3A_663 : memref<16384xf32, #tpu.memory_space<hbm>>) target_semaphore(%arg6 : memref<!tpu.dma_semaphore, #tpu.memory_space<semaphore_mem>>)
    %add3A_664 = arith.constant 1048576 : i32
    %add3A_665 = arith.addi %mul3A_19, %add3A_664 : i32
    %add3A_666 = arith.constant 278528 : i32
    %add3A_667 = arith.addi %add3A_665, %add3A_666 : i32
    %dma_start3A_668 = tpu.memref_slice %arg2[%add3A_667] : memref<67108864xf32, #tpu.memory_space<hbm>> -> memref<16384xf32, #tpu.memory_space<hbm>>
    %dma_start3A_669 = tpu.memref_slice %arg2[%add3A_667] : memref<67108864xf32, #tpu.memory_space<hbm>> -> memref<16384xf32, #tpu.memory_space<hbm>>
    tpu.enqueue_dma source(%arg3 : memref<16384xf32, #tpu.memory_space<vmem>>) target(%dma_start3A_669 : memref<16384xf32, #tpu.memory_space<hbm>>) target_semaphore(%arg6 : memref<!tpu.dma_semaphore, #tpu.memory_space<semaphore_mem>>)
    %add3A_670 = arith.constant 1048576 : i32
    %add3A_671 = arith.addi %mul3A_19, %add3A_670 : i32
    %add3A_672 = arith.constant 294912 : i32
    %add3A_673 = arith.addi %add3A_671, %add3A_672 : i32
    %dma_start3A_674 = tpu.memref_slice %arg2[%add3A_673] : memref<67108864xf32, #tpu.memory_space<hbm>> -> memref<16384xf32, #tpu.memory_space<hbm>>
    %dma_start3A_675 = tpu.memref_slice %arg2[%add3A_673] : memref<67108864xf32, #tpu.memory_space<hbm>> -> memref<16384xf32, #tpu.memory_space<hbm>>
    tpu.enqueue_dma source(%arg3 : memref<16384xf32, #tpu.memory_space<vmem>>) target(%dma_start3A_675 : memref<16384xf32, #tpu.memory_space<hbm>>) target_semaphore(%arg6 : memref<!tpu.dma_semaphore, #tpu.memory_space<semaphore_mem>>)
    %add3A_676 = arith.constant 1048576 : i32
    %add3A_677 = arith.addi %mul3A_19, %add3A_676 : i32
    %add3A_678 = arith.constant 311296 : i32
    %add3A_679 = arith.addi %add3A_677, %add3A_678 : i32
    %dma_start3A_680 = tpu.memref_slice %arg2[%add3A_679] : memref<67108864xf32, #tpu.memory_space<hbm>> -> memref<16384xf32, #tpu.memory_space<hbm>>
    %dma_start3A_681 = tpu.memref_slice %arg2[%add3A_679] : memref<67108864xf32, #tpu.memory_space<hbm>> -> memref<16384xf32, #tpu.memory_space<hbm>>
    tpu.enqueue_dma source(%arg3 : memref<16384xf32, #tpu.memory_space<vmem>>) target(%dma_start3A_681 : memref<16384xf32, #tpu.memory_space<hbm>>) target_semaphore(%arg6 : memref<!tpu.dma_semaphore, #tpu.memory_space<semaphore_mem>>)
    %add3A_682 = arith.constant 1048576 : i32
    %add3A_683 = arith.addi %mul3A_19, %add3A_682 : i32
    %add3A_684 = arith.constant 327680 : i32
    %add3A_685 = arith.addi %add3A_683, %add3A_684 : i32
    %dma_start3A_686 = tpu.memref_slice %arg2[%add3A_685] : memref<67108864xf32, #tpu.memory_space<hbm>> -> memref<16384xf32, #tpu.memory_space<hbm>>
    %dma_start3A_687 = tpu.memref_slice %arg2[%add3A_685] : memref<67108864xf32, #tpu.memory_space<hbm>> -> memref<16384xf32, #tpu.memory_space<hbm>>
    tpu.enqueue_dma source(%arg3 : memref<16384xf32, #tpu.memory_space<vmem>>) target(%dma_start3A_687 : memref<16384xf32, #tpu.memory_space<hbm>>) target_semaphore(%arg6 : memref<!tpu.dma_semaphore, #tpu.memory_space<semaphore_mem>>)
    %add3A_688 = arith.constant 1048576 : i32
    %add3A_689 = arith.addi %mul3A_19, %add3A_688 : i32
    %add3A_690 = arith.constant 344064 : i32
    %add3A_691 = arith.addi %add3A_689, %add3A_690 : i32
    %dma_start3A_692 = tpu.memref_slice %arg2[%add3A_691] : memref<67108864xf32, #tpu.memory_space<hbm>> -> memref<16384xf32, #tpu.memory_space<hbm>>
    %dma_start3A_693 = tpu.memref_slice %arg2[%add3A_691] : memref<67108864xf32, #tpu.memory_space<hbm>> -> memref<16384xf32, #tpu.memory_space<hbm>>
    tpu.enqueue_dma source(%arg3 : memref<16384xf32, #tpu.memory_space<vmem>>) target(%dma_start3A_693 : memref<16384xf32, #tpu.memory_space<hbm>>) target_semaphore(%arg6 : memref<!tpu.dma_semaphore, #tpu.memory_space<semaphore_mem>>)
    %add3A_694 = arith.constant 1048576 : i32
    %add3A_695 = arith.addi %mul3A_19, %add3A_694 : i32
    %add3A_696 = arith.constant 360448 : i32
    %add3A_697 = arith.addi %add3A_695, %add3A_696 : i32
    %dma_start3A_698 = tpu.memref_slice %arg2[%add3A_697] : memref<67108864xf32, #tpu.memory_space<hbm>> -> memref<16384xf32, #tpu.memory_space<hbm>>
    %dma_start3A_699 = tpu.memref_slice %arg2[%add3A_697] : memref<67108864xf32, #tpu.memory_space<hbm>> -> memref<16384xf32, #tpu.memory_space<hbm>>
    tpu.enqueue_dma source(%arg3 : memref<16384xf32, #tpu.memory_space<vmem>>) target(%dma_start3A_699 : memref<16384xf32, #tpu.memory_space<hbm>>) target_semaphore(%arg6 : memref<!tpu.dma_semaphore, #tpu.memory_space<semaphore_mem>>)
    %add3A_700 = arith.constant 1048576 : i32
    %add3A_701 = arith.addi %mul3A_19, %add3A_700 : i32
    %add3A_702 = arith.constant 376832 : i32
    %add3A_703 = arith.addi %add3A_701, %add3A_702 : i32
    %dma_start3A_704 = tpu.memref_slice %arg2[%add3A_703] : memref<67108864xf32, #tpu.memory_space<hbm>> -> memref<16384xf32, #tpu.memory_space<hbm>>
    %dma_start3A_705 = tpu.memref_slice %arg2[%add3A_703] : memref<67108864xf32, #tpu.memory_space<hbm>> -> memref<16384xf32, #tpu.memory_space<hbm>>
    tpu.enqueue_dma source(%arg3 : memref<16384xf32, #tpu.memory_space<vmem>>) target(%dma_start3A_705 : memref<16384xf32, #tpu.memory_space<hbm>>) target_semaphore(%arg6 : memref<!tpu.dma_semaphore, #tpu.memory_space<semaphore_mem>>)
    %dma_wait3A_706 = tpu.memref_slice %arg2[%add3A_661] : memref<67108864xf32, #tpu.memory_space<hbm>> -> memref<16384xf32, #tpu.memory_space<hbm>>
    %dma_wait3A_707 = tpu.memref_slice %arg2[%add3A_661] : memref<67108864xf32, #tpu.memory_space<hbm>> -> memref<16384xf32, #tpu.memory_space<hbm>>
    tpu.wait_dma2 semaphore(%arg6 : memref<!tpu.dma_semaphore, #tpu.memory_space<semaphore_mem>>) src(%arg3 : memref<16384xf32, #tpu.memory_space<vmem>>) dst(%dma_wait3A_707 : memref<16384xf32, #tpu.memory_space<hbm>>)
    %dma_wait3A_708 = tpu.memref_slice %arg2[%add3A_667] : memref<67108864xf32, #tpu.memory_space<hbm>> -> memref<16384xf32, #tpu.memory_space<hbm>>
    %dma_wait3A_709 = tpu.memref_slice %arg2[%add3A_667] : memref<67108864xf32, #tpu.memory_space<hbm>> -> memref<16384xf32, #tpu.memory_space<hbm>>
    tpu.wait_dma2 semaphore(%arg6 : memref<!tpu.dma_semaphore, #tpu.memory_space<semaphore_mem>>) src(%arg3 : memref<16384xf32, #tpu.memory_space<vmem>>) dst(%dma_wait3A_709 : memref<16384xf32, #tpu.memory_space<hbm>>)
    %dma_wait3A_710 = tpu.memref_slice %arg2[%add3A_673] : memref<67108864xf32, #tpu.memory_space<hbm>> -> memref<16384xf32, #tpu.memory_space<hbm>>
    %dma_wait3A_711 = tpu.memref_slice %arg2[%add3A_673] : memref<67108864xf32, #tpu.memory_space<hbm>> -> memref<16384xf32, #tpu.memory_space<hbm>>
    tpu.wait_dma2 semaphore(%arg6 : memref<!tpu.dma_semaphore, #tpu.memory_space<semaphore_mem>>) src(%arg3 : memref<16384xf32, #tpu.memory_space<vmem>>) dst(%dma_wait3A_711 : memref<16384xf32, #tpu.memory_space<hbm>>)
    %dma_wait3A_712 = tpu.memref_slice %arg2[%add3A_679] : memref<67108864xf32, #tpu.memory_space<hbm>> -> memref<16384xf32, #tpu.memory_space<hbm>>
    %dma_wait3A_713 = tpu.memref_slice %arg2[%add3A_679] : memref<67108864xf32, #tpu.memory_space<hbm>> -> memref<16384xf32, #tpu.memory_space<hbm>>
    tpu.wait_dma2 semaphore(%arg6 : memref<!tpu.dma_semaphore, #tpu.memory_space<semaphore_mem>>) src(%arg3 : memref<16384xf32, #tpu.memory_space<vmem>>) dst(%dma_wait3A_713 : memref<16384xf32, #tpu.memory_space<hbm>>)
    %dma_wait3A_714 = tpu.memref_slice %arg2[%add3A_685] : memref<67108864xf32, #tpu.memory_space<hbm>> -> memref<16384xf32, #tpu.memory_space<hbm>>
    %dma_wait3A_715 = tpu.memref_slice %arg2[%add3A_685] : memref<67108864xf32, #tpu.memory_space<hbm>> -> memref<16384xf32, #tpu.memory_space<hbm>>
    tpu.wait_dma2 semaphore(%arg6 : memref<!tpu.dma_semaphore, #tpu.memory_space<semaphore_mem>>) src(%arg3 : memref<16384xf32, #tpu.memory_space<vmem>>) dst(%dma_wait3A_715 : memref<16384xf32, #tpu.memory_space<hbm>>)
    %dma_wait3A_716 = tpu.memref_slice %arg2[%add3A_691] : memref<67108864xf32, #tpu.memory_space<hbm>> -> memref<16384xf32, #tpu.memory_space<hbm>>
    %dma_wait3A_717 = tpu.memref_slice %arg2[%add3A_691] : memref<67108864xf32, #tpu.memory_space<hbm>> -> memref<16384xf32, #tpu.memory_space<hbm>>
    tpu.wait_dma2 semaphore(%arg6 : memref<!tpu.dma_semaphore, #tpu.memory_space<semaphore_mem>>) src(%arg3 : memref<16384xf32, #tpu.memory_space<vmem>>) dst(%dma_wait3A_717 : memref<16384xf32, #tpu.memory_space<hbm>>)
    %dma_wait3A_718 = tpu.memref_slice %arg2[%add3A_697] : memref<67108864xf32, #tpu.memory_space<hbm>> -> memref<16384xf32, #tpu.memory_space<hbm>>
    %dma_wait3A_719 = tpu.memref_slice %arg2[%add3A_697] : memref<67108864xf32, #tpu.memory_space<hbm>> -> memref<16384xf32, #tpu.memory_space<hbm>>
    tpu.wait_dma2 semaphore(%arg6 : memref<!tpu.dma_semaphore, #tpu.memory_space<semaphore_mem>>) src(%arg3 : memref<16384xf32, #tpu.memory_space<vmem>>) dst(%dma_wait3A_719 : memref<16384xf32, #tpu.memory_space<hbm>>)
    %dma_wait3A_720 = tpu.memref_slice %arg2[%add3A_703] : memref<67108864xf32, #tpu.memory_space<hbm>> -> memref<16384xf32, #tpu.memory_space<hbm>>
    %dma_wait3A_721 = tpu.memref_slice %arg2[%add3A_703] : memref<67108864xf32, #tpu.memory_space<hbm>> -> memref<16384xf32, #tpu.memory_space<hbm>>
    tpu.wait_dma2 semaphore(%arg6 : memref<!tpu.dma_semaphore, #tpu.memory_space<semaphore_mem>>) src(%arg3 : memref<16384xf32, #tpu.memory_space<vmem>>) dst(%dma_wait3A_721 : memref<16384xf32, #tpu.memory_space<hbm>>)
    %add3A_722 = arith.constant 1048576 : i32
    %add3A_723 = arith.addi %mul3A_19, %add3A_722 : i32
    %add3A_724 = arith.constant 393216 : i32
    %add3A_725 = arith.addi %add3A_723, %add3A_724 : i32
    %dma_start3A_726 = tpu.memref_slice %arg2[%add3A_725] : memref<67108864xf32, #tpu.memory_space<hbm>> -> memref<16384xf32, #tpu.memory_space<hbm>>
    %dma_start3A_727 = tpu.memref_slice %arg2[%add3A_725] : memref<67108864xf32, #tpu.memory_space<hbm>> -> memref<16384xf32, #tpu.memory_space<hbm>>
    tpu.enqueue_dma source(%arg3 : memref<16384xf32, #tpu.memory_space<vmem>>) target(%dma_start3A_727 : memref<16384xf32, #tpu.memory_space<hbm>>) target_semaphore(%arg6 : memref<!tpu.dma_semaphore, #tpu.memory_space<semaphore_mem>>)
    %add3A_728 = arith.constant 1048576 : i32
    %add3A_729 = arith.addi %mul3A_19, %add3A_728 : i32
    %add3A_730 = arith.constant 409600 : i32
    %add3A_731 = arith.addi %add3A_729, %add3A_730 : i32
    %dma_start3A_732 = tpu.memref_slice %arg2[%add3A_731] : memref<67108864xf32, #tpu.memory_space<hbm>> -> memref<16384xf32, #tpu.memory_space<hbm>>
    %dma_start3A_733 = tpu.memref_slice %arg2[%add3A_731] : memref<67108864xf32, #tpu.memory_space<hbm>> -> memref<16384xf32, #tpu.memory_space<hbm>>
    tpu.enqueue_dma source(%arg3 : memref<16384xf32, #tpu.memory_space<vmem>>) target(%dma_start3A_733 : memref<16384xf32, #tpu.memory_space<hbm>>) target_semaphore(%arg6 : memref<!tpu.dma_semaphore, #tpu.memory_space<semaphore_mem>>)
    %add3A_734 = arith.constant 1048576 : i32
    %add3A_735 = arith.addi %mul3A_19, %add3A_734 : i32
    %add3A_736 = arith.constant 425984 : i32
    %add3A_737 = arith.addi %add3A_735, %add3A_736 : i32
    %dma_start3A_738 = tpu.memref_slice %arg2[%add3A_737] : memref<67108864xf32, #tpu.memory_space<hbm>> -> memref<16384xf32, #tpu.memory_space<hbm>>
    %dma_start3A_739 = tpu.memref_slice %arg2[%add3A_737] : memref<67108864xf32, #tpu.memory_space<hbm>> -> memref<16384xf32, #tpu.memory_space<hbm>>
    tpu.enqueue_dma source(%arg3 : memref<16384xf32, #tpu.memory_space<vmem>>) target(%dma_start3A_739 : memref<16384xf32, #tpu.memory_space<hbm>>) target_semaphore(%arg6 : memref<!tpu.dma_semaphore, #tpu.memory_space<semaphore_mem>>)
    %add3A_740 = arith.constant 1048576 : i32
    %add3A_741 = arith.addi %mul3A_19, %add3A_740 : i32
    %add3A_742 = arith.constant 442368 : i32
    %add3A_743 = arith.addi %add3A_741, %add3A_742 : i32
    %dma_start3A_744 = tpu.memref_slice %arg2[%add3A_743] : memref<67108864xf32, #tpu.memory_space<hbm>> -> memref<16384xf32, #tpu.memory_space<hbm>>
    %dma_start3A_745 = tpu.memref_slice %arg2[%add3A_743] : memref<67108864xf32, #tpu.memory_space<hbm>> -> memref<16384xf32, #tpu.memory_space<hbm>>
    tpu.enqueue_dma source(%arg3 : memref<16384xf32, #tpu.memory_space<vmem>>) target(%dma_start3A_745 : memref<16384xf32, #tpu.memory_space<hbm>>) target_semaphore(%arg6 : memref<!tpu.dma_semaphore, #tpu.memory_space<semaphore_mem>>)
    %add3A_746 = arith.constant 1048576 : i32
    %add3A_747 = arith.addi %mul3A_19, %add3A_746 : i32
    %add3A_748 = arith.constant 458752 : i32
    %add3A_749 = arith.addi %add3A_747, %add3A_748 : i32
    %dma_start3A_750 = tpu.memref_slice %arg2[%add3A_749] : memref<67108864xf32, #tpu.memory_space<hbm>> -> memref<16384xf32, #tpu.memory_space<hbm>>
    %dma_start3A_751 = tpu.memref_slice %arg2[%add3A_749] : memref<67108864xf32, #tpu.memory_space<hbm>> -> memref<16384xf32, #tpu.memory_space<hbm>>
    tpu.enqueue_dma source(%arg3 : memref<16384xf32, #tpu.memory_space<vmem>>) target(%dma_start3A_751 : memref<16384xf32, #tpu.memory_space<hbm>>) target_semaphore(%arg6 : memref<!tpu.dma_semaphore, #tpu.memory_space<semaphore_mem>>)
    %add3A_752 = arith.constant 1048576 : i32
    %add3A_753 = arith.addi %mul3A_19, %add3A_752 : i32
    %add3A_754 = arith.constant 475136 : i32
    %add3A_755 = arith.addi %add3A_753, %add3A_754 : i32
    %dma_start3A_756 = tpu.memref_slice %arg2[%add3A_755] : memref<67108864xf32, #tpu.memory_space<hbm>> -> memref<16384xf32, #tpu.memory_space<hbm>>
    %dma_start3A_757 = tpu.memref_slice %arg2[%add3A_755] : memref<67108864xf32, #tpu.memory_space<hbm>> -> memref<16384xf32, #tpu.memory_space<hbm>>
    tpu.enqueue_dma source(%arg3 : memref<16384xf32, #tpu.memory_space<vmem>>) target(%dma_start3A_757 : memref<16384xf32, #tpu.memory_space<hbm>>) target_semaphore(%arg6 : memref<!tpu.dma_semaphore, #tpu.memory_space<semaphore_mem>>)
    %add3A_758 = arith.constant 1048576 : i32
    %add3A_759 = arith.addi %mul3A_19, %add3A_758 : i32
    %add3A_760 = arith.constant 491520 : i32
    %add3A_761 = arith.addi %add3A_759, %add3A_760 : i32
    %dma_start3A_762 = tpu.memref_slice %arg2[%add3A_761] : memref<67108864xf32, #tpu.memory_space<hbm>> -> memref<16384xf32, #tpu.memory_space<hbm>>
    %dma_start3A_763 = tpu.memref_slice %arg2[%add3A_761] : memref<67108864xf32, #tpu.memory_space<hbm>> -> memref<16384xf32, #tpu.memory_space<hbm>>
    tpu.enqueue_dma source(%arg3 : memref<16384xf32, #tpu.memory_space<vmem>>) target(%dma_start3A_763 : memref<16384xf32, #tpu.memory_space<hbm>>) target_semaphore(%arg6 : memref<!tpu.dma_semaphore, #tpu.memory_space<semaphore_mem>>)
    %add3A_764 = arith.constant 1048576 : i32
    %add3A_765 = arith.addi %mul3A_19, %add3A_764 : i32
    %add3A_766 = arith.constant 507904 : i32
    %add3A_767 = arith.addi %add3A_765, %add3A_766 : i32
    %dma_start3A_768 = tpu.memref_slice %arg2[%add3A_767] : memref<67108864xf32, #tpu.memory_space<hbm>> -> memref<16384xf32, #tpu.memory_space<hbm>>
    %dma_start3A_769 = tpu.memref_slice %arg2[%add3A_767] : memref<67108864xf32, #tpu.memory_space<hbm>> -> memref<16384xf32, #tpu.memory_space<hbm>>
    tpu.enqueue_dma source(%arg3 : memref<16384xf32, #tpu.memory_space<vmem>>) target(%dma_start3A_769 : memref<16384xf32, #tpu.memory_space<hbm>>) target_semaphore(%arg6 : memref<!tpu.dma_semaphore, #tpu.memory_space<semaphore_mem>>)
    %dma_wait3A_770 = tpu.memref_slice %arg2[%add3A_725] : memref<67108864xf32, #tpu.memory_space<hbm>> -> memref<16384xf32, #tpu.memory_space<hbm>>
    %dma_wait3A_771 = tpu.memref_slice %arg2[%add3A_725] : memref<67108864xf32, #tpu.memory_space<hbm>> -> memref<16384xf32, #tpu.memory_space<hbm>>
    tpu.wait_dma2 semaphore(%arg6 : memref<!tpu.dma_semaphore, #tpu.memory_space<semaphore_mem>>) src(%arg3 : memref<16384xf32, #tpu.memory_space<vmem>>) dst(%dma_wait3A_771 : memref<16384xf32, #tpu.memory_space<hbm>>)
    %dma_wait3A_772 = tpu.memref_slice %arg2[%add3A_731] : memref<67108864xf32, #tpu.memory_space<hbm>> -> memref<16384xf32, #tpu.memory_space<hbm>>
    %dma_wait3A_773 = tpu.memref_slice %arg2[%add3A_731] : memref<67108864xf32, #tpu.memory_space<hbm>> -> memref<16384xf32, #tpu.memory_space<hbm>>
    tpu.wait_dma2 semaphore(%arg6 : memref<!tpu.dma_semaphore, #tpu.memory_space<semaphore_mem>>) src(%arg3 : memref<16384xf32, #tpu.memory_space<vmem>>) dst(%dma_wait3A_773 : memref<16384xf32, #tpu.memory_space<hbm>>)
    %dma_wait3A_774 = tpu.memref_slice %arg2[%add3A_737] : memref<67108864xf32, #tpu.memory_space<hbm>> -> memref<16384xf32, #tpu.memory_space<hbm>>
    %dma_wait3A_775 = tpu.memref_slice %arg2[%add3A_737] : memref<67108864xf32, #tpu.memory_space<hbm>> -> memref<16384xf32, #tpu.memory_space<hbm>>
    tpu.wait_dma2 semaphore(%arg6 : memref<!tpu.dma_semaphore, #tpu.memory_space<semaphore_mem>>) src(%arg3 : memref<16384xf32, #tpu.memory_space<vmem>>) dst(%dma_wait3A_775 : memref<16384xf32, #tpu.memory_space<hbm>>)
    %dma_wait3A_776 = tpu.memref_slice %arg2[%add3A_743] : memref<67108864xf32, #tpu.memory_space<hbm>> -> memref<16384xf32, #tpu.memory_space<hbm>>
    %dma_wait3A_777 = tpu.memref_slice %arg2[%add3A_743] : memref<67108864xf32, #tpu.memory_space<hbm>> -> memref<16384xf32, #tpu.memory_space<hbm>>
    tpu.wait_dma2 semaphore(%arg6 : memref<!tpu.dma_semaphore, #tpu.memory_space<semaphore_mem>>) src(%arg3 : memref<16384xf32, #tpu.memory_space<vmem>>) dst(%dma_wait3A_777 : memref<16384xf32, #tpu.memory_space<hbm>>)
    %dma_wait3A_778 = tpu.memref_slice %arg2[%add3A_749] : memref<67108864xf32, #tpu.memory_space<hbm>> -> memref<16384xf32, #tpu.memory_space<hbm>>
    %dma_wait3A_779 = tpu.memref_slice %arg2[%add3A_749] : memref<67108864xf32, #tpu.memory_space<hbm>> -> memref<16384xf32, #tpu.memory_space<hbm>>
    tpu.wait_dma2 semaphore(%arg6 : memref<!tpu.dma_semaphore, #tpu.memory_space<semaphore_mem>>) src(%arg3 : memref<16384xf32, #tpu.memory_space<vmem>>) dst(%dma_wait3A_779 : memref<16384xf32, #tpu.memory_space<hbm>>)
    %dma_wait3A_780 = tpu.memref_slice %arg2[%add3A_755] : memref<67108864xf32, #tpu.memory_space<hbm>> -> memref<16384xf32, #tpu.memory_space<hbm>>
    %dma_wait3A_781 = tpu.memref_slice %arg2[%add3A_755] : memref<67108864xf32, #tpu.memory_space<hbm>> -> memref<16384xf32, #tpu.memory_space<hbm>>
    tpu.wait_dma2 semaphore(%arg6 : memref<!tpu.dma_semaphore, #tpu.memory_space<semaphore_mem>>) src(%arg3 : memref<16384xf32, #tpu.memory_space<vmem>>) dst(%dma_wait3A_781 : memref<16384xf32, #tpu.memory_space<hbm>>)
    %dma_wait3A_782 = tpu.memref_slice %arg2[%add3A_761] : memref<67108864xf32, #tpu.memory_space<hbm>> -> memref<16384xf32, #tpu.memory_space<hbm>>
    %dma_wait3A_783 = tpu.memref_slice %arg2[%add3A_761] : memref<67108864xf32, #tpu.memory_space<hbm>> -> memref<16384xf32, #tpu.memory_space<hbm>>
    tpu.wait_dma2 semaphore(%arg6 : memref<!tpu.dma_semaphore, #tpu.memory_space<semaphore_mem>>) src(%arg3 : memref<16384xf32, #tpu.memory_space<vmem>>) dst(%dma_wait3A_783 : memref<16384xf32, #tpu.memory_space<hbm>>)
    %dma_wait3A_784 = tpu.memref_slice %arg2[%add3A_767] : memref<67108864xf32, #tpu.memory_space<hbm>> -> memref<16384xf32, #tpu.memory_space<hbm>>
    %dma_wait3A_785 = tpu.memref_slice %arg2[%add3A_767] : memref<67108864xf32, #tpu.memory_space<hbm>> -> memref<16384xf32, #tpu.memory_space<hbm>>
    tpu.wait_dma2 semaphore(%arg6 : memref<!tpu.dma_semaphore, #tpu.memory_space<semaphore_mem>>) src(%arg3 : memref<16384xf32, #tpu.memory_space<vmem>>) dst(%dma_wait3A_785 : memref<16384xf32, #tpu.memory_space<hbm>>)
    %add3A_786 = arith.constant 1048576 : i32
    %add3A_787 = arith.addi %mul3A_19, %add3A_786 : i32
    %add3A_788 = arith.constant 524288 : i32
    %add3A_789 = arith.addi %add3A_787, %add3A_788 : i32
    %dma_start3A_790 = tpu.memref_slice %arg2[%add3A_789] : memref<67108864xf32, #tpu.memory_space<hbm>> -> memref<16384xf32, #tpu.memory_space<hbm>>
    %dma_start3A_791 = tpu.memref_slice %arg2[%add3A_789] : memref<67108864xf32, #tpu.memory_space<hbm>> -> memref<16384xf32, #tpu.memory_space<hbm>>
    tpu.enqueue_dma source(%arg5 : memref<16384xf32, #tpu.memory_space<vmem>>) target(%dma_start3A_791 : memref<16384xf32, #tpu.memory_space<hbm>>) target_semaphore(%arg6 : memref<!tpu.dma_semaphore, #tpu.memory_space<semaphore_mem>>)
    %add3A_792 = arith.constant 1048576 : i32
    %add3A_793 = arith.addi %mul3A_19, %add3A_792 : i32
    %add3A_794 = arith.constant 540672 : i32
    %add3A_795 = arith.addi %add3A_793, %add3A_794 : i32
    %dma_start3A_796 = tpu.memref_slice %arg2[%add3A_795] : memref<67108864xf32, #tpu.memory_space<hbm>> -> memref<16384xf32, #tpu.memory_space<hbm>>
    %dma_start3A_797 = tpu.memref_slice %arg2[%add3A_795] : memref<67108864xf32, #tpu.memory_space<hbm>> -> memref<16384xf32, #tpu.memory_space<hbm>>
    tpu.enqueue_dma source(%arg4 : memref<16384xf32, #tpu.memory_space<vmem>>) target(%dma_start3A_797 : memref<16384xf32, #tpu.memory_space<hbm>>) target_semaphore(%arg6 : memref<!tpu.dma_semaphore, #tpu.memory_space<semaphore_mem>>)
    %add3A_798 = arith.constant 1048576 : i32
    %add3A_799 = arith.addi %mul3A_19, %add3A_798 : i32
    %add3A_800 = arith.constant 557056 : i32
    %add3A_801 = arith.addi %add3A_799, %add3A_800 : i32
    %dma_start3A_802 = tpu.memref_slice %arg2[%add3A_801] : memref<67108864xf32, #tpu.memory_space<hbm>> -> memref<16384xf32, #tpu.memory_space<hbm>>
    %dma_start3A_803 = tpu.memref_slice %arg2[%add3A_801] : memref<67108864xf32, #tpu.memory_space<hbm>> -> memref<16384xf32, #tpu.memory_space<hbm>>
    tpu.enqueue_dma source(%arg4 : memref<16384xf32, #tpu.memory_space<vmem>>) target(%dma_start3A_803 : memref<16384xf32, #tpu.memory_space<hbm>>) target_semaphore(%arg6 : memref<!tpu.dma_semaphore, #tpu.memory_space<semaphore_mem>>)
    %add3A_804 = arith.constant 1048576 : i32
    %add3A_805 = arith.addi %mul3A_19, %add3A_804 : i32
    %add3A_806 = arith.constant 573440 : i32
    %add3A_807 = arith.addi %add3A_805, %add3A_806 : i32
    %dma_start3A_808 = tpu.memref_slice %arg2[%add3A_807] : memref<67108864xf32, #tpu.memory_space<hbm>> -> memref<16384xf32, #tpu.memory_space<hbm>>
    %dma_start3A_809 = tpu.memref_slice %arg2[%add3A_807] : memref<67108864xf32, #tpu.memory_space<hbm>> -> memref<16384xf32, #tpu.memory_space<hbm>>
    tpu.enqueue_dma source(%arg4 : memref<16384xf32, #tpu.memory_space<vmem>>) target(%dma_start3A_809 : memref<16384xf32, #tpu.memory_space<hbm>>) target_semaphore(%arg6 : memref<!tpu.dma_semaphore, #tpu.memory_space<semaphore_mem>>)
    %add3A_810 = arith.constant 1048576 : i32
    %add3A_811 = arith.addi %mul3A_19, %add3A_810 : i32
    %add3A_812 = arith.constant 589824 : i32
    %add3A_813 = arith.addi %add3A_811, %add3A_812 : i32
    %dma_start3A_814 = tpu.memref_slice %arg2[%add3A_813] : memref<67108864xf32, #tpu.memory_space<hbm>> -> memref<16384xf32, #tpu.memory_space<hbm>>
    %dma_start3A_815 = tpu.memref_slice %arg2[%add3A_813] : memref<67108864xf32, #tpu.memory_space<hbm>> -> memref<16384xf32, #tpu.memory_space<hbm>>
    tpu.enqueue_dma source(%arg4 : memref<16384xf32, #tpu.memory_space<vmem>>) target(%dma_start3A_815 : memref<16384xf32, #tpu.memory_space<hbm>>) target_semaphore(%arg6 : memref<!tpu.dma_semaphore, #tpu.memory_space<semaphore_mem>>)
    %add3A_816 = arith.constant 1048576 : i32
    %add3A_817 = arith.addi %mul3A_19, %add3A_816 : i32
    %add3A_818 = arith.constant 606208 : i32
    %add3A_819 = arith.addi %add3A_817, %add3A_818 : i32
    %dma_start3A_820 = tpu.memref_slice %arg2[%add3A_819] : memref<67108864xf32, #tpu.memory_space<hbm>> -> memref<16384xf32, #tpu.memory_space<hbm>>
    %dma_start3A_821 = tpu.memref_slice %arg2[%add3A_819] : memref<67108864xf32, #tpu.memory_space<hbm>> -> memref<16384xf32, #tpu.memory_space<hbm>>
    tpu.enqueue_dma source(%arg4 : memref<16384xf32, #tpu.memory_space<vmem>>) target(%dma_start3A_821 : memref<16384xf32, #tpu.memory_space<hbm>>) target_semaphore(%arg6 : memref<!tpu.dma_semaphore, #tpu.memory_space<semaphore_mem>>)
    %add3A_822 = arith.constant 1048576 : i32
    %add3A_823 = arith.addi %mul3A_19, %add3A_822 : i32
    %add3A_824 = arith.constant 622592 : i32
    %add3A_825 = arith.addi %add3A_823, %add3A_824 : i32
    %dma_start3A_826 = tpu.memref_slice %arg2[%add3A_825] : memref<67108864xf32, #tpu.memory_space<hbm>> -> memref<16384xf32, #tpu.memory_space<hbm>>
    %dma_start3A_827 = tpu.memref_slice %arg2[%add3A_825] : memref<67108864xf32, #tpu.memory_space<hbm>> -> memref<16384xf32, #tpu.memory_space<hbm>>
    tpu.enqueue_dma source(%arg4 : memref<16384xf32, #tpu.memory_space<vmem>>) target(%dma_start3A_827 : memref<16384xf32, #tpu.memory_space<hbm>>) target_semaphore(%arg6 : memref<!tpu.dma_semaphore, #tpu.memory_space<semaphore_mem>>)
    %add3A_828 = arith.constant 1048576 : i32
    %add3A_829 = arith.addi %mul3A_19, %add3A_828 : i32
    %add3A_830 = arith.constant 638976 : i32
    %add3A_831 = arith.addi %add3A_829, %add3A_830 : i32
    %dma_start3A_832 = tpu.memref_slice %arg2[%add3A_831] : memref<67108864xf32, #tpu.memory_space<hbm>> -> memref<16384xf32, #tpu.memory_space<hbm>>
    %dma_start3A_833 = tpu.memref_slice %arg2[%add3A_831] : memref<67108864xf32, #tpu.memory_space<hbm>> -> memref<16384xf32, #tpu.memory_space<hbm>>
    tpu.enqueue_dma source(%arg4 : memref<16384xf32, #tpu.memory_space<vmem>>) target(%dma_start3A_833 : memref<16384xf32, #tpu.memory_space<hbm>>) target_semaphore(%arg6 : memref<!tpu.dma_semaphore, #tpu.memory_space<semaphore_mem>>)
    %dma_wait3A_834 = tpu.memref_slice %arg2[%add3A_789] : memref<67108864xf32, #tpu.memory_space<hbm>> -> memref<16384xf32, #tpu.memory_space<hbm>>
    %dma_wait3A_835 = tpu.memref_slice %arg2[%add3A_789] : memref<67108864xf32, #tpu.memory_space<hbm>> -> memref<16384xf32, #tpu.memory_space<hbm>>
    tpu.wait_dma2 semaphore(%arg6 : memref<!tpu.dma_semaphore, #tpu.memory_space<semaphore_mem>>) src(%arg5 : memref<16384xf32, #tpu.memory_space<vmem>>) dst(%dma_wait3A_835 : memref<16384xf32, #tpu.memory_space<hbm>>)
    %dma_wait3A_836 = tpu.memref_slice %arg2[%add3A_795] : memref<67108864xf32, #tpu.memory_space<hbm>> -> memref<16384xf32, #tpu.memory_space<hbm>>
    %dma_wait3A_837 = tpu.memref_slice %arg2[%add3A_795] : memref<67108864xf32, #tpu.memory_space<hbm>> -> memref<16384xf32, #tpu.memory_space<hbm>>
    tpu.wait_dma2 semaphore(%arg6 : memref<!tpu.dma_semaphore, #tpu.memory_space<semaphore_mem>>) src(%arg4 : memref<16384xf32, #tpu.memory_space<vmem>>) dst(%dma_wait3A_837 : memref<16384xf32, #tpu.memory_space<hbm>>)
    %dma_wait3A_838 = tpu.memref_slice %arg2[%add3A_801] : memref<67108864xf32, #tpu.memory_space<hbm>> -> memref<16384xf32, #tpu.memory_space<hbm>>
    %dma_wait3A_839 = tpu.memref_slice %arg2[%add3A_801] : memref<67108864xf32, #tpu.memory_space<hbm>> -> memref<16384xf32, #tpu.memory_space<hbm>>
    tpu.wait_dma2 semaphore(%arg6 : memref<!tpu.dma_semaphore, #tpu.memory_space<semaphore_mem>>) src(%arg4 : memref<16384xf32, #tpu.memory_space<vmem>>) dst(%dma_wait3A_839 : memref<16384xf32, #tpu.memory_space<hbm>>)
    %dma_wait3A_840 = tpu.memref_slice %arg2[%add3A_807] : memref<67108864xf32, #tpu.memory_space<hbm>> -> memref<16384xf32, #tpu.memory_space<hbm>>
    %dma_wait3A_841 = tpu.memref_slice %arg2[%add3A_807] : memref<67108864xf32, #tpu.memory_space<hbm>> -> memref<16384xf32, #tpu.memory_space<hbm>>
    tpu.wait_dma2 semaphore(%arg6 : memref<!tpu.dma_semaphore, #tpu.memory_space<semaphore_mem>>) src(%arg4 : memref<16384xf32, #tpu.memory_space<vmem>>) dst(%dma_wait3A_841 : memref<16384xf32, #tpu.memory_space<hbm>>)
    %dma_wait3A_842 = tpu.memref_slice %arg2[%add3A_813] : memref<67108864xf32, #tpu.memory_space<hbm>> -> memref<16384xf32, #tpu.memory_space<hbm>>
    %dma_wait3A_843 = tpu.memref_slice %arg2[%add3A_813] : memref<67108864xf32, #tpu.memory_space<hbm>> -> memref<16384xf32, #tpu.memory_space<hbm>>
    tpu.wait_dma2 semaphore(%arg6 : memref<!tpu.dma_semaphore, #tpu.memory_space<semaphore_mem>>) src(%arg4 : memref<16384xf32, #tpu.memory_space<vmem>>) dst(%dma_wait3A_843 : memref<16384xf32, #tpu.memory_space<hbm>>)
    %dma_wait3A_844 = tpu.memref_slice %arg2[%add3A_819] : memref<67108864xf32, #tpu.memory_space<hbm>> -> memref<16384xf32, #tpu.memory_space<hbm>>
    %dma_wait3A_845 = tpu.memref_slice %arg2[%add3A_819] : memref<67108864xf32, #tpu.memory_space<hbm>> -> memref<16384xf32, #tpu.memory_space<hbm>>
    tpu.wait_dma2 semaphore(%arg6 : memref<!tpu.dma_semaphore, #tpu.memory_space<semaphore_mem>>) src(%arg4 : memref<16384xf32, #tpu.memory_space<vmem>>) dst(%dma_wait3A_845 : memref<16384xf32, #tpu.memory_space<hbm>>)
    %dma_wait3A_846 = tpu.memref_slice %arg2[%add3A_825] : memref<67108864xf32, #tpu.memory_space<hbm>> -> memref<16384xf32, #tpu.memory_space<hbm>>
    %dma_wait3A_847 = tpu.memref_slice %arg2[%add3A_825] : memref<67108864xf32, #tpu.memory_space<hbm>> -> memref<16384xf32, #tpu.memory_space<hbm>>
    tpu.wait_dma2 semaphore(%arg6 : memref<!tpu.dma_semaphore, #tpu.memory_space<semaphore_mem>>) src(%arg4 : memref<16384xf32, #tpu.memory_space<vmem>>) dst(%dma_wait3A_847 : memref<16384xf32, #tpu.memory_space<hbm>>)
    %dma_wait3A_848 = tpu.memref_slice %arg2[%add3A_831] : memref<67108864xf32, #tpu.memory_space<hbm>> -> memref<16384xf32, #tpu.memory_space<hbm>>
    %dma_wait3A_849 = tpu.memref_slice %arg2[%add3A_831] : memref<67108864xf32, #tpu.memory_space<hbm>> -> memref<16384xf32, #tpu.memory_space<hbm>>
    tpu.wait_dma2 semaphore(%arg6 : memref<!tpu.dma_semaphore, #tpu.memory_space<semaphore_mem>>) src(%arg4 : memref<16384xf32, #tpu.memory_space<vmem>>) dst(%dma_wait3A_849 : memref<16384xf32, #tpu.memory_space<hbm>>)
    %add3A_850 = arith.constant 1048576 : i32
    %add3A_851 = arith.addi %mul3A_19, %add3A_850 : i32
    %add3A_852 = arith.constant 655360 : i32
    %add3A_853 = arith.addi %add3A_851, %add3A_852 : i32
    %dma_start3A_854 = tpu.memref_slice %arg2[%add3A_853] : memref<67108864xf32, #tpu.memory_space<hbm>> -> memref<16384xf32, #tpu.memory_space<hbm>>
    %dma_start3A_855 = tpu.memref_slice %arg2[%add3A_853] : memref<67108864xf32, #tpu.memory_space<hbm>> -> memref<16384xf32, #tpu.memory_space<hbm>>
    tpu.enqueue_dma source(%arg4 : memref<16384xf32, #tpu.memory_space<vmem>>) target(%dma_start3A_855 : memref<16384xf32, #tpu.memory_space<hbm>>) target_semaphore(%arg6 : memref<!tpu.dma_semaphore, #tpu.memory_space<semaphore_mem>>)
    %add3A_856 = arith.constant 1048576 : i32
    %add3A_857 = arith.addi %mul3A_19, %add3A_856 : i32
    %add3A_858 = arith.constant 671744 : i32
    %add3A_859 = arith.addi %add3A_857, %add3A_858 : i32
    %dma_start3A_860 = tpu.memref_slice %arg2[%add3A_859] : memref<67108864xf32, #tpu.memory_space<hbm>> -> memref<16384xf32, #tpu.memory_space<hbm>>
    %dma_start3A_861 = tpu.memref_slice %arg2[%add3A_859] : memref<67108864xf32, #tpu.memory_space<hbm>> -> memref<16384xf32, #tpu.memory_space<hbm>>
    tpu.enqueue_dma source(%arg4 : memref<16384xf32, #tpu.memory_space<vmem>>) target(%dma_start3A_861 : memref<16384xf32, #tpu.memory_space<hbm>>) target_semaphore(%arg6 : memref<!tpu.dma_semaphore, #tpu.memory_space<semaphore_mem>>)
    %add3A_862 = arith.constant 1048576 : i32
    %add3A_863 = arith.addi %mul3A_19, %add3A_862 : i32
    %add3A_864 = arith.constant 688128 : i32
    %add3A_865 = arith.addi %add3A_863, %add3A_864 : i32
    %dma_start3A_866 = tpu.memref_slice %arg2[%add3A_865] : memref<67108864xf32, #tpu.memory_space<hbm>> -> memref<16384xf32, #tpu.memory_space<hbm>>
    %dma_start3A_867 = tpu.memref_slice %arg2[%add3A_865] : memref<67108864xf32, #tpu.memory_space<hbm>> -> memref<16384xf32, #tpu.memory_space<hbm>>
    tpu.enqueue_dma source(%arg4 : memref<16384xf32, #tpu.memory_space<vmem>>) target(%dma_start3A_867 : memref<16384xf32, #tpu.memory_space<hbm>>) target_semaphore(%arg6 : memref<!tpu.dma_semaphore, #tpu.memory_space<semaphore_mem>>)
    %add3A_868 = arith.constant 1048576 : i32
    %add3A_869 = arith.addi %mul3A_19, %add3A_868 : i32
    %add3A_870 = arith.constant 704512 : i32
    %add3A_871 = arith.addi %add3A_869, %add3A_870 : i32
    %dma_start3A_872 = tpu.memref_slice %arg2[%add3A_871] : memref<67108864xf32, #tpu.memory_space<hbm>> -> memref<16384xf32, #tpu.memory_space<hbm>>
    %dma_start3A_873 = tpu.memref_slice %arg2[%add3A_871] : memref<67108864xf32, #tpu.memory_space<hbm>> -> memref<16384xf32, #tpu.memory_space<hbm>>
    tpu.enqueue_dma source(%arg4 : memref<16384xf32, #tpu.memory_space<vmem>>) target(%dma_start3A_873 : memref<16384xf32, #tpu.memory_space<hbm>>) target_semaphore(%arg6 : memref<!tpu.dma_semaphore, #tpu.memory_space<semaphore_mem>>)
    %add3A_874 = arith.constant 1048576 : i32
    %add3A_875 = arith.addi %mul3A_19, %add3A_874 : i32
    %add3A_876 = arith.constant 720896 : i32
    %add3A_877 = arith.addi %add3A_875, %add3A_876 : i32
    %dma_start3A_878 = tpu.memref_slice %arg2[%add3A_877] : memref<67108864xf32, #tpu.memory_space<hbm>> -> memref<16384xf32, #tpu.memory_space<hbm>>
    %dma_start3A_879 = tpu.memref_slice %arg2[%add3A_877] : memref<67108864xf32, #tpu.memory_space<hbm>> -> memref<16384xf32, #tpu.memory_space<hbm>>
    tpu.enqueue_dma source(%arg4 : memref<16384xf32, #tpu.memory_space<vmem>>) target(%dma_start3A_879 : memref<16384xf32, #tpu.memory_space<hbm>>) target_semaphore(%arg6 : memref<!tpu.dma_semaphore, #tpu.memory_space<semaphore_mem>>)
    %add3A_880 = arith.constant 1048576 : i32
    %add3A_881 = arith.addi %mul3A_19, %add3A_880 : i32
    %add3A_882 = arith.constant 737280 : i32
    %add3A_883 = arith.addi %add3A_881, %add3A_882 : i32
    %dma_start3A_884 = tpu.memref_slice %arg2[%add3A_883] : memref<67108864xf32, #tpu.memory_space<hbm>> -> memref<16384xf32, #tpu.memory_space<hbm>>
    %dma_start3A_885 = tpu.memref_slice %arg2[%add3A_883] : memref<67108864xf32, #tpu.memory_space<hbm>> -> memref<16384xf32, #tpu.memory_space<hbm>>
    tpu.enqueue_dma source(%arg4 : memref<16384xf32, #tpu.memory_space<vmem>>) target(%dma_start3A_885 : memref<16384xf32, #tpu.memory_space<hbm>>) target_semaphore(%arg6 : memref<!tpu.dma_semaphore, #tpu.memory_space<semaphore_mem>>)
    %add3A_886 = arith.constant 1048576 : i32
    %add3A_887 = arith.addi %mul3A_19, %add3A_886 : i32
    %add3A_888 = arith.constant 753664 : i32
    %add3A_889 = arith.addi %add3A_887, %add3A_888 : i32
    %dma_start3A_890 = tpu.memref_slice %arg2[%add3A_889] : memref<67108864xf32, #tpu.memory_space<hbm>> -> memref<16384xf32, #tpu.memory_space<hbm>>
    %dma_start3A_891 = tpu.memref_slice %arg2[%add3A_889] : memref<67108864xf32, #tpu.memory_space<hbm>> -> memref<16384xf32, #tpu.memory_space<hbm>>
    tpu.enqueue_dma source(%arg4 : memref<16384xf32, #tpu.memory_space<vmem>>) target(%dma_start3A_891 : memref<16384xf32, #tpu.memory_space<hbm>>) target_semaphore(%arg6 : memref<!tpu.dma_semaphore, #tpu.memory_space<semaphore_mem>>)
    %add3A_892 = arith.constant 1048576 : i32
    %add3A_893 = arith.addi %mul3A_19, %add3A_892 : i32
    %add3A_894 = arith.constant 770048 : i32
    %add3A_895 = arith.addi %add3A_893, %add3A_894 : i32
    %dma_start3A_896 = tpu.memref_slice %arg2[%add3A_895] : memref<67108864xf32, #tpu.memory_space<hbm>> -> memref<16384xf32, #tpu.memory_space<hbm>>
    %dma_start3A_897 = tpu.memref_slice %arg2[%add3A_895] : memref<67108864xf32, #tpu.memory_space<hbm>> -> memref<16384xf32, #tpu.memory_space<hbm>>
    tpu.enqueue_dma source(%arg4 : memref<16384xf32, #tpu.memory_space<vmem>>) target(%dma_start3A_897 : memref<16384xf32, #tpu.memory_space<hbm>>) target_semaphore(%arg6 : memref<!tpu.dma_semaphore, #tpu.memory_space<semaphore_mem>>)
    %dma_wait3A_898 = tpu.memref_slice %arg2[%add3A_853] : memref<67108864xf32, #tpu.memory_space<hbm>> -> memref<16384xf32, #tpu.memory_space<hbm>>
    %dma_wait3A_899 = tpu.memref_slice %arg2[%add3A_853] : memref<67108864xf32, #tpu.memory_space<hbm>> -> memref<16384xf32, #tpu.memory_space<hbm>>
    tpu.wait_dma2 semaphore(%arg6 : memref<!tpu.dma_semaphore, #tpu.memory_space<semaphore_mem>>) src(%arg4 : memref<16384xf32, #tpu.memory_space<vmem>>) dst(%dma_wait3A_899 : memref<16384xf32, #tpu.memory_space<hbm>>)
    %dma_wait3A_900 = tpu.memref_slice %arg2[%add3A_859] : memref<67108864xf32, #tpu.memory_space<hbm>> -> memref<16384xf32, #tpu.memory_space<hbm>>
    %dma_wait3A_901 = tpu.memref_slice %arg2[%add3A_859] : memref<67108864xf32, #tpu.memory_space<hbm>> -> memref<16384xf32, #tpu.memory_space<hbm>>
    tpu.wait_dma2 semaphore(%arg6 : memref<!tpu.dma_semaphore, #tpu.memory_space<semaphore_mem>>) src(%arg4 : memref<16384xf32, #tpu.memory_space<vmem>>) dst(%dma_wait3A_901 : memref<16384xf32, #tpu.memory_space<hbm>>)
    %dma_wait3A_902 = tpu.memref_slice %arg2[%add3A_865] : memref<67108864xf32, #tpu.memory_space<hbm>> -> memref<16384xf32, #tpu.memory_space<hbm>>
    %dma_wait3A_903 = tpu.memref_slice %arg2[%add3A_865] : memref<67108864xf32, #tpu.memory_space<hbm>> -> memref<16384xf32, #tpu.memory_space<hbm>>
    tpu.wait_dma2 semaphore(%arg6 : memref<!tpu.dma_semaphore, #tpu.memory_space<semaphore_mem>>) src(%arg4 : memref<16384xf32, #tpu.memory_space<vmem>>) dst(%dma_wait3A_903 : memref<16384xf32, #tpu.memory_space<hbm>>)
    %dma_wait3A_904 = tpu.memref_slice %arg2[%add3A_871] : memref<67108864xf32, #tpu.memory_space<hbm>> -> memref<16384xf32, #tpu.memory_space<hbm>>
    %dma_wait3A_905 = tpu.memref_slice %arg2[%add3A_871] : memref<67108864xf32, #tpu.memory_space<hbm>> -> memref<16384xf32, #tpu.memory_space<hbm>>
    tpu.wait_dma2 semaphore(%arg6 : memref<!tpu.dma_semaphore, #tpu.memory_space<semaphore_mem>>) src(%arg4 : memref<16384xf32, #tpu.memory_space<vmem>>) dst(%dma_wait3A_905 : memref<16384xf32, #tpu.memory_space<hbm>>)
    %dma_wait3A_906 = tpu.memref_slice %arg2[%add3A_877] : memref<67108864xf32, #tpu.memory_space<hbm>> -> memref<16384xf32, #tpu.memory_space<hbm>>
    %dma_wait3A_907 = tpu.memref_slice %arg2[%add3A_877] : memref<67108864xf32, #tpu.memory_space<hbm>> -> memref<16384xf32, #tpu.memory_space<hbm>>
    tpu.wait_dma2 semaphore(%arg6 : memref<!tpu.dma_semaphore, #tpu.memory_space<semaphore_mem>>) src(%arg4 : memref<16384xf32, #tpu.memory_space<vmem>>) dst(%dma_wait3A_907 : memref<16384xf32, #tpu.memory_space<hbm>>)
    %dma_wait3A_908 = tpu.memref_slice %arg2[%add3A_883] : memref<67108864xf32, #tpu.memory_space<hbm>> -> memref<16384xf32, #tpu.memory_space<hbm>>
    %dma_wait3A_909 = tpu.memref_slice %arg2[%add3A_883] : memref<67108864xf32, #tpu.memory_space<hbm>> -> memref<16384xf32, #tpu.memory_space<hbm>>
    tpu.wait_dma2 semaphore(%arg6 : memref<!tpu.dma_semaphore, #tpu.memory_space<semaphore_mem>>) src(%arg4 : memref<16384xf32, #tpu.memory_space<vmem>>) dst(%dma_wait3A_909 : memref<16384xf32, #tpu.memory_space<hbm>>)
    %dma_wait3A_910 = tpu.memref_slice %arg2[%add3A_889] : memref<67108864xf32, #tpu.memory_space<hbm>> -> memref<16384xf32, #tpu.memory_space<hbm>>
    %dma_wait3A_911 = tpu.memref_slice %arg2[%add3A_889] : memref<67108864xf32, #tpu.memory_space<hbm>> -> memref<16384xf32, #tpu.memory_space<hbm>>
    tpu.wait_dma2 semaphore(%arg6 : memref<!tpu.dma_semaphore, #tpu.memory_space<semaphore_mem>>) src(%arg4 : memref<16384xf32, #tpu.memory_space<vmem>>) dst(%dma_wait3A_911 : memref<16384xf32, #tpu.memory_space<hbm>>)
    %dma_wait3A_912 = tpu.memref_slice %arg2[%add3A_895] : memref<67108864xf32, #tpu.memory_space<hbm>> -> memref<16384xf32, #tpu.memory_space<hbm>>
    %dma_wait3A_913 = tpu.memref_slice %arg2[%add3A_895] : memref<67108864xf32, #tpu.memory_space<hbm>> -> memref<16384xf32, #tpu.memory_space<hbm>>
    tpu.wait_dma2 semaphore(%arg6 : memref<!tpu.dma_semaphore, #tpu.memory_space<semaphore_mem>>) src(%arg4 : memref<16384xf32, #tpu.memory_space<vmem>>) dst(%dma_wait3A_913 : memref<16384xf32, #tpu.memory_space<hbm>>)
    %add3A_914 = arith.constant 1048576 : i32
    %add3A_915 = arith.addi %mul3A_19, %add3A_914 : i32
    %add3A_916 = arith.constant 786432 : i32
    %add3A_917 = arith.addi %add3A_915, %add3A_916 : i32
    %dma_start3A_918 = tpu.memref_slice %arg2[%add3A_917] : memref<67108864xf32, #tpu.memory_space<hbm>> -> memref<16384xf32, #tpu.memory_space<hbm>>
    %dma_start3A_919 = tpu.memref_slice %arg2[%add3A_917] : memref<67108864xf32, #tpu.memory_space<hbm>> -> memref<16384xf32, #tpu.memory_space<hbm>>
    tpu.enqueue_dma source(%arg4 : memref<16384xf32, #tpu.memory_space<vmem>>) target(%dma_start3A_919 : memref<16384xf32, #tpu.memory_space<hbm>>) target_semaphore(%arg6 : memref<!tpu.dma_semaphore, #tpu.memory_space<semaphore_mem>>)
    %add3A_920 = arith.constant 1048576 : i32
    %add3A_921 = arith.addi %mul3A_19, %add3A_920 : i32
    %add3A_922 = arith.constant 802816 : i32
    %add3A_923 = arith.addi %add3A_921, %add3A_922 : i32
    %dma_start3A_924 = tpu.memref_slice %arg2[%add3A_923] : memref<67108864xf32, #tpu.memory_space<hbm>> -> memref<16384xf32, #tpu.memory_space<hbm>>
    %dma_start3A_925 = tpu.memref_slice %arg2[%add3A_923] : memref<67108864xf32, #tpu.memory_space<hbm>> -> memref<16384xf32, #tpu.memory_space<hbm>>
    tpu.enqueue_dma source(%arg4 : memref<16384xf32, #tpu.memory_space<vmem>>) target(%dma_start3A_925 : memref<16384xf32, #tpu.memory_space<hbm>>) target_semaphore(%arg6 : memref<!tpu.dma_semaphore, #tpu.memory_space<semaphore_mem>>)
    %add3A_926 = arith.constant 1048576 : i32
    %add3A_927 = arith.addi %mul3A_19, %add3A_926 : i32
    %add3A_928 = arith.constant 819200 : i32
    %add3A_929 = arith.addi %add3A_927, %add3A_928 : i32
    %dma_start3A_930 = tpu.memref_slice %arg2[%add3A_929] : memref<67108864xf32, #tpu.memory_space<hbm>> -> memref<16384xf32, #tpu.memory_space<hbm>>
    %dma_start3A_931 = tpu.memref_slice %arg2[%add3A_929] : memref<67108864xf32, #tpu.memory_space<hbm>> -> memref<16384xf32, #tpu.memory_space<hbm>>
    tpu.enqueue_dma source(%arg4 : memref<16384xf32, #tpu.memory_space<vmem>>) target(%dma_start3A_931 : memref<16384xf32, #tpu.memory_space<hbm>>) target_semaphore(%arg6 : memref<!tpu.dma_semaphore, #tpu.memory_space<semaphore_mem>>)
    %add3A_932 = arith.constant 1048576 : i32
    %add3A_933 = arith.addi %mul3A_19, %add3A_932 : i32
    %add3A_934 = arith.constant 835584 : i32
    %add3A_935 = arith.addi %add3A_933, %add3A_934 : i32
    %dma_start3A_936 = tpu.memref_slice %arg2[%add3A_935] : memref<67108864xf32, #tpu.memory_space<hbm>> -> memref<16384xf32, #tpu.memory_space<hbm>>
    %dma_start3A_937 = tpu.memref_slice %arg2[%add3A_935] : memref<67108864xf32, #tpu.memory_space<hbm>> -> memref<16384xf32, #tpu.memory_space<hbm>>
    tpu.enqueue_dma source(%arg4 : memref<16384xf32, #tpu.memory_space<vmem>>) target(%dma_start3A_937 : memref<16384xf32, #tpu.memory_space<hbm>>) target_semaphore(%arg6 : memref<!tpu.dma_semaphore, #tpu.memory_space<semaphore_mem>>)
    %add3A_938 = arith.constant 1048576 : i32
    %add3A_939 = arith.addi %mul3A_19, %add3A_938 : i32
    %add3A_940 = arith.constant 851968 : i32
    %add3A_941 = arith.addi %add3A_939, %add3A_940 : i32
    %dma_start3A_942 = tpu.memref_slice %arg2[%add3A_941] : memref<67108864xf32, #tpu.memory_space<hbm>> -> memref<16384xf32, #tpu.memory_space<hbm>>
    %dma_start3A_943 = tpu.memref_slice %arg2[%add3A_941] : memref<67108864xf32, #tpu.memory_space<hbm>> -> memref<16384xf32, #tpu.memory_space<hbm>>
    tpu.enqueue_dma source(%arg4 : memref<16384xf32, #tpu.memory_space<vmem>>) target(%dma_start3A_943 : memref<16384xf32, #tpu.memory_space<hbm>>) target_semaphore(%arg6 : memref<!tpu.dma_semaphore, #tpu.memory_space<semaphore_mem>>)
    %add3A_944 = arith.constant 1048576 : i32
    %add3A_945 = arith.addi %mul3A_19, %add3A_944 : i32
    %add3A_946 = arith.constant 868352 : i32
    %add3A_947 = arith.addi %add3A_945, %add3A_946 : i32
    %dma_start3A_948 = tpu.memref_slice %arg2[%add3A_947] : memref<67108864xf32, #tpu.memory_space<hbm>> -> memref<16384xf32, #tpu.memory_space<hbm>>
    %dma_start3A_949 = tpu.memref_slice %arg2[%add3A_947] : memref<67108864xf32, #tpu.memory_space<hbm>> -> memref<16384xf32, #tpu.memory_space<hbm>>
    tpu.enqueue_dma source(%arg4 : memref<16384xf32, #tpu.memory_space<vmem>>) target(%dma_start3A_949 : memref<16384xf32, #tpu.memory_space<hbm>>) target_semaphore(%arg6 : memref<!tpu.dma_semaphore, #tpu.memory_space<semaphore_mem>>)
    %add3A_950 = arith.constant 1048576 : i32
    %add3A_951 = arith.addi %mul3A_19, %add3A_950 : i32
    %add3A_952 = arith.constant 884736 : i32
    %add3A_953 = arith.addi %add3A_951, %add3A_952 : i32
    %dma_start3A_954 = tpu.memref_slice %arg2[%add3A_953] : memref<67108864xf32, #tpu.memory_space<hbm>> -> memref<16384xf32, #tpu.memory_space<hbm>>
    %dma_start3A_955 = tpu.memref_slice %arg2[%add3A_953] : memref<67108864xf32, #tpu.memory_space<hbm>> -> memref<16384xf32, #tpu.memory_space<hbm>>
    tpu.enqueue_dma source(%arg4 : memref<16384xf32, #tpu.memory_space<vmem>>) target(%dma_start3A_955 : memref<16384xf32, #tpu.memory_space<hbm>>) target_semaphore(%arg6 : memref<!tpu.dma_semaphore, #tpu.memory_space<semaphore_mem>>)
    %add3A_956 = arith.constant 1048576 : i32
    %add3A_957 = arith.addi %mul3A_19, %add3A_956 : i32
    %add3A_958 = arith.constant 901120 : i32
    %add3A_959 = arith.addi %add3A_957, %add3A_958 : i32
    %dma_start3A_960 = tpu.memref_slice %arg2[%add3A_959] : memref<67108864xf32, #tpu.memory_space<hbm>> -> memref<16384xf32, #tpu.memory_space<hbm>>
    %dma_start3A_961 = tpu.memref_slice %arg2[%add3A_959] : memref<67108864xf32, #tpu.memory_space<hbm>> -> memref<16384xf32, #tpu.memory_space<hbm>>
    tpu.enqueue_dma source(%arg4 : memref<16384xf32, #tpu.memory_space<vmem>>) target(%dma_start3A_961 : memref<16384xf32, #tpu.memory_space<hbm>>) target_semaphore(%arg6 : memref<!tpu.dma_semaphore, #tpu.memory_space<semaphore_mem>>)
    %dma_wait3A_962 = tpu.memref_slice %arg2[%add3A_917] : memref<67108864xf32, #tpu.memory_space<hbm>> -> memref<16384xf32, #tpu.memory_space<hbm>>
    %dma_wait3A_963 = tpu.memref_slice %arg2[%add3A_917] : memref<67108864xf32, #tpu.memory_space<hbm>> -> memref<16384xf32, #tpu.memory_space<hbm>>
    tpu.wait_dma2 semaphore(%arg6 : memref<!tpu.dma_semaphore, #tpu.memory_space<semaphore_mem>>) src(%arg4 : memref<16384xf32, #tpu.memory_space<vmem>>) dst(%dma_wait3A_963 : memref<16384xf32, #tpu.memory_space<hbm>>)
    %dma_wait3A_964 = tpu.memref_slice %arg2[%add3A_923] : memref<67108864xf32, #tpu.memory_space<hbm>> -> memref<16384xf32, #tpu.memory_space<hbm>>
    %dma_wait3A_965 = tpu.memref_slice %arg2[%add3A_923] : memref<67108864xf32, #tpu.memory_space<hbm>> -> memref<16384xf32, #tpu.memory_space<hbm>>
    tpu.wait_dma2 semaphore(%arg6 : memref<!tpu.dma_semaphore, #tpu.memory_space<semaphore_mem>>) src(%arg4 : memref<16384xf32, #tpu.memory_space<vmem>>) dst(%dma_wait3A_965 : memref<16384xf32, #tpu.memory_space<hbm>>)
    %dma_wait3A_966 = tpu.memref_slice %arg2[%add3A_929] : memref<67108864xf32, #tpu.memory_space<hbm>> -> memref<16384xf32, #tpu.memory_space<hbm>>
    %dma_wait3A_967 = tpu.memref_slice %arg2[%add3A_929] : memref<67108864xf32, #tpu.memory_space<hbm>> -> memref<16384xf32, #tpu.memory_space<hbm>>
    tpu.wait_dma2 semaphore(%arg6 : memref<!tpu.dma_semaphore, #tpu.memory_space<semaphore_mem>>) src(%arg4 : memref<16384xf32, #tpu.memory_space<vmem>>) dst(%dma_wait3A_967 : memref<16384xf32, #tpu.memory_space<hbm>>)
    %dma_wait3A_968 = tpu.memref_slice %arg2[%add3A_935] : memref<67108864xf32, #tpu.memory_space<hbm>> -> memref<16384xf32, #tpu.memory_space<hbm>>
    %dma_wait3A_969 = tpu.memref_slice %arg2[%add3A_935] : memref<67108864xf32, #tpu.memory_space<hbm>> -> memref<16384xf32, #tpu.memory_space<hbm>>
    tpu.wait_dma2 semaphore(%arg6 : memref<!tpu.dma_semaphore, #tpu.memory_space<semaphore_mem>>) src(%arg4 : memref<16384xf32, #tpu.memory_space<vmem>>) dst(%dma_wait3A_969 : memref<16384xf32, #tpu.memory_space<hbm>>)
    %dma_wait3A_970 = tpu.memref_slice %arg2[%add3A_941] : memref<67108864xf32, #tpu.memory_space<hbm>> -> memref<16384xf32, #tpu.memory_space<hbm>>
    %dma_wait3A_971 = tpu.memref_slice %arg2[%add3A_941] : memref<67108864xf32, #tpu.memory_space<hbm>> -> memref<16384xf32, #tpu.memory_space<hbm>>
    tpu.wait_dma2 semaphore(%arg6 : memref<!tpu.dma_semaphore, #tpu.memory_space<semaphore_mem>>) src(%arg4 : memref<16384xf32, #tpu.memory_space<vmem>>) dst(%dma_wait3A_971 : memref<16384xf32, #tpu.memory_space<hbm>>)
    %dma_wait3A_972 = tpu.memref_slice %arg2[%add3A_947] : memref<67108864xf32, #tpu.memory_space<hbm>> -> memref<16384xf32, #tpu.memory_space<hbm>>
    %dma_wait3A_973 = tpu.memref_slice %arg2[%add3A_947] : memref<67108864xf32, #tpu.memory_space<hbm>> -> memref<16384xf32, #tpu.memory_space<hbm>>
    tpu.wait_dma2 semaphore(%arg6 : memref<!tpu.dma_semaphore, #tpu.memory_space<semaphore_mem>>) src(%arg4 : memref<16384xf32, #tpu.memory_space<vmem>>) dst(%dma_wait3A_973 : memref<16384xf32, #tpu.memory_space<hbm>>)
    %dma_wait3A_974 = tpu.memref_slice %arg2[%add3A_953] : memref<67108864xf32, #tpu.memory_space<hbm>> -> memref<16384xf32, #tpu.memory_space<hbm>>
    %dma_wait3A_975 = tpu.memref_slice %arg2[%add3A_953] : memref<67108864xf32, #tpu.memory_space<hbm>> -> memref<16384xf32, #tpu.memory_space<hbm>>
    tpu.wait_dma2 semaphore(%arg6 : memref<!tpu.dma_semaphore, #tpu.memory_space<semaphore_mem>>) src(%arg4 : memref<16384xf32, #tpu.memory_space<vmem>>) dst(%dma_wait3A_975 : memref<16384xf32, #tpu.memory_space<hbm>>)
    %dma_wait3A_976 = tpu.memref_slice %arg2[%add3A_959] : memref<67108864xf32, #tpu.memory_space<hbm>> -> memref<16384xf32, #tpu.memory_space<hbm>>
    %dma_wait3A_977 = tpu.memref_slice %arg2[%add3A_959] : memref<67108864xf32, #tpu.memory_space<hbm>> -> memref<16384xf32, #tpu.memory_space<hbm>>
    tpu.wait_dma2 semaphore(%arg6 : memref<!tpu.dma_semaphore, #tpu.memory_space<semaphore_mem>>) src(%arg4 : memref<16384xf32, #tpu.memory_space<vmem>>) dst(%dma_wait3A_977 : memref<16384xf32, #tpu.memory_space<hbm>>)
    %add3A_978 = arith.constant 1048576 : i32
    %add3A_979 = arith.addi %mul3A_19, %add3A_978 : i32
    %add3A_980 = arith.constant 917504 : i32
    %add3A_981 = arith.addi %add3A_979, %add3A_980 : i32
    %dma_start3A_982 = tpu.memref_slice %arg2[%add3A_981] : memref<67108864xf32, #tpu.memory_space<hbm>> -> memref<16384xf32, #tpu.memory_space<hbm>>
    %dma_start3A_983 = tpu.memref_slice %arg2[%add3A_981] : memref<67108864xf32, #tpu.memory_space<hbm>> -> memref<16384xf32, #tpu.memory_space<hbm>>
    tpu.enqueue_dma source(%arg4 : memref<16384xf32, #tpu.memory_space<vmem>>) target(%dma_start3A_983 : memref<16384xf32, #tpu.memory_space<hbm>>) target_semaphore(%arg6 : memref<!tpu.dma_semaphore, #tpu.memory_space<semaphore_mem>>)
    %add3A_984 = arith.constant 1048576 : i32
    %add3A_985 = arith.addi %mul3A_19, %add3A_984 : i32
    %add3A_986 = arith.constant 933888 : i32
    %add3A_987 = arith.addi %add3A_985, %add3A_986 : i32
    %dma_start3A_988 = tpu.memref_slice %arg2[%add3A_987] : memref<67108864xf32, #tpu.memory_space<hbm>> -> memref<16384xf32, #tpu.memory_space<hbm>>
    %dma_start3A_989 = tpu.memref_slice %arg2[%add3A_987] : memref<67108864xf32, #tpu.memory_space<hbm>> -> memref<16384xf32, #tpu.memory_space<hbm>>
    tpu.enqueue_dma source(%arg4 : memref<16384xf32, #tpu.memory_space<vmem>>) target(%dma_start3A_989 : memref<16384xf32, #tpu.memory_space<hbm>>) target_semaphore(%arg6 : memref<!tpu.dma_semaphore, #tpu.memory_space<semaphore_mem>>)
    %add3A_990 = arith.constant 1048576 : i32
    %add3A_991 = arith.addi %mul3A_19, %add3A_990 : i32
    %add3A_992 = arith.constant 950272 : i32
    %add3A_993 = arith.addi %add3A_991, %add3A_992 : i32
    %dma_start3A_994 = tpu.memref_slice %arg2[%add3A_993] : memref<67108864xf32, #tpu.memory_space<hbm>> -> memref<16384xf32, #tpu.memory_space<hbm>>
    %dma_start3A_995 = tpu.memref_slice %arg2[%add3A_993] : memref<67108864xf32, #tpu.memory_space<hbm>> -> memref<16384xf32, #tpu.memory_space<hbm>>
    tpu.enqueue_dma source(%arg4 : memref<16384xf32, #tpu.memory_space<vmem>>) target(%dma_start3A_995 : memref<16384xf32, #tpu.memory_space<hbm>>) target_semaphore(%arg6 : memref<!tpu.dma_semaphore, #tpu.memory_space<semaphore_mem>>)
    %add3A_996 = arith.constant 1048576 : i32
    %add3A_997 = arith.addi %mul3A_19, %add3A_996 : i32
    %add3A_998 = arith.constant 966656 : i32
    %add3A_999 = arith.addi %add3A_997, %add3A_998 : i32
    %dma_start3A_1000 = tpu.memref_slice %arg2[%add3A_999] : memref<67108864xf32, #tpu.memory_space<hbm>> -> memref<16384xf32, #tpu.memory_space<hbm>>
    %dma_start3A_1001 = tpu.memref_slice %arg2[%add3A_999] : memref<67108864xf32, #tpu.memory_space<hbm>> -> memref<16384xf32, #tpu.memory_space<hbm>>
    tpu.enqueue_dma source(%arg4 : memref<16384xf32, #tpu.memory_space<vmem>>) target(%dma_start3A_1001 : memref<16384xf32, #tpu.memory_space<hbm>>) target_semaphore(%arg6 : memref<!tpu.dma_semaphore, #tpu.memory_space<semaphore_mem>>)
    %add3A_1002 = arith.constant 1048576 : i32
    %add3A_1003 = arith.addi %mul3A_19, %add3A_1002 : i32
    %add3A_1004 = arith.constant 983040 : i32
    %add3A_1005 = arith.addi %add3A_1003, %add3A_1004 : i32
    %dma_start3A_1006 = tpu.memref_slice %arg2[%add3A_1005] : memref<67108864xf32, #tpu.memory_space<hbm>> -> memref<16384xf32, #tpu.memory_space<hbm>>
    %dma_start3A_1007 = tpu.memref_slice %arg2[%add3A_1005] : memref<67108864xf32, #tpu.memory_space<hbm>> -> memref<16384xf32, #tpu.memory_space<hbm>>
    tpu.enqueue_dma source(%arg4 : memref<16384xf32, #tpu.memory_space<vmem>>) target(%dma_start3A_1007 : memref<16384xf32, #tpu.memory_space<hbm>>) target_semaphore(%arg6 : memref<!tpu.dma_semaphore, #tpu.memory_space<semaphore_mem>>)
    %add3A_1008 = arith.constant 1048576 : i32
    %add3A_1009 = arith.addi %mul3A_19, %add3A_1008 : i32
    %add3A_1010 = arith.constant 999424 : i32
    %add3A_1011 = arith.addi %add3A_1009, %add3A_1010 : i32
    %dma_start3A_1012 = tpu.memref_slice %arg2[%add3A_1011] : memref<67108864xf32, #tpu.memory_space<hbm>> -> memref<16384xf32, #tpu.memory_space<hbm>>
    %dma_start3A_1013 = tpu.memref_slice %arg2[%add3A_1011] : memref<67108864xf32, #tpu.memory_space<hbm>> -> memref<16384xf32, #tpu.memory_space<hbm>>
    tpu.enqueue_dma source(%arg4 : memref<16384xf32, #tpu.memory_space<vmem>>) target(%dma_start3A_1013 : memref<16384xf32, #tpu.memory_space<hbm>>) target_semaphore(%arg6 : memref<!tpu.dma_semaphore, #tpu.memory_space<semaphore_mem>>)
    %add3A_1014 = arith.constant 1048576 : i32
    %add3A_1015 = arith.addi %mul3A_19, %add3A_1014 : i32
    %add3A_1016 = arith.constant 1015808 : i32
    %add3A_1017 = arith.addi %add3A_1015, %add3A_1016 : i32
    %dma_start3A_1018 = tpu.memref_slice %arg2[%add3A_1017] : memref<67108864xf32, #tpu.memory_space<hbm>> -> memref<16384xf32, #tpu.memory_space<hbm>>
    %dma_start3A_1019 = tpu.memref_slice %arg2[%add3A_1017] : memref<67108864xf32, #tpu.memory_space<hbm>> -> memref<16384xf32, #tpu.memory_space<hbm>>
    tpu.enqueue_dma source(%arg4 : memref<16384xf32, #tpu.memory_space<vmem>>) target(%dma_start3A_1019 : memref<16384xf32, #tpu.memory_space<hbm>>) target_semaphore(%arg6 : memref<!tpu.dma_semaphore, #tpu.memory_space<semaphore_mem>>)
    %add3A_1020 = arith.constant 1048576 : i32
    %add3A_1021 = arith.addi %mul3A_19, %add3A_1020 : i32
    %add3A_1022 = arith.constant 1032192 : i32
    %add3A_1023 = arith.addi %add3A_1021, %add3A_1022 : i32
    %dma_start3A_1024 = tpu.memref_slice %arg2[%add3A_1023] : memref<67108864xf32, #tpu.memory_space<hbm>> -> memref<16384xf32, #tpu.memory_space<hbm>>
    %dma_start3A_1025 = tpu.memref_slice %arg2[%add3A_1023] : memref<67108864xf32, #tpu.memory_space<hbm>> -> memref<16384xf32, #tpu.memory_space<hbm>>
    tpu.enqueue_dma source(%arg4 : memref<16384xf32, #tpu.memory_space<vmem>>) target(%dma_start3A_1025 : memref<16384xf32, #tpu.memory_space<hbm>>) target_semaphore(%arg6 : memref<!tpu.dma_semaphore, #tpu.memory_space<semaphore_mem>>)
    %dma_wait3A_1026 = tpu.memref_slice %arg2[%add3A_981] : memref<67108864xf32, #tpu.memory_space<hbm>> -> memref<16384xf32, #tpu.memory_space<hbm>>
    %dma_wait3A_1027 = tpu.memref_slice %arg2[%add3A_981] : memref<67108864xf32, #tpu.memory_space<hbm>> -> memref<16384xf32, #tpu.memory_space<hbm>>
    tpu.wait_dma2 semaphore(%arg6 : memref<!tpu.dma_semaphore, #tpu.memory_space<semaphore_mem>>) src(%arg4 : memref<16384xf32, #tpu.memory_space<vmem>>) dst(%dma_wait3A_1027 : memref<16384xf32, #tpu.memory_space<hbm>>)
    %dma_wait3A_1028 = tpu.memref_slice %arg2[%add3A_987] : memref<67108864xf32, #tpu.memory_space<hbm>> -> memref<16384xf32, #tpu.memory_space<hbm>>
    %dma_wait3A_1029 = tpu.memref_slice %arg2[%add3A_987] : memref<67108864xf32, #tpu.memory_space<hbm>> -> memref<16384xf32, #tpu.memory_space<hbm>>
    tpu.wait_dma2 semaphore(%arg6 : memref<!tpu.dma_semaphore, #tpu.memory_space<semaphore_mem>>) src(%arg4 : memref<16384xf32, #tpu.memory_space<vmem>>) dst(%dma_wait3A_1029 : memref<16384xf32, #tpu.memory_space<hbm>>)
    %dma_wait3A_1030 = tpu.memref_slice %arg2[%add3A_993] : memref<67108864xf32, #tpu.memory_space<hbm>> -> memref<16384xf32, #tpu.memory_space<hbm>>
    %dma_wait3A_1031 = tpu.memref_slice %arg2[%add3A_993] : memref<67108864xf32, #tpu.memory_space<hbm>> -> memref<16384xf32, #tpu.memory_space<hbm>>
    tpu.wait_dma2 semaphore(%arg6 : memref<!tpu.dma_semaphore, #tpu.memory_space<semaphore_mem>>) src(%arg4 : memref<16384xf32, #tpu.memory_space<vmem>>) dst(%dma_wait3A_1031 : memref<16384xf32, #tpu.memory_space<hbm>>)
    %dma_wait3A_1032 = tpu.memref_slice %arg2[%add3A_999] : memref<67108864xf32, #tpu.memory_space<hbm>> -> memref<16384xf32, #tpu.memory_space<hbm>>
    %dma_wait3A_1033 = tpu.memref_slice %arg2[%add3A_999] : memref<67108864xf32, #tpu.memory_space<hbm>> -> memref<16384xf32, #tpu.memory_space<hbm>>
    tpu.wait_dma2 semaphore(%arg6 : memref<!tpu.dma_semaphore, #tpu.memory_space<semaphore_mem>>) src(%arg4 : memref<16384xf32, #tpu.memory_space<vmem>>) dst(%dma_wait3A_1033 : memref<16384xf32, #tpu.memory_space<hbm>>)
    %dma_wait3A_1034 = tpu.memref_slice %arg2[%add3A_1005] : memref<67108864xf32, #tpu.memory_space<hbm>> -> memref<16384xf32, #tpu.memory_space<hbm>>
    %dma_wait3A_1035 = tpu.memref_slice %arg2[%add3A_1005] : memref<67108864xf32, #tpu.memory_space<hbm>> -> memref<16384xf32, #tpu.memory_space<hbm>>
    tpu.wait_dma2 semaphore(%arg6 : memref<!tpu.dma_semaphore, #tpu.memory_space<semaphore_mem>>) src(%arg4 : memref<16384xf32, #tpu.memory_space<vmem>>) dst(%dma_wait3A_1035 : memref<16384xf32, #tpu.memory_space<hbm>>)
    %dma_wait3A_1036 = tpu.memref_slice %arg2[%add3A_1011] : memref<67108864xf32, #tpu.memory_space<hbm>> -> memref<16384xf32, #tpu.memory_space<hbm>>
    %dma_wait3A_1037 = tpu.memref_slice %arg2[%add3A_1011] : memref<67108864xf32, #tpu.memory_space<hbm>> -> memref<16384xf32, #tpu.memory_space<hbm>>
    tpu.wait_dma2 semaphore(%arg6 : memref<!tpu.dma_semaphore, #tpu.memory_space<semaphore_mem>>) src(%arg4 : memref<16384xf32, #tpu.memory_space<vmem>>) dst(%dma_wait3A_1037 : memref<16384xf32, #tpu.memory_space<hbm>>)
    %dma_wait3A_1038 = tpu.memref_slice %arg2[%add3A_1017] : memref<67108864xf32, #tpu.memory_space<hbm>> -> memref<16384xf32, #tpu.memory_space<hbm>>
    %dma_wait3A_1039 = tpu.memref_slice %arg2[%add3A_1017] : memref<67108864xf32, #tpu.memory_space<hbm>> -> memref<16384xf32, #tpu.memory_space<hbm>>
    tpu.wait_dma2 semaphore(%arg6 : memref<!tpu.dma_semaphore, #tpu.memory_space<semaphore_mem>>) src(%arg4 : memref<16384xf32, #tpu.memory_space<vmem>>) dst(%dma_wait3A_1039 : memref<16384xf32, #tpu.memory_space<hbm>>)
    %dma_wait3A_1040 = tpu.memref_slice %arg2[%add3A_1023] : memref<67108864xf32, #tpu.memory_space<hbm>> -> memref<16384xf32, #tpu.memory_space<hbm>>
    %dma_wait3A_1041 = tpu.memref_slice %arg2[%add3A_1023] : memref<67108864xf32, #tpu.memory_space<hbm>> -> memref<16384xf32, #tpu.memory_space<hbm>>
    tpu.wait_dma2 semaphore(%arg6 : memref<!tpu.dma_semaphore, #tpu.memory_space<semaphore_mem>>) src(%arg4 : memref<16384xf32, #tpu.memory_space<vmem>>) dst(%dma_wait3A_1041 : memref<16384xf32, #tpu.memory_space<hbm>>)
    return
  }
}

module attributes {stable_mosaic.version = 14 : i64} {
  func.func @_body(%arg0: i32, %arg1: i32, %arg2: memref<1x512x512xf32, #tpu.memory_space<vmem>>, %arg3: memref<1x512x128xf32, #tpu.memory_space<vmem>>, %arg4: memref<1x512x512xf32, #tpu.memory_space<vmem>>, %arg5: memref<1x1x512x128xf32, #tpu.memory_space<vmem>>) attributes {dimension_semantics = [#tpu.dimension_semantics<parallel>, #tpu.dimension_semantics<arbitrary>], iteration_bounds = array<i64: 64, 4>, scalar_prefetch = 0 : i64, scratch_operands = 0 : i64, tpu.core_type = #tpu.core_type<tc>, window_params = [{transform_indices = @transform_0, window_bounds = array<i64: 1, 512, 512>}, {transform_indices = @transform_1, window_bounds = array<i64: 1, 512, 128>}, {transform_indices = @transform_2, window_bounds = array<i64: 1, 512, 512>}, {transform_indices = @transform_3, window_bounds = array<i64: 1, 1, 512, 128>}]} {
    %lt3A = arith.constant 2 : i32
    %lt3A_0 = arith.cmpi slt, %arg1, %lt3A : i32
    %convert_element_type3A = arith.extui %lt3A_0 : i1 to i32
    %cond3A = arith.constant 0 : i32
    %cond3A_1 = arith.cmpi ne, %convert_element_type3A, %cond3A : i32
    scf.if %cond3A_1 {
      %get3A = arith.constant 0 : index
      %get3A_10 = arith.constant 0 : index
      %get3A_11 = arith.constant 0 : index
      %get3A_12 = vector.load %arg2[%get3A, %get3A_10, %get3A_11] : memref<1x512x512xf32, #tpu.memory_space<vmem>>, vector<1x512x512xf32>
      %get3A_13 = vector.shape_cast %get3A_12 : vector<1x512x512xf32> to vector<512x512xf32>
      %swap3A = arith.constant 0 : index
      %swap3A_14 = arith.constant 0 : index
      %swap3A_15 = arith.constant 0 : index
      %swap3A_16 = vector.load %arg4[%swap3A, %swap3A_14, %swap3A_15] : memref<1x512x512xf32, #tpu.memory_space<vmem>>, vector<1x512x512xf32>
      %swap3A_17 = vector.shape_cast %swap3A_16 : vector<1x512x512xf32> to vector<512x512xf32>
      %swap3A_18 = vector.shape_cast %get3A_13 : vector<512x512xf32> to vector<1x512x512xf32>
      tpu.vector_store %arg4[%swap3A, %swap3A_14, %swap3A_15], %swap3A_18 {strides = array<i32>} : memref<1x512x512xf32, #tpu.memory_space<vmem>>, vector<1x512x512xf32>,
      %iota3A = tpu.iota {dimensions = array<i32: 1>} : vector<512x512xi32>
      %convert_element_type3A_19 = arith.sitofp %iota3A : vector<512x512xi32> to vector<512x512xf32>
      %reduce_max3A = arith.constant dense<0xFF800000> : vector<512xf32>
      %reduce_max3A_20 = vector.multi_reduction <maximumf>, %get3A_13, %reduce_max3A [1] : vector<512x512xf32> to vector<512xf32>
      %broadcast_in_dim3A = vector.shape_cast %reduce_max3A_20 : vector<512xf32> to vector<512x1xf32>
      %eq3A_21 = vector.broadcast %broadcast_in_dim3A : vector<512x1xf32> to vector<512x512xf32>
      %eq3A_22 = arith.cmpf oeq, %get3A_13, %eq3A_21 : vector<512x512xf32>
      %jit3A = arith.constant 5.120000e+02 : f32
      %broadcast_in_dim3A_23 = vector.broadcast %jit3A : f32 to vector<512x512xf32>
      %select_n3A = arith.select %eq3A_22, %convert_element_type3A_19, %broadcast_in_dim3A_23 : vector<512x512xi1>, vector<512x512xf32>
      %reduce_min3A = arith.constant dense<0x7F800000> : vector<512xf32>
      %reduce_min3A_24 = vector.multi_reduction <minimumf>, %select_n3A, %reduce_min3A [1] : vector<512x512xf32> to vector<512xf32>
      %broadcast_in_dim3A_25 = vector.shape_cast %reduce_min3A_24 : vector<512xf32> to vector<512x1xf32>
      %broadcast_in_dim3A_26 = vector.shape_cast %broadcast_in_dim3A_25 : vector<512x1xf32> to vector<512x1xf32>
      %broadcast_in_dim3A_27 = vector.broadcast %broadcast_in_dim3A_26 : vector<512x1xf32> to vector<512x128xf32>
      %swap3A_28 = arith.constant 0 : index
      %swap3A_29 = arith.constant 0 : index
      %swap3A_30 = arith.constant 0 : index
      %swap3A_31 = arith.constant 0 : index
      %swap3A_32 = vector.load %arg5[%swap3A_28, %swap3A_29, %swap3A_30, %swap3A_31] : memref<1x1x512x128xf32, #tpu.memory_space<vmem>>, vector<1x1x512x128xf32>
      %swap3A_33 = vector.shape_cast %swap3A_32 : vector<1x1x512x128xf32> to vector<512x128xf32>
      %swap3A_34 = vector.shape_cast %broadcast_in_dim3A_27 : vector<512x128xf32> to vector<1x1x512x128xf32>
      tpu.vector_store %arg5[%swap3A_28, %swap3A_29, %swap3A_30, %swap3A_31], %swap3A_34 {strides = array<i32>} : memref<1x1x512x128xf32, #tpu.memory_space<vmem>>, vector<1x1x512x128xf32>,
    } else {
    }
    %eq3A = arith.constant 2 : i32
    %eq3A_2 = arith.cmpi eq, %arg1, %eq3A : i32
    %convert_element_type3A_3 = arith.extui %eq3A_2 : i1 to i32
    %cond3A_4 = arith.constant 0 : i32
    %cond3A_5 = arith.cmpi ne, %convert_element_type3A_3, %cond3A_4 : i32
    scf.if %cond3A_5 {
      %get3A = arith.constant 0 : index
      %get3A_10 = arith.constant 0 : index
      %get3A_11 = arith.constant 0 : index
      %get3A_12 = vector.load %arg2[%get3A, %get3A_10, %get3A_11] : memref<1x512x512xf32, #tpu.memory_space<vmem>>, vector<1x512x512xf32>
      %get3A_13 = vector.shape_cast %get3A_12 : vector<1x512x512xf32> to vector<512x512xf32>
      %mul3A = arith.constant 512 : i32
      %mul3A_14 = arith.muli %arg1, %mul3A : i32
      %iota3A = tpu.iota {dimensions = array<i32: 0>} : vector<512x512xi32>
      %add3A = vector.broadcast %mul3A_14 : i32 to vector<512x512xi32>
      %add3A_15 = arith.addi %add3A, %iota3A : vector<512x512xi32>
      %iota3A_16 = tpu.iota {dimensions = array<i32: 1>} : vector<512x512xi32>
      %le3A = arith.constant 1024 : i32
      %le3A_17 = vector.broadcast %le3A : i32 to vector<512x512xi32>
      %le3A_18 = arith.cmpi sle, %add3A_15, %le3A_17 : vector<512x512xi32>
      %eq3A_19 = arith.constant 511 : i32
      %eq3A_20 = vector.broadcast %eq3A_19 : i32 to vector<512x512xi32>
      %eq3A_21 = arith.cmpi eq, %iota3A_16, %eq3A_20 : vector<512x512xi32>
      %or3A = arith.ori %le3A_18, %eq3A_21 : vector<512x512xi1>
      %jit3A = arith.constant -1.000000e+08 : f32
      %broadcast_in_dim3A = vector.broadcast %jit3A : f32 to vector<512x512xf32>
      %select_n3A = arith.select %or3A, %get3A_13, %broadcast_in_dim3A : vector<512x512xi1>, vector<512x512xf32>
      %swap3A = arith.constant 0 : index
      %swap3A_22 = arith.constant 0 : index
      %swap3A_23 = arith.constant 0 : index
      %swap3A_24 = vector.load %arg4[%swap3A, %swap3A_22, %swap3A_23] : memref<1x512x512xf32, #tpu.memory_space<vmem>>, vector<1x512x512xf32>
      %swap3A_25 = vector.shape_cast %swap3A_24 : vector<1x512x512xf32> to vector<512x512xf32>
      %swap3A_26 = vector.shape_cast %select_n3A : vector<512x512xf32> to vector<1x512x512xf32>
      tpu.vector_store %arg4[%swap3A, %swap3A_22, %swap3A_23], %swap3A_26 {strides = array<i32>} : memref<1x512x512xf32, #tpu.memory_space<vmem>>, vector<1x512x512xf32>,
      %iota3A_27 = tpu.iota {dimensions = array<i32: 1>} : vector<512x512xi32>
      %convert_element_type3A_28 = arith.sitofp %iota3A_27 : vector<512x512xi32> to vector<512x512xf32>
      %reduce_max3A = arith.constant dense<0xFF800000> : vector<512xf32>
      %reduce_max3A_29 = vector.multi_reduction <maximumf>, %select_n3A, %reduce_max3A [1] : vector<512x512xf32> to vector<512xf32>
      %broadcast_in_dim3A_30 = vector.shape_cast %reduce_max3A_29 : vector<512xf32> to vector<512x1xf32>
      %eq3A_31 = vector.broadcast %broadcast_in_dim3A_30 : vector<512x1xf32> to vector<512x512xf32>
      %eq3A_32 = arith.cmpf oeq, %select_n3A, %eq3A_31 : vector<512x512xf32>
      %jit3A_33 = arith.constant 5.120000e+02 : f32
      %broadcast_in_dim3A_34 = vector.broadcast %jit3A_33 : f32 to vector<512x512xf32>
      %select_n3A_35 = arith.select %eq3A_32, %convert_element_type3A_28, %broadcast_in_dim3A_34 : vector<512x512xi1>, vector<512x512xf32>
      %reduce_min3A = arith.constant dense<0x7F800000> : vector<512xf32>
      %reduce_min3A_36 = vector.multi_reduction <minimumf>, %select_n3A_35, %reduce_min3A [1] : vector<512x512xf32> to vector<512xf32>
      %broadcast_in_dim3A_37 = vector.shape_cast %reduce_min3A_36 : vector<512xf32> to vector<512x1xf32>
      %broadcast_in_dim3A_38 = vector.shape_cast %broadcast_in_dim3A_37 : vector<512x1xf32> to vector<512x1xf32>
      %broadcast_in_dim3A_39 = vector.broadcast %broadcast_in_dim3A_38 : vector<512x1xf32> to vector<512x128xf32>
      %swap3A_40 = arith.constant 0 : index
      %swap3A_41 = arith.constant 0 : index
      %swap3A_42 = arith.constant 0 : index
      %swap3A_43 = arith.constant 0 : index
      %swap3A_44 = vector.load %arg5[%swap3A_40, %swap3A_41, %swap3A_42, %swap3A_43] : memref<1x1x512x128xf32, #tpu.memory_space<vmem>>, vector<1x1x512x128xf32>
      %swap3A_45 = vector.shape_cast %swap3A_44 : vector<1x1x512x128xf32> to vector<512x128xf32>
      %swap3A_46 = vector.shape_cast %broadcast_in_dim3A_39 : vector<512x128xf32> to vector<1x1x512x128xf32>
      tpu.vector_store %arg5[%swap3A_40, %swap3A_41, %swap3A_42, %swap3A_43], %swap3A_46 {strides = array<i32>} : memref<1x1x512x128xf32, #tpu.memory_space<vmem>>, vector<1x1x512x128xf32>,
    } else {
    }
    %ge3A = arith.constant 3 : i32
    %ge3A_6 = arith.cmpi sge, %arg1, %ge3A : i32
    %convert_element_type3A_7 = arith.extui %ge3A_6 : i1 to i32
    %cond3A_8 = arith.constant 0 : i32
    %cond3A_9 = arith.cmpi ne, %convert_element_type3A_7, %cond3A_8 : i32
    scf.if %cond3A_9 {
      %get3A = arith.constant 0 : index
      %get3A_10 = arith.constant 0 : index
      %get3A_11 = arith.constant 0 : index
      %get3A_12 = vector.load %arg3[%get3A, %get3A_10, %get3A_11] : memref<1x512x128xf32, #tpu.memory_space<vmem>>, vector<1x512x128xf32>
      %get3A_13 = vector.shape_cast %get3A_12 : vector<1x512x128xf32> to vector<512x128xf32>
      %iota3A = tpu.iota {dimensions = array<i32: 1>} : vector<512x128xi32>
      %broadcast_in_dim3A = arith.constant -1.000000e+08 : f32
      %broadcast_in_dim3A_14 = vector.broadcast %broadcast_in_dim3A : f32 to vector<512x384xf32>
      %swap3A = arith.constant 0 : index
      %swap3A_15 = arith.constant 0 : index
      %swap3A_16 = arith.constant 0 : index
      %swap3A_17 = vector.load %arg4[%swap3A, %swap3A_15, %swap3A_16] : memref<1x512x512xf32, #tpu.memory_space<vmem>>, vector<1x512x384xf32>
      %swap3A_18 = vector.shape_cast %swap3A_17 : vector<1x512x384xf32> to vector<512x384xf32>
      %swap3A_19 = vector.shape_cast %broadcast_in_dim3A_14 : vector<512x384xf32> to vector<1x512x384xf32>
      tpu.vector_store %arg4[%swap3A, %swap3A_15, %swap3A_16], %swap3A_19 {strides = array<i32>} : memref<1x512x512xf32, #tpu.memory_space<vmem>>, vector<1x512x384xf32>,
      %eq3A_20 = arith.constant 127 : i32
      %eq3A_21 = vector.broadcast %eq3A_20 : i32 to vector<512x128xi32>
      %eq3A_22 = arith.cmpi eq, %iota3A, %eq3A_21 : vector<512x128xi32>
      %jit3A = arith.constant -1.000000e+08 : f32
      %broadcast_in_dim3A_23 = vector.broadcast %jit3A : f32 to vector<512x128xf32>
      %select_n3A = arith.select %eq3A_22, %get3A_13, %broadcast_in_dim3A_23 : vector<512x128xi1>, vector<512x128xf32>
      %swap3A_24 = arith.constant 0 : index
      %swap3A_25 = arith.constant 0 : index
      %swap3A_26 = arith.constant 384 : index
      %swap3A_27 = vector.load %arg4[%swap3A_24, %swap3A_25, %swap3A_26] : memref<1x512x512xf32, #tpu.memory_space<vmem>>, vector<1x512x128xf32>
      %swap3A_28 = vector.shape_cast %swap3A_27 : vector<1x512x128xf32> to vector<512x128xf32>
      %swap3A_29 = vector.shape_cast %select_n3A : vector<512x128xf32> to vector<1x512x128xf32>
      tpu.vector_store %arg4[%swap3A_24, %swap3A_25, %swap3A_26], %swap3A_29 {strides = array<i32>} : memref<1x512x512xf32, #tpu.memory_space<vmem>>, vector<1x512x128xf32>,
      %eq3A_30 = arith.constant 127 : i32
      %eq3A_31 = vector.broadcast %eq3A_30 : i32 to vector<512x128xi32>
      %eq3A_32 = arith.cmpi eq, %iota3A, %eq3A_31 : vector<512x128xi32>
      %gt3A = arith.constant -1.000000e+08 : f32
      %gt3A_33 = vector.broadcast %gt3A : f32 to vector<512x128xf32>
      %gt3A_34 = arith.cmpf ogt, %get3A_13, %gt3A_33 : vector<512x128xf32>
      %and3A = arith.andi %eq3A_32, %gt3A_34 : vector<512x128xi1>
      %jit3A_35 = arith.constant 5.110000e+02 : f32
      %jit3A_36 = arith.constant 0.000000e+00 : f32
      %broadcast_in_dim3A_37 = vector.broadcast %jit3A_35 : f32 to vector<512x128xf32>
      %broadcast_in_dim3A_38 = vector.broadcast %jit3A_36 : f32 to vector<512x128xf32>
      %select_n3A_39 = arith.select %and3A, %broadcast_in_dim3A_37, %broadcast_in_dim3A_38 : vector<512x128xi1>, vector<512x128xf32>
      %reduce_max3A = arith.constant dense<0xFF800000> : vector<512xf32>
      %reduce_max3A_40 = vector.multi_reduction <maximumf>, %select_n3A_39, %reduce_max3A [1] : vector<512x128xf32> to vector<512xf32>
      %broadcast_in_dim3A_41 = vector.shape_cast %reduce_max3A_40 : vector<512xf32> to vector<512x1xf32>
      %broadcast_in_dim3A_42 = vector.shape_cast %broadcast_in_dim3A_41 : vector<512x1xf32> to vector<512x1xf32>
      %broadcast_in_dim3A_43 = vector.broadcast %broadcast_in_dim3A_42 : vector<512x1xf32> to vector<512x128xf32>
      %swap3A_44 = arith.constant 0 : index
      %swap3A_45 = arith.constant 0 : index
      %swap3A_46 = arith.constant 0 : index
      %swap3A_47 = arith.constant 0 : index
      %swap3A_48 = vector.load %arg5[%swap3A_44, %swap3A_45, %swap3A_46, %swap3A_47] : memref<1x1x512x128xf32, #tpu.memory_space<vmem>>, vector<1x1x512x128xf32>
      %swap3A_49 = vector.shape_cast %swap3A_48 : vector<1x1x512x128xf32> to vector<512x128xf32>
      %swap3A_50 = vector.shape_cast %broadcast_in_dim3A_43 : vector<512x128xf32> to vector<1x1x512x128xf32>
      tpu.vector_store %arg5[%swap3A_44, %swap3A_45, %swap3A_46, %swap3A_47], %swap3A_50 {strides = array<i32>} : memref<1x1x512x128xf32, #tpu.memory_space<vmem>>, vector<1x1x512x128xf32>,
    } else {
    }
    return
  }
  func.func @transform_0(%arg0: i32, %arg1: i32) -> (i32, i32, i32) {
    %min3A = arith.constant 2 : i32
    %min3A_0 = arith.minsi %arg1, %min3A : i32
    %c0_i32 = arith.constant 0 : i32
    %c0_i32_1 = arith.constant 0 : i32
    return %arg0, %min3A_0, %c0_i32 : i32, i32, i32
  }
  func.func @transform_1(%arg0: i32, %arg1: i32) -> (i32, i32, i32) {
    %c3_i32 = arith.constant 3 : i32
    %c3_i32_0 = arith.constant 3 : i32
    %c0_i32 = arith.constant 0 : i32
    return %arg0, %c3_i32, %c3_i32_0 : i32, i32, i32
  }
  func.func @transform_2(%arg0: i32, %arg1: i32) -> (i32, i32, i32) {
    %c0_i32 = arith.constant 0 : i32
    %c0_i32_0 = arith.constant 0 : i32
    return %arg0, %arg1, %c0_i32 : i32, i32, i32
  }
  func.func @transform_3(%arg0: i32, %arg1: i32) -> (i32, i32, i32, i32) {
    %c0_i32 = arith.constant 0 : i32
    %c0_i32_0 = arith.constant 0 : i32
    %c0_i32_1 = arith.constant 0 : i32
    return %arg0, %arg1, %c0_i32, %c0_i32_0 : i32, i32, i32, i32
  }
}

</mosaic_0001>

<sc_bundles>
// kernel: kernel.4.cloned.1.call-start
scs
__scs_entry_jumppad:
0x0: {  	(pc) =	sbr.rel $0x88, $3  }
0x1: {  	(tag) =	ssettag $0x0;
	lr =	simm.s32 $0x1  }
0x2: {  	[smem:$0x3FA0] =	sst lr;
	_ =	strace $0xD0000000  }
0x3: {  	_ = 	snop  }
0x4: {  	_ = 	snop  }
0x5: {  	_ = 	snop  }
0x6: {  	_ = 	snop  }
0x7: {  	_ = 	snop  }
__scs_overlays_trampoline_lowered:
0x8: {  	[smem:$0x3FAF] =	sst s0  }
0x9: {  	[smem:$0x3FB0] =	sst s1  }
0xa: {  	[smem:$0x3FB1] =	sst s2  }
0xb: {  	[smem:$0x3FB2] =	sst s3  }
0xc: {  	[smem:$0x3FB3] =	sst s4  }
0xd: {  	[smem:$0x3FB4] =	sst s5  }
0xe: {  	[smem:$0x3FB5] =	sst s6  }
0xf: {  	[smem:$0x3FB6] =	sst s7  }
0x10: {  	[smem:$0x3FB7] =	sst s8  }
0x11: {  	[smem:$0x3FB8] =	sst s9;
	s0 =	simm.s32 @!p0 $0x0  }
0x12: {  	s1 =	sld [smem:$0x3F9E];
	s0 =	simm.s32 @p0 $0x1  }
0x13: {  	[smem:$0x3FB9] =	sst s0;
	s0 =	simm.s32 @!p1 $0x0  }
0x14: {  	s2 =	sld [smem:$0x3F9D];
	s0 =	simm.s32 @p1 $0x1  }
0x15: {  	[smem:$0x3FBA] =	sst s0;
	s0 =	simm.s32 @!p2 $0x0  }
0x16: {  	s3 =	sld [smem:$0x3FDB];
	s0 =	simm.s32 @p2 $0x1  }
0x17: {  	s4 =	simm.s32 $0x1BF5;
	[smem:$0x3FBC] =	sst s0  }
0x18: {  	s0 =	sld [smem:$0x3F9F];
	_ =	swait.ge [sflag:s4], $0x0  }
0x19: {  	s7 =	sld [smem:$0x3FA0]  }
0x1a: {  	s8 =	sadd.s32 $0xFFFFE003, lr  }
0x1b: {  	s9 =	sadd.s32 $0xFFFFFEF7, lr;
	s5 =	simm.s32 $0xFFFFFFFF;
	p2 =	slt.u32 s8, $0xFFFFF086  }
0x1c: {  	p1 =	slt.u32 s9, $0xF7A;
	s5 =	simm.s32 @!p2 $0x0  }
0x1d: {  	s5 =	simm.s32 @p1 $0x1;
	p0 =	seq.s32 s7, s2  }
0x1e: {  	s7 =	smul.u32 @!p0 $0xF7A, s2;
	p2 =	seq.s32 @!p0 s5, $0x0  }
0x1f: {  	s9 =	smul.u32 $0xF7A, s1;
	s8 =	simm.s32 @!p0 $0x1BF5;
	p2 =	por !p2, p0  }
0x20: {  	[sflag:s8] =	ssyncset.s32 @!p0 $0xFFFFF086;
	s6 =	sadd.s32 @!p0 s3, s7;
	s7 =	simm.s32 @!p0 $0x108  }
0x21: {  	s3 =	sadd.s32 s3, s9;
	s6 =	sadd.s32 @!p0 $0x88, s6;
	s7 =	simm.s32 @p2 $0x1082  }
0x22: {  	[simem:s7], [sflag:s8] =	dma.local @!p0 [hbm:s6], $0xF7A  }
0x23: {  	s9 =	sor.u32 $0xD0000000, s2;
	s6 =	simm.s32 $0x108;
	_ =	swait.ge @!p0 [sflag:s8], $0x0  }
0x24: {  	s3 =	sadd.s32 $0x88, s3;
	s6 =	simm.s32 @!p1 $0x1082;
	[sflag:s4] =	ssyncset.s32 $0xFFFFF086  }
0x25: {  	[simem:s6], [sflag:s4] =	dma.local [hbm:s3], $0xF7A  }
0x26: {  	[smem:$0x3FA0] =	sst s1;
	(tag) =	ssettag s2;
	_ =	strace s9  }
0x27: {  	s1 =	sld [smem:$0x3FB0]  }
0x28: {  	s2 =	sld [smem:$0x3FB1]  }
0x29: {  	s4 =	sld [smem:$0x3FB3]  }
0x2a: {  	p0 =	seq.s32 s5, $0x0;
	s5 =	sld [smem:$0x3FB4]  }
0x2b: {  	s6 =	sld [smem:$0x3FB5]  }
0x2c: {  	s7 =	sld [smem:$0x3FB6]  }
0x2d: {  	s3 =	simm.s32 $0x108;
	s8 =	sld [smem:$0x3FB7]  }
0x2e: {  	s3 =	simm.s32 @!p0 $0x1082;
	s9 =	sld [smem:$0x3FB8]  }
0x2f: {  	lr =	sadd.s32 s0, s3;
	s0 =	sld [smem:$0x3FAF]  }
0x30: {  	s3 =	sld [smem:$0x3FB2]  }
0x31: {  	[smem:$0x3FBB] =	sst s10  }
0x32: {  	s10 =	sld [smem:$0x3FB9];
	_ =	sdelay $0x3  }
0x33: {  	p0 =	seq.s32 s10, $0x1;
	s10 =	sld [smem:$0x3FBB];
	_ =	sdelay $0x3  }
0x34: {  	[smem:$0x3FBB] =	sst s10  }
0x35: {  	s10 =	sld [smem:$0x3FBA];
	_ =	sdelay $0x3  }
0x36: {  	p1 =	seq.s32 s10, $0x1;
	s10 =	sld [smem:$0x3FBB];
	_ =	sdelay $0x3  }
0x37: {  	[smem:$0x3FBB] =	sst s10  }
0x38: {  	s10 =	sld [smem:$0x3FBC]  }
0x39: {  	_ = 	snop;
	(pc) =	sbr.ind lr, $3  }
0x3a: {  	_ = 	snop  }
0x3b: {  	_ = 	snop  }
0x3c: {  	p2 =	seq.s32 s10, $0x1;
	s10 =	sld [smem:$0x3FBB]  }
0x3d: {  	_ =	shalt  }
0x3e: {  	_ =	shalt  }
0x3f: {  	_ =	shalt  }
0x40: {  	_ =	shalt  }
0x41: {  	_ =	shalt  }
0x42: {  	_ =	shalt  }
0x43: {  	_ =	shalt  }
0x44: {  	_ =	shalt  }
0x45: {  	_ =	shalt  }
0x46: {  	_ =	shalt  }
0x47: {  	_ =	shalt  }
0x48: {  	_ =	shalt  }
0x49: {  	_ =	shalt  }
0x4a: {  	_ =	shalt  }
0x4b: {  	_ =	shalt  }
0x4c: {  	_ =	shalt  }
0x4d: {  	_ =	shalt  }
0x4e: {  	_ =	shalt  }
0x4f: {  	_ =	shalt  }
0x50: {  	_ =	shalt  }
0x51: {  	_ =	shalt  }
0x52: {  	_ =	shalt  }
0x53: {  	_ =	shalt  }
0x54: {  	_ =	shalt  }
0x55: {  	_ =	shalt  }
0x56: {  	_ =	shalt  }
0x57: {  	_ =	shalt  }
0x58: {  	_ =	shalt  }
0x59: {  	_ =	shalt  }
0x5a: {  	_ =	shalt  }
0x5b: {  	_ =	shalt  }
0x5c: {  	_ =	shalt  }
0x5d: {  	_ =	shalt  }
0x5e: {  	_ =	shalt  }
0x5f: {  	_ =	shalt  }
0x60: {  	_ =	shalt  }
0x61: {  	_ =	shalt  }
0x62: {  	_ =	shalt  }
0x63: {  	_ =	shalt  }
0x64: {  	_ =	shalt  }
0x65: {  	_ =	shalt  }
0x66: {  	_ =	shalt  }
0x67: {  	_ =	shalt  }
0x68: {  	_ =	shalt  }
0x69: {  	_ =	shalt  }
0x6a: {  	_ =	shalt  }
0x6b: {  	_ =	shalt  }
0x6c: {  	_ =	shalt  }
0x6d: {  	_ =	shalt  }
0x6e: {  	_ =	shalt  }
0x6f: {  	_ =	shalt  }
0x70: {  	_ =	shalt  }
0x71: {  	_ =	shalt  }
0x72: {  	_ =	shalt  }
0x73: {  	_ =	shalt  }
0x74: {  	_ =	shalt  }
0x75: {  	_ =	shalt  }
0x76: {  	_ =	shalt  }
0x77: {  	_ =	shalt  }
0x78: {  	_ =	shalt  }
0x79: {  	_ =	shalt  }
0x7a: {  	_ =	shalt  }
0x7b: {  	_ =	shalt  }
0x7c: {  	_ =	shalt  }
0x7d: {  	_ =	shalt  }
0x7e: {  	_ =	shalt  }
0x7f: {  	_ =	shalt  }
0x80: {  	_ =	shalt  }
0x81: {  	_ =	shalt  }
0x82: {  	_ =	shalt  }
0x83: {  	_ =	shalt  }
0x84: {  	_ =	shalt  }
0x85: {  	_ =	shalt  }
0x86: {  	_ =	shalt  }
0x87: {  	_ =	shalt  }
.Lfunc_end0:
.L_simem_size_0:
called_computation_lowered:
.L_overlay_start_0:
0x88: {  	s2 =	sld [smem:$0x3FD9]  }
0x89: {  	s3 =	sld [smem:$0x3FFE];
	_ =	sdelay $0x1  }
0x8a: {  	s1 =	srdreg.scid  }
0x8b: {  	s0 =	sand.u32 $0x1, s1  }
0x8c: {  	s16 =	sshll.u32 s0, $0xA;
	s2 =	sadd.s32 s3, s2  }
0x8d: {  	s2 =	sadd.s32 s2, s16  }
0x8e: {  	[smem:$0x3FC7] =	sst s2  }
0x8f: {  	_ = 	snop  }
0x90: {  	(tm) =	ssettm $0x1  }
0x91: {  	s17 =	sld [smem:$0x3FFB];
	_ =	sdelay $0x3  }
0x92: {  	_ =	strace s17  }
0x93: {  	s2 =	sld [smem:$0x3FFC];
	_ =	sdelay $0x3  }
0x94: {  	_ =	strace s2  }
0x95: {  	s2 =	sld [smem:$0x3FFD];
	_ =	sdelay $0x3  }
0x96: {  	_ =	strace s2  }
0x97: {  	_ =	strace $0x8FFFFFFF  }
0x98: {  	s18 =	sld [smem:$0x3FDB];
	_ =	sdelay $0x1  }
0x99: {  	s19 =	simm.s32 $_scs_section_size  }
0x9a: {  	s4 =	simm.s32 $_size__tile_overlayer_lowered;
	s5 =	simm.s32 $_tile_overlayer_lowered  }
0x9b: {  	s22 =	simm.s32 $0x1BFF;
	s21 =	sshll.u32 s5, $0x1;
	s2 =	sadd.s32 s19, s18  }
0x9c: {  	s6 =	simm.s32 $0x0;
	s20 =	sshll.u32 s4, $0x1;
	s4 =	sadd.s32 s21, s2  }
0x9d: {  	[timem:s6], [sflag:s22] =	dma.local [hbm:s4], s20  }
0x9e: {  	_ =	swait.ge [sflag:s22], s20  }
0x9f: {  	s3 =	ssub.s32 $0x0, s20;
	[sflag:s22] =	ssyncset.done $0x0  }
0xa0: {  	[sflag:s22] =	ssyncadd.s32 s3;
	_ =	sdelay $0x1  }
0xa1: {  	s23 =	simm.s32 $0x1B8B  }
0xa2: {  	_ =	swait.ge [sflag:s23], $0x1  }
0xa3: {  	[sflag:s23] =	ssyncset.done $0x0  }
0xa4: {  	s25 =	simm.s32 $0x1B8E;
	s24 =	sld [smem:$0x3FFE];
	[sflag:s23] =	ssyncadd.s32 $0xFFFFFFFF  }
0xa5: {  	s26 =	simm.s32 $execute0_lowered;
	[smem:$0x3FD2] =	sst s25  }
0xa6: {  	s4 =	sshll.u32 s26, $0x1;
	_ =	strace $0x80000046;
	[dreg:$0x1] =	wrdreg $0xFFFFFFFF  }
0xa7: {  	s28 =	simm.s32 $_size_execute0_lowered;
	s2 =	sadd.s32 s2, s4;
	[dreg:$0x0] =	wrdreg $0x0  }
0xa8: {  	s4 =	sshll.u32 s28, $0x1;
	[dreg:$0x2] =	wrdreg s2  }
0xa9: {  	[dreg:$0x3] =	wrdreg s4  }
0xaa: {  	[dreg:$0x4] =	wrdreg $0xC0  }
0xab: {  	_ =	task [dreg:s6], $0x5FFFF  }
0xac: {  	[dreg:$0x1] =	wrdreg $0xFFFFFFFF  }
0xad: {  	[dreg:$0x0] =	wrdreg $0x60  }
0xae: {  	[dreg:$0x2] =	wrdreg s24  }
0xaf: {  	[dreg:$0x3] =	wrdreg $0x9  }
0xb0: {  	_ =	task.clear_ibuf [dreg:s6], $0x4FFFF;
	_ =	strace $0x90000046  }
0xb1: {  	s29 =	simm.s32 $0x9;
	_ =	strace $0x80000048  }
0xb2: {  	_ =	swait.ge [sflag:s29], $0x1  }
0xb3: {  	[sflag:s29] =	ssyncadd.s32 $0xFFFFFFFF  }
0xb4: {  	_ =	strace $0x90000048  }
0xb5: {  	_ =	sfence  }
0xb6: {  	s30 =	sld [smem:$0x0];
	_ =	sdelay $0x2  }
0xb7: {  	s31 =	sshll.u32 s1, $0xD;
	s1 =	sshrl.u32 s1, $0x2  }
0xb8: {  	s3 =	sand.u32 $0x4000, s31;
	s1 =	sadd.s32 s1, s30  }
0xb9: {  	s0 =	sor.u32 s3, s0;
	s1 =	sshll.u32 s1, $0x11  }
0xba: {  	s0 =	sor.u32 s1, s0  }
0xbb: {  	s0 =	sadd.s32 $0x8F2B, s0  }
0xbc: {  	[sflag:s0] =	ssyncadd.remote.s32 $0x1  }
0xbd: {  	_ =	sfence.sel $0xFFFF  }
0xbe: {  	[dreg:$0x0] =	wrdreg $0xFFFFFFFF;
	(pc) =	sbr.abs _section_cstart, $3  }
0xbf: {  	[dreg:$0x1] =	wrdreg $0xFFFFFFFF  }
0xc0: {  	_ =	task.clear_ibuf [dreg:s6], $0x2FFFF;
	_ =	strace $0x9FFFFFFF  }
0xc1: {  	(tm) =	ssettm $0x7FFFFFFF  }
tec
execute0_lowered:
.L_overlay_start_1:
0x0: {  	(tag) =	ssettag $0x1  }
0x1: {  	s0 =	srdreg.scid  }
0x2: {  	s2 =	stileid.u32;
	s0 =	sand.u32 $0x1, s0  }
0x3: {  	s3 =	sshll.u32 s2, $0x13;
	s4 =	sshll.u32 s0, $0x12  }
0x4: {  	s1 =	rddreg [dreg:$0x0];
	s3 =	sor.u32 s4, s3  }
0x5: {  	s2 =	simm.s32 $0x0;
	s10 =	sadd.s32 s3, s1  }
0x6: {  	[smem:$0x7FF] =	sst s2;
	s7 =	sadd.s32 $0x200, s10  }
0x7: {  	_ =	strace $0x80000047;
	s8 =	sadd.s32 $0xA00, s10;
	[dreg:$0x2] =	wrdreg s7  }
0x8: {  	s9 =	sadd.s32 $0x1200, s10;
	[dreg:$0x3] =	wrdreg s8  }
0x9: {  	s12 =	sadd.s32 $0x1A00, s10;
	[dreg:$0x4] =	wrdreg s9  }
0xa: {  	s13 =	sadd.s32 $0x2200, s10;
	[dreg:$0x5] =	wrdreg s12  }
0xb: {  	s14 =	sadd.s32 $0x2A00, s10;
	[dreg:$0x6] =	wrdreg s13  }
0xc: {  	s15 =	sadd.s32 $0x3200, s10;
	[dreg:$0x7] =	wrdreg s14  }
0xd: {  	s16 =	sadd.s32 $0x3A00, s10;
	[dreg:$0x8] =	wrdreg s15  }
0xe: {  	s17 =	sadd.s32 $0x4200, s10;
	[dreg:$0x9] =	wrdreg s16  }
0xf: {  	s18 =	sadd.s32 $0x4A00, s10;
	[dreg:$0xa] =	wrdreg s17  }
0x10: {  	s19 =	sadd.s32 $0x5200, s10;
	[dreg:$0xb] =	wrdreg s18  }
0x11: {  	s20 =	sadd.s32 $0x5A00, s10;
	[dreg:$0xc] =	wrdreg s19  }
0x12: {  	s21 =	sadd.s32 $0x6200, s10;
	[dreg:$0xd] =	wrdreg s20  }
0x13: {  	s22 =	sadd.s32 $0x6A00, s10;
	[dreg:$0xe] =	wrdreg s21  }
0x14: {  	s23 =	sadd.s32 $0x7200, s10;
	[dreg:$0xf] =	wrdreg s22  }
0x15: {  	s24 =	sadd.s32 $0x7A00, s10;
	[dreg:$0x10] =	wrdreg s23  }
0x16: {  	s25 =	sadd.s32 $0x8200, s10;
	[dreg:$0x11] =	wrdreg s24  }
0x17: {  	s26 =	sadd.s32 $0x8A00, s10;
	[dreg:$0x12] =	wrdreg s25  }
0x18: {  	s1 =	sadd.s32 $0x9200, s10;
	[dreg:$0x13] =	wrdreg s26  }
0x19: {  	s3 =	sadd.s32 $0x9A00, s10;
	[dreg:$0x14] =	wrdreg s1  }
0x1a: {  	s0 =	ssub.s32 $0x2, s0;
	s4 =	sadd.s32 $0xA200, s10;
	[dreg:$0x15] =	wrdreg s3  }
0x1b: {  	s6 =	sshrl.u32 s0, $0x1;
	s5 =	sadd.s32 $0xAA00, s10;
	[dreg:$0x16] =	wrdreg s4  }
0x1c: {  	s11 =	ssub.s32 s0, s6;
	s6 =	sadd.s32 $0xB200, s10;
	[dreg:$0x17] =	wrdreg s5  }
0x1d: {  	[dreg:$0x18] =	wrdreg s6;
	s7 =	sadd.s32 $0xBA00, s10  }
0x1e: {  	s8 =	sadd.s32 $0xC200, s10;
	[dreg:$0x19] =	wrdreg s7  }
0x1f: {  	s9 =	sadd.s32 $0xCA00, s10;
	[dreg:$0x1a] =	wrdreg s8  }
0x20: {  	s12 =	sadd.s32 $0xD200, s10;
	[dreg:$0x1b] =	wrdreg s9  }
0x21: {  	s13 =	sadd.s32 $0xDA00, s10;
	[dreg:$0x1c] =	wrdreg s12  }
0x22: {  	s14 =	sadd.s32 $0xE200, s10;
	[dreg:$0x1d] =	wrdreg s13  }
0x23: {  	s15 =	sadd.s32 $0xEA00, s10;
	[dreg:$0x1e] =	wrdreg s14  }
0x24: {  	s16 =	sadd.s32 $0xF200, s10;
	[dreg:$0x1f] =	wrdreg s15  }
0x25: {  	s17 =	sadd.s32 $0xFA00, s10;
	[smem:$0x7AE] =	sst s16  }
0x26: {  	s18 =	sadd.s32 $0x10200, s10;
	[smem:$0x7AF] =	sst s17  }
0x27: {  	s19 =	sadd.s32 $0x10A00, s10;
	[smem:$0x7B0] =	sst s18  }
0x28: {  	s20 =	sadd.s32 $0x11200, s10;
	[smem:$0x7B1] =	sst s19  }
0x29: {  	s21 =	sadd.s32 $0x11A00, s10;
	[smem:$0x7B2] =	sst s20  }
0x2a: {  	s22 =	sadd.s32 $0x12200, s10;
	[smem:$0x7B3] =	sst s21  }
0x2b: {  	s23 =	sadd.s32 $0x12A00, s10;
	[smem:$0x7B4] =	sst s22  }
0x2c: {  	s24 =	sadd.s32 $0x13200, s10;
	[smem:$0x7B5] =	sst s23  }
0x2d: {  	s25 =	sadd.s32 $0x13A00, s10;
	[smem:$0x7B6] =	sst s24  }
0x2e: {  	s26 =	sadd.s32 $0x14200, s10;
	[smem:$0x7B7] =	sst s25  }
0x2f: {  	s1 =	sadd.s32 $0x14A00, s10;
	[smem:$0x7B8] =	sst s26  }
0x30: {  	s3 =	sadd.s32 $0x15200, s10;
	[smem:$0x7B9] =	sst s1  }
0x31: {  	s4 =	sadd.s32 $0x15A00, s10;
	[smem:$0x7BA] =	sst s3  }
0x32: {  	s5 =	sadd.s32 $0x16200, s10;
	[smem:$0x7BB] =	sst s4  }
0x33: {  	s6 =	sadd.s32 $0x16A00, s10;
	[smem:$0x7BC] =	sst s5  }
0x34: {  	[smem:$0x7BD] =	sst s6;
	s7 =	sadd.s32 $0x17200, s10  }
0x35: {  	s8 =	sadd.s32 $0x17A00, s10;
	[smem:$0x7BE] =	sst s7  }
0x36: {  	s9 =	sadd.s32 $0x18200, s10;
	[smem:$0x7BF] =	sst s8  }
0x37: {  	s12 =	sadd.s32 $0x18A00, s10;
	[smem:$0x7C0] =	sst s9  }
0x38: {  	s13 =	sadd.s32 $0x19200, s10;
	[smem:$0x7C1] =	sst s12  }
0x39: {  	s14 =	sadd.s32 $0x19A00, s10;
	[smem:$0x7C2] =	sst s13  }
0x3a: {  	s15 =	sadd.s32 $0x1A200, s10;
	[smem:$0x7C3] =	sst s14  }
0x3b: {  	s16 =	sadd.s32 $0x1AA00, s10;
	[smem:$0x7C4] =	sst s15  }
0x3c: {  	s17 =	sadd.s32 $0x1B200, s10;
	[smem:$0x7C5] =	sst s16  }
0x3d: {  	s18 =	sadd.s32 $0x1BA00, s10;
	[smem:$0x7C6] =	sst s17  }
0x3e: {  	s19 =	sadd.s32 $0x1C200, s10;
	[smem:$0x7C7] =	sst s18  }
0x3f: {  	s20 =	sadd.s32 $0x1CA00, s10;
	[smem:$0x7C8] =	sst s19  }
0x40: {  	s21 =	sadd.s32 $0x1D200, s10;
	[smem:$0x7C9] =	sst s20  }
0x41: {  	s22 =	sadd.s32 $0x1DA00, s10;
	[smem:$0x7CA] =	sst s21  }
0x42: {  	s23 =	sadd.s32 $0x1E200, s10;
	[smem:$0x7CB] =	sst s22  }
0x43: {  	s24 =	sadd.s32 $0x1EA00, s10;
	[smem:$0x7CC] =	sst s23  }
0x44: {  	s25 =	sadd.s32 $0x1F200, s10;
	[smem:$0x7CD] =	sst s24  }
0x45: {  	s26 =	sadd.s32 $0x1FA00, s10;
	[smem:$0x7CE] =	sst s25  }
0x46: {  	s1 =	sadd.s32 $0x20200, s10;
	[smem:$0x7CF] =	sst s26  }
0x47: {  	s3 =	sadd.s32 $0x20A00, s10;
	[smem:$0x7D0] =	sst s1  }
0x48: {  	s4 =	sadd.s32 $0x21200, s10;
	[smem:$0x7D1] =	sst s3  }
0x49: {  	s5 =	sadd.s32 $0x21A00, s10;
	[smem:$0x7D2] =	sst s4  }
0x4a: {  	s6 =	sadd.s32 $0x22200, s10;
	[smem:$0x7D3] =	sst s5  }
0x4b: {  	[smem:$0x7D4] =	sst s6;
	s7 =	sadd.s32 $0x22A00, s10  }
0x4c: {  	s8 =	sadd.s32 $0x23200, s10;
	[smem:$0x7D5] =	sst s7  }
0x4d: {  	s9 =	sadd.s32 $0x23A00, s10;
	[smem:$0x7D6] =	sst s8  }
0x4e: {  	s12 =	sadd.s32 $0x24200, s10;
	[smem:$0x7D7] =	sst s9  }
0x4f: {  	s13 =	sadd.s32 $0x24A00, s10;
	[smem:$0x7D8] =	sst s12  }
0x50: {  	s14 =	sadd.s32 $0x25200, s10;
	[smem:$0x7D9] =	sst s13  }
0x51: {  	s15 =	sadd.s32 $0x25A00, s10;
	[smem:$0x7DA] =	sst s14  }
0x52: {  	s16 =	sadd.s32 $0x26200, s10;
	[smem:$0x7DB] =	sst s15  }
0x53: {  	s17 =	sadd.s32 $0x26A00, s10;
	[smem:$0x7DC] =	sst s16  }
0x54: {  	s18 =	sadd.s32 $0x27200, s10;
	[smem:$0x7DD] =	sst s17  }
0x55: {  	s19 =	sadd.s32 $0x27A00, s10;
	[smem:$0x7DE] =	sst s18  }
0x56: {  	s20 =	sadd.s32 $0x28200, s10;
	[smem:$0x7DF] =	sst s19  }
0x57: {  	s21 =	sadd.s32 $0x28A00, s10;
	[smem:$0x7E0] =	sst s20  }
0x58: {  	s22 =	sadd.s32 $0x29200, s10;
	[smem:$0x7E1] =	sst s21  }
0x59: {  	s23 =	sadd.s32 $0x29A00, s10;
	[smem:$0x7E2] =	sst s22  }
0x5a: {  	s24 =	sadd.s32 $0x2A200, s10;
	[smem:$0x7E3] =	sst s23  }
0x5b: {  	s25 =	sadd.s32 $0x2AA00, s10;
	[smem:$0x7E4] =	sst s24  }
0x5c: {  	s26 =	sadd.s32 $0x2B200, s10;
	[smem:$0x7E5] =	sst s25  }
0x5d: {  	s1 =	sadd.s32 $0x2BA00, s10;
	[smem:$0x7E6] =	sst s26  }
0x5e: {  	s3 =	sadd.s32 $0x2C200, s10;
	[smem:$0x7E7] =	sst s1  }
0x5f: {  	s4 =	sadd.s32 $0x2CA00, s10;
	[smem:$0x7E8] =	sst s3  }
0x60: {  	s5 =	sadd.s32 $0x2D200, s10;
	[smem:$0x7E9] =	sst s4  }
0x61: {  	s6 =	sadd.s32 $0x2DA00, s10;
	[smem:$0x7EA] =	sst s5  }
0x62: {  	[smem:$0x7EB] =	sst s6;
	s7 =	sadd.s32 $0x2E200, s10  }
0x63: {  	s8 =	sadd.s32 $0x2EA00, s10;
	[smem:$0x7EC] =	sst s7  }
0x64: {  	s9 =	sadd.s32 $0x2F200, s10;
	[smem:$0x7ED] =	sst s8  }
0x65: {  	s12 =	sadd.s32 $0x2FA00, s10;
	[smem:$0x7EE] =	sst s9  }
0x66: {  	s13 =	sadd.s32 $0x30200, s10;
	[smem:$0x7EF] =	sst s12  }
0x67: {  	s14 =	sadd.s32 $0x30A00, s10;
	[smem:$0x7F0] =	sst s13  }
0x68: {  	s15 =	sadd.s32 $0x31200, s10;
	[smem:$0x7F1] =	sst s14  }
0x69: {  	s16 =	sadd.s32 $0x31A00, s10;
	[smem:$0x7F2] =	sst s15  }
0x6a: {  	s17 =	sadd.s32 $0x32200, s10;
	[smem:$0x7F3] =	sst s16  }
0x6b: {  	s28 =	sadd.s32 $0x39200, s10;
	s18 =	sadd.s32 $0x32A00, s10;
	[smem:$0x7F4] =	sst s17  }
0x6c: {  	s29 =	sadd.s32 $0x39A00, s10;
	s19 =	sadd.s32 $0x33200, s10;
	[smem:$0x7F5] =	sst s18  }
0x6d: {  	s30 =	sadd.s32 $0x3A200, s10;
	s20 =	sadd.s32 $0x33A00, s10;
	[smem:$0x7F6] =	sst s19  }
0x6e: {  	s31 =	sadd.s32 $0x3AA00, s10;
	s21 =	sadd.s32 $0x34200, s10;
	[smem:$0x7F7] =	sst s20  }
0x6f: {  	s0 =	sadd.s32 $0x3B200, s10;
	s22 =	sadd.s32 $0x34A00, s10;
	[smem:$0x7F8] =	sst s21  }
0x70: {  	s11 =	smax.u32 s11, $0x1;
	s23 =	sadd.s32 $0x35200, s10;
	[smem:$0x7F9] =	sst s22  }
0x71: {  	s24 =	sadd.s32 $0x35A00, s10;
	s25 =	sadd.s32 $0x36200, s10;
	[smem:$0x7FA] =	sst s23  }
0x72: {  	s26 =	sadd.s32 $0x36A00, s10;
	s1 =	sadd.s32 $0x3BA00, s10;
	[smem:$0x7FB] =	sst s24  }
0x73: {  	s3 =	sadd.s32 $0x3C200, s10;
	s4 =	sadd.s32 $0x3CA00, s10;
	[smem:$0x7FC] =	sst s25  }
0x74: {  	s5 =	sadd.s32 $0x3D200, s10;
	s6 =	sadd.s32 $0x3DA00, s10;
	[smem:$0x7FD] =	sst s26  }
0x75: {  	s23 =	sadd.s32 $0x37200, s10;
	s24 =	sadd.s32 $0x37A00, s10;
	s25 =	sadd.s32 $0x38200, s10  }
0x76: {  	s26 =	sadd.s32 $0x38A00, s10;
	s7 =	sadd.s32 $0x3E200, s10;
	s8 =	sadd.s32 $0x3EA00, s10  }
0x77: {  	v0 =	vimm.f32 $1.000000000e+00;
	vm0 =	vcmask $0x3B00;
	s9 =	sadd.s32 $0x3F200, s10;
	s10 =	sadd.s32 $0x3FA00, s10;
	s12 =	simm.s32 $0x1  }
0x78: {  	v1 =	vimm.f32 $0.0e+00;
	v2 =	vsel vm0, $0x0, v0;
	s13 =	simm.s32 $0x8000;
	s14 =	simm.s32 $0x4000;
	s15 =	simm.s32 $0x0  }
.LBB2_1:
0x79: {  	s16 =	simm.s32 $0x8000  }
0x7a: {  	s17 =	simm.s32 $0x4000;
	s18 =	simm.s32 $0x0;
	s19 =	simm.s32 $0x0  }
.LBB2_2:
0x7b: {  	v3 =	vmov s18  }
0x7c: {  	v4 =	vmov s17  }
0x7d: {  	v5 =	vmov s16;
	_ =	sdelay $0x1  }
0x7e: {  	s22 =	simm.s32 $0x0  }
0x7f: {  	[tilespmem:v3+s22+$0x0 ss:$0x1] =	vst.idx.msk $0xffff, v0  }
0x80: {  	s20 =	sshll.u32 s19, $0x9;
	s21 =	simm.s32 $0x40;
	[tilespmem:v4+s22+$0x0 ss:$0x1] =	vst.idx.msk $0xffff, v1  }
.LBB2_3:
0x81: {  	p0 =	sne.s32 s21, $0x7C0;
	[tilespmem:v5+s22+$0x0 ss:$0x1] =	vst.idx.msk $0xffff, v1;
	s22 =	smov.u32 s21;
	s21 =	sadd.s32 $0x40, s21  }
.Ltmp0:
0x82: {  	(pc) =	sbr.rel @p0 .LBB2_3-.Ltmp0, $4  }
0x83: {  	_ = 	snop  }
0x84: {  	s22 =	sshra.s32 s22, $0x2  }
0x85: {  	[tilespmem:v3+s22+$0x0 ss:$0x1] =	vst.idx.msk $0xffff, v0  }
0x86: {  	[tilespmem:v4+s22+$0x0 ss:$0x1] =	vst.idx.msk $0xffff, v1  }
0x87: {  	s19 =	sadd.s32 $0x1, s19  }
0x88: {  	p0 =	sne.s32 s19, $0x20  }
.Ltmp1:
0x89: {  	_ = 	snop;
	(pc) =	sbr.rel @p0 .LBB2_2-.Ltmp1, $4  }
0x8a: {  	_ = 	snop  }
0x8b: {  	[tilespmem:v5+s22+$0x0 ss:$0x1] =	vst.idx.msk $0xffff, v1  }
0x8c: {  	[tilespmem:s20+$0x41F0] =	vst v2  }
0x8d: {  	s18 =	sadd.s32 $0x200, s18;
	s17 =	sadd.s32 $0x200, s17;
	s16 =	sadd.s32 $0x200, s16;
	[tilespmem:s20+$0x81F0] =	vst v2  }
0x8e: {  	[tilespmem:$0x8000] =	vst v0  }
0x8f: {  	[tilespmem:$0x8010] =	vst v0  }
0x90: {  	[tilespmem:$0x8020] =	vst v0  }
0x91: {  	[tilespmem:$0x8030] =	vst v0  }
0x92: {  	[tilespmem:$0x8040] =	vst v0  }
0x93: {  	[tilespmem:$0x8050] =	vst v0  }
0x94: {  	[tilespmem:$0x8060] =	vst v0  }
0x95: {  	[tilespmem:$0x8070] =	vst v0  }
0x96: {  	[tilespmem:$0x8080] =	vst v0  }
0x97: {  	[tilespmem:$0x8090] =	vst v0  }
0x98: {  	[tilespmem:$0x80A0] =	vst v0  }
0x99: {  	[tilespmem:$0x80B0] =	vst v0  }
0x9a: {  	[tilespmem:$0x80C0] =	vst v0  }
0x9b: {  	[tilespmem:$0x80D0] =	vst v0  }
0x9c: {  	[tilespmem:$0x80E0] =	vst v0  }
0x9d: {  	[tilespmem:$0x80F0] =	vst v0  }
0x9e: {  	[tilespmem:$0x8100] =	vst v0  }
0x9f: {  	[tilespmem:$0x8110] =	vst v0  }
0xa0: {  	[tilespmem:$0x8120] =	vst v0  }
0xa1: {  	[tilespmem:$0x8130] =	vst v0  }
0xa2: {  	[tilespmem:$0x8140] =	vst v0  }
0xa3: {  	[tilespmem:$0x8150] =	vst v0  }
0xa4: {  	[tilespmem:$0x8160] =	vst v0  }
0xa5: {  	[tilespmem:$0x8170] =	vst v0  }
0xa6: {  	[tilespmem:$0x8180] =	vst v0  }
0xa7: {  	[tilespmem:$0x8190] =	vst v0  }
0xa8: {  	[tilespmem:$0x81A0] =	vst v0  }
0xa9: {  	[tilespmem:$0x81B0] =	vst v0  }
0xaa: {  	[tilespmem:$0x81C0] =	vst v0  }
0xab: {  	[tilespmem:$0x81D0] =	vst v0  }
0xac: {  	[tilespmem:$0x81E0] =	vst v0  }
0xad: {  	[tilespmem:$0x81F0] =	vst v0;
	s16 =	rddreg [dreg:$0x2]  }
0xae: {  	[hbm4b:s16+s2] =	stream.linear.scatter [tilespmem:s2], [sflag:$0x1], $0x4000, $0x38;
	[tilespmem:$0xC000] =	vst v63  }
0xaf: {  	s22 =	rddreg [dreg:$0x3]  }
0xb0: {  	[hbm4b:s22+s2] =	stream.linear.scatter [tilespmem:s2], [sflag:$0x1], $0x4000, $0x38;
	[tilespmem:$0xC000] =	vst v63  }
0xb1: {  	s17 =	rddreg [dreg:$0x4]  }
0xb2: {  	[hbm4b:s17+s2] =	stream.linear.scatter [tilespmem:s2], [sflag:$0x1], $0x4000, $0x38;
	[tilespmem:$0xC000] =	vst v63  }
0xb3: {  	s18 =	rddreg [dreg:$0x5]  }
0xb4: {  	[hbm4b:s18+s2] =	stream.linear.scatter [tilespmem:s2], [sflag:$0x1], $0x4000, $0x38;
	[tilespmem:$0xC000] =	vst v63  }
0xb5: {  	s19 =	rddreg [dreg:$0x6]  }
0xb6: {  	[hbm4b:s19+s2] =	stream.linear.scatter [tilespmem:s2], [sflag:$0x1], $0x4000, $0x38;
	[tilespmem:$0xC000] =	vst v63  }
0xb7: {  	s20 =	rddreg [dreg:$0x7]  }
0xb8: {  	[hbm4b:s20+s2] =	stream.linear.scatter [tilespmem:s2], [sflag:$0x1], $0x4000, $0x38;
	[tilespmem:$0xC000] =	vst v63  }
0xb9: {  	s21 =	rddreg [dreg:$0x8]  }
0xba: {  	[hbm4b:s21+s2] =	stream.linear.scatter [tilespmem:s2], [sflag:$0x1], $0x4000, $0x38;
	[tilespmem:$0xC000] =	vst v63  }
0xbb: {  	s22 =	rddreg [dreg:$0x9]  }
0xbc: {  	[hbm4b:s22+s2] =	stream.linear.scatter [tilespmem:s2], [sflag:$0x1], $0x4000, $0x38;
	[tilespmem:$0xC000] =	vst v63  }
0xbd: {  	_ =	swait.ge [sflag:s12], $0x4000  }
0xbe: {  	[sflag:s12] =	ssyncset.done $0x0  }
0xbf: {  	[sflag:s12] =	ssyncadd.s32 $0xFFFFC000  }
0xc0: {  	_ =	swait.ge [sflag:s12], $0x4000  }
0xc1: {  	[sflag:s12] =	ssyncset.done $0x0  }
0xc2: {  	[sflag:s12] =	ssyncadd.s32 $0xFFFFC000  }
0xc3: {  	_ =	swait.ge [sflag:s12], $0x4000  }
0xc4: {  	[sflag:s12] =	ssyncset.done $0x0  }
0xc5: {  	[sflag:s12] =	ssyncadd.s32 $0xFFFFC000  }
0xc6: {  	_ =	swait.ge [sflag:s12], $0x4000  }
0xc7: {  	[sflag:s12] =	ssyncset.done $0x0  }
0xc8: {  	[sflag:s12] =	ssyncadd.s32 $0xFFFFC000  }
0xc9: {  	_ =	swait.ge [sflag:s12], $0x4000  }
0xca: {  	[sflag:s12] =	ssyncset.done $0x0  }
0xcb: {  	[sflag:s12] =	ssyncadd.s32 $0xFFFFC000  }
0xcc: {  	_ =	swait.ge [sflag:s12], $0x4000  }
0xcd: {  	[sflag:s12] =	ssyncset.done $0x0  }
0xce: {  	[sflag:s12] =	ssyncadd.s32 $0xFFFFC000  }
0xcf: {  	_ =	swait.ge [sflag:s12], $0x4000  }
0xd0: {  	[sflag:s12] =	ssyncset.done $0x0  }
0xd1: {  	[sflag:s12] =	ssyncadd.s32 $0xFFFFC000  }
0xd2: {  	_ =	swait.ge [sflag:s12], $0x4000  }
0xd3: {  	[sflag:s12] =	ssyncset.done $0x0  }
0xd4: {  	s17 =	rddreg [dreg:$0xa];
	[sflag:s12] =	ssyncadd.s32 $0xFFFFC000  }
0xd5: {  	[hbm4b:s17+s2] =	stream.linear.scatter [tilespmem:s2], [sflag:$0x1], $0x4000, $0x38;
	[tilespmem:$0xC000] =	vst v63  }
0xd6: {  	s18 =	rddreg [dreg:$0xb]  }
0xd7: {  	[hbm4b:s18+s2] =	stream.linear.scatter [tilespmem:s2], [sflag:$0x1], $0x4000, $0x38;
	[tilespmem:$0xC000] =	vst v63  }
0xd8: {  	s19 =	rddreg [dreg:$0xc]  }
0xd9: {  	[hbm4b:s19+s2] =	stream.linear.scatter [tilespmem:s2], [sflag:$0x1], $0x4000, $0x38;
	[tilespmem:$0xC000] =	vst v63  }
0xda: {  	s20 =	rddreg [dreg:$0xd]  }
0xdb: {  	[hbm4b:s20+s2] =	stream.linear.scatter [tilespmem:s2], [sflag:$0x1], $0x4000, $0x38;
	[tilespmem:$0xC000] =	vst v63  }
0xdc: {  	s21 =	rddreg [dreg:$0xe]  }
0xdd: {  	[hbm4b:s21+s2] =	stream.linear.scatter [tilespmem:s2], [sflag:$0x1], $0x4000, $0x38;
	[tilespmem:$0xC000] =	vst v63  }
0xde: {  	s22 =	rddreg [dreg:$0xf]  }
0xdf: {  	[hbm4b:s22+s2] =	stream.linear.scatter [tilespmem:s2], [sflag:$0x1], $0x4000, $0x38;
	[tilespmem:$0xC000] =	vst v63  }
0xe0: {  	s17 =	rddreg [dreg:$0x10]  }
0xe1: {  	[hbm4b:s17+s2] =	stream.linear.scatter [tilespmem:s2], [sflag:$0x1], $0x4000, $0x38;
	[tilespmem:$0xC000] =	vst v63  }
0xe2: {  	s18 =	rddreg [dreg:$0x11]  }
0xe3: {  	[hbm4b:s18+s2] =	stream.linear.scatter [tilespmem:s2], [sflag:$0x1], $0x4000, $0x38;
	[tilespmem:$0xC000] =	vst v63  }
0xe4: {  	_ =	swait.ge [sflag:s12], $0x4000  }
0xe5: {  	[sflag:s12] =	ssyncset.done $0x0  }
0xe6: {  	[sflag:s12] =	ssyncadd.s32 $0xFFFFC000  }
0xe7: {  	_ =	swait.ge [sflag:s12], $0x4000  }
0xe8: {  	[sflag:s12] =	ssyncset.done $0x0  }
0xe9: {  	[sflag:s12] =	ssyncadd.s32 $0xFFFFC000  }
0xea: {  	_ =	swait.ge [sflag:s12], $0x4000  }
0xeb: {  	[sflag:s12] =	ssyncset.done $0x0  }
0xec: {  	[sflag:s12] =	ssyncadd.s32 $0xFFFFC000  }
0xed: {  	_ =	swait.ge [sflag:s12], $0x4000  }
0xee: {  	[sflag:s12] =	ssyncset.done $0x0  }
0xef: {  	[sflag:s12] =	ssyncadd.s32 $0xFFFFC000  }
0xf0: {  	_ =	swait.ge [sflag:s12], $0x4000  }
0xf1: {  	[sflag:s12] =	ssyncset.done $0x0  }
0xf2: {  	[sflag:s12] =	ssyncadd.s32 $0xFFFFC000  }
0xf3: {  	_ =	swait.ge [sflag:s12], $0x4000  }
0xf4: {  	[sflag:s12] =	ssyncset.done $0x0  }
0xf5: {  	[sflag:s12] =	ssyncadd.s32 $0xFFFFC000  }
0xf6: {  	_ =	swait.ge [sflag:s12], $0x4000  }
0xf7: {  	[sflag:s12] =	ssyncset.done $0x0  }
0xf8: {  	[sflag:s12] =	ssyncadd.s32 $0xFFFFC000  }
0xf9: {  	_ =	swait.ge [sflag:s12], $0x4000  }
0xfa: {  	[sflag:s12] =	ssyncset.done $0x0  }
0xfb: {  	s19 =	rddreg [dreg:$0x12];
	[sflag:s12] =	ssyncadd.s32 $0xFFFFC000  }
0xfc: {  	[hbm4b:s19+s2] =	stream.linear.scatter [tilespmem:s2], [sflag:$0x1], $0x4000, $0x38;
	[tilespmem:$0xC000] =	vst v63  }
0xfd: {  	s20 =	rddreg [dreg:$0x13]  }
0xfe: {  	[hbm4b:s20+s2] =	stream.linear.scatter [tilespmem:s2], [sflag:$0x1], $0x4000, $0x38;
	[tilespmem:$0xC000] =	vst v63  }
0xff: {  	s21 =	rddreg [dreg:$0x14]  }
0x100: {  	[hbm4b:s21+s2] =	stream.linear.scatter [tilespmem:s2], [sflag:$0x1], $0x4000, $0x38;
	[tilespmem:$0xC000] =	vst v63  }
0x101: {  	s22 =	rddreg [dreg:$0x15]  }
0x102: {  	[hbm4b:s22+s2] =	stream.linear.scatter [tilespmem:s2], [sflag:$0x1], $0x4000, $0x38;
	[tilespmem:$0xC000] =	vst v63  }
0x103: {  	s17 =	rddreg [dreg:$0x16]  }
0x104: {  	[hbm4b:s17+s2] =	stream.linear.scatter [tilespmem:s2], [sflag:$0x1], $0x4000, $0x38;
	[tilespmem:$0xC000] =	vst v63  }
0x105: {  	s18 =	rddreg [dreg:$0x17]  }
0x106: {  	[hbm4b:s18+s2] =	stream.linear.scatter [tilespmem:s2], [sflag:$0x1], $0x4000, $0x38;
	[tilespmem:$0xC000] =	vst v63  }
0x107: {  	s19 =	rddreg [dreg:$0x18]  }
0x108: {  	[hbm4b:s19+s2] =	stream.linear.scatter [tilespmem:s2], [sflag:$0x1], $0x4000, $0x38;
	[tilespmem:$0xC000] =	vst v63  }
0x109: {  	s20 =	rddreg [dreg:$0x19]  }
0x10a: {  	[hbm4b:s20+s2] =	stream.linear.scatter [tilespmem:s2], [sflag:$0x1], $0x4000, $0x38;
	[tilespmem:$0xC000] =	vst v63  }
0x10b: {  	_ =	swait.ge [sflag:s12], $0x4000  }
0x10c: {  	[sflag:s12] =	ssyncset.done $0x0  }
0x10d: {  	[sflag:s12] =	ssyncadd.s32 $0xFFFFC000  }
0x10e: {  	_ =	swait.ge [sflag:s12], $0x4000  }
0x10f: {  	[sflag:s12] =	ssyncset.done $0x0  }
0x110: {  	[sflag:s12] =	ssyncadd.s32 $0xFFFFC000  }
0x111: {  	_ =	swait.ge [sflag:s12], $0x4000  }
0x112: {  	[sflag:s12] =	ssyncset.done $0x0  }
0x113: {  	[sflag:s12] =	ssyncadd.s32 $0xFFFFC000  }
0x114: {  	_ =	swait.ge [sflag:s12], $0x4000  }
0x115: {  	[sflag:s12] =	ssyncset.done $0x0  }
0x116: {  	[sflag:s12] =	ssyncadd.s32 $0xFFFFC000  }
0x117: {  	_ =	swait.ge [sflag:s12], $0x4000  }
0x118: {  	[sflag:s12] =	ssyncset.done $0x0  }
0x119: {  	[sflag:s12] =	ssyncadd.s32 $0xFFFFC000  }
0x11a: {  	_ =	swait.ge [sflag:s12], $0x4000  }
0x11b: {  	[sflag:s12] =	ssyncset.done $0x0  }
0x11c: {  	[sflag:s12] =	ssyncadd.s32 $0xFFFFC000  }
0x11d: {  	_ =	swait.ge [sflag:s12], $0x4000  }
0x11e: {  	[sflag:s12] =	ssyncset.done $0x0  }
0x11f: {  	[sflag:s12] =	ssyncadd.s32 $0xFFFFC000  }
0x120: {  	_ =	swait.ge [sflag:s12], $0x4000  }
0x121: {  	[sflag:s12] =	ssyncset.done $0x0;
	s21 =	rddreg [dreg:$0x1a]  }
0x122: {  	s22 =	rddreg [dreg:$0x1b];
	[sflag:s12] =	ssyncadd.s32 $0xFFFFC000  }
0x123: {  	[hbm4b:s21+s2] =	stream.linear.scatter [tilespmem:s2], [sflag:$0x1], $0x4000, $0x38;
	[tilespmem:$0xC000] =	vst v63  }
0x124: {  	s17 =	rddreg [dreg:$0x1c]  }
0x125: {  	[hbm4b:s22+s2] =	stream.linear.scatter [tilespmem:s2], [sflag:$0x1], $0x4000, $0x38;
	[tilespmem:$0xC000] =	vst v63  }
0x126: {  	s18 =	rddreg [dreg:$0x1d]  }
0x127: {  	[hbm4b:s17+s2] =	stream.linear.scatter [tilespmem:s2], [sflag:$0x1], $0x4000, $0x38;
	[tilespmem:$0xC000] =	vst v63  }
0x128: {  	s19 =	rddreg [dreg:$0x1e]  }
0x129: {  	[hbm4b:s18+s2] =	stream.linear.scatter [tilespmem:s2], [sflag:$0x1], $0x4000, $0x38;
	[tilespmem:$0xC000] =	vst v63  }
0x12a: {  	s20 =	rddreg [dreg:$0x1f]  }
0x12b: {  	[hbm4b:s19+s2] =	stream.linear.scatter [tilespmem:s2], [sflag:$0x1], $0x4000, $0x38;
	[tilespmem:$0xC000] =	vst v63  }
0x12c: {  	s21 =	sld [smem:$0x7AE]  }
0x12d: {  	[hbm4b:s20+s2] =	stream.linear.scatter [tilespmem:s2], [sflag:$0x1], $0x4000, $0x38;
	[tilespmem:$0xC000] =	vst v63  }
0x12e: {  	s22 =	sld [smem:$0x7AF]  }
0x12f: {  	[hbm4b:s21+s2] =	stream.linear.scatter [tilespmem:s2], [sflag:$0x1], $0x4000, $0x38;
	[tilespmem:$0xC000] =	vst v63  }
0x130: {  	_ = 	snop  }
0x131: {  	[hbm4b:s22+s2] =	stream.linear.scatter [tilespmem:s2], [sflag:$0x1], $0x4000, $0x38;
	[tilespmem:$0xC000] =	vst v63  }
0x132: {  	_ =	swait.ge [sflag:s12], $0x4000  }
0x133: {  	[sflag:s12] =	ssyncset.done $0x0  }
0x134: {  	[sflag:s12] =	ssyncadd.s32 $0xFFFFC000  }
0x135: {  	_ =	swait.ge [sflag:s12], $0x4000  }
0x136: {  	[sflag:s12] =	ssyncset.done $0x0  }
0x137: {  	[sflag:s12] =	ssyncadd.s32 $0xFFFFC000  }
0x138: {  	_ =	swait.ge [sflag:s12], $0x4000  }
0x139: {  	[sflag:s12] =	ssyncset.done $0x0  }
0x13a: {  	[sflag:s12] =	ssyncadd.s32 $0xFFFFC000  }
0x13b: {  	_ =	swait.ge [sflag:s12], $0x4000  }
0x13c: {  	[sflag:s12] =	ssyncset.done $0x0  }
0x13d: {  	[sflag:s12] =	ssyncadd.s32 $0xFFFFC000  }
0x13e: {  	_ =	swait.ge [sflag:s12], $0x4000  }
0x13f: {  	[sflag:s12] =	ssyncset.done $0x0  }
0x140: {  	[sflag:s12] =	ssyncadd.s32 $0xFFFFC000  }
0x141: {  	_ =	swait.ge [sflag:s12], $0x4000  }
0x142: {  	[sflag:s12] =	ssyncset.done $0x0  }
0x143: {  	[sflag:s12] =	ssyncadd.s32 $0xFFFFC000  }
0x144: {  	_ =	swait.ge [sflag:s12], $0x4000  }
0x145: {  	[sflag:s12] =	ssyncset.done $0x0  }
0x146: {  	[sflag:s12] =	ssyncadd.s32 $0xFFFFC000  }
0x147: {  	_ =	swait.ge [sflag:s12], $0x4000  }
0x148: {  	s17 =	sld [smem:$0x7B0]  }
0x149: {  	[sflag:s12] =	ssyncset.done $0x0  }
0x14a: {  	s18 =	sld [smem:$0x7B1];
	[sflag:s12] =	ssyncadd.s32 $0xFFFFC000  }
0x14b: {  	[hbm4b:s17+s2] =	stream.linear.scatter [tilespmem:s13], [sflag:$0x1], $0x4000, $0x38;
	[tilespmem:$0xC000] =	vst v63  }
0x14c: {  	s19 =	sld [smem:$0x7B2]  }
0x14d: {  	[hbm4b:s18+s2] =	stream.linear.scatter [tilespmem:s14], [sflag:$0x1], $0x4000, $0x38;
	[tilespmem:$0xC000] =	vst v63  }
0x14e: {  	s20 =	sld [smem:$0x7B3]  }
0x14f: {  	[hbm4b:s19+s2] =	stream.linear.scatter [tilespmem:s14], [sflag:$0x1], $0x4000, $0x38;
	[tilespmem:$0xC000] =	vst v63  }
0x150: {  	s21 =	sld [smem:$0x7B4]  }
0x151: {  	[hbm4b:s20+s2] =	stream.linear.scatter [tilespmem:s14], [sflag:$0x1], $0x4000, $0x38;
	[tilespmem:$0xC000] =	vst v63  }
0x152: {  	s22 =	sld [smem:$0x7B5]  }
0x153: {  	[hbm4b:s21+s2] =	stream.linear.scatter [tilespmem:s14], [sflag:$0x1], $0x4000, $0x38;
	[tilespmem:$0xC000] =	vst v63  }
0x154: {  	s17 =	sld [smem:$0x7B6]  }
0x155: {  	[hbm4b:s22+s2] =	stream.linear.scatter [tilespmem:s14], [sflag:$0x1], $0x4000, $0x38;
	[tilespmem:$0xC000] =	vst v63  }
0x156: {  	s18 =	sld [smem:$0x7B7]  }
0x157: {  	[hbm4b:s17+s2] =	stream.linear.scatter [tilespmem:s14], [sflag:$0x1], $0x4000, $0x38;
	[tilespmem:$0xC000] =	vst v63  }
0x158: {  	_ = 	snop  }
0x159: {  	[hbm4b:s18+s2] =	stream.linear.scatter [tilespmem:s14], [sflag:$0x1], $0x4000, $0x38;
	[tilespmem:$0xC000] =	vst v63  }
0x15a: {  	_ =	swait.ge [sflag:s12], $0x4000  }
0x15b: {  	[sflag:s12] =	ssyncset.done $0x0  }
0x15c: {  	[sflag:s12] =	ssyncadd.s32 $0xFFFFC000  }
0x15d: {  	_ =	swait.ge [sflag:s12], $0x4000  }
0x15e: {  	[sflag:s12] =	ssyncset.done $0x0  }
0x15f: {  	[sflag:s12] =	ssyncadd.s32 $0xFFFFC000  }
0x160: {  	_ =	swait.ge [sflag:s12], $0x4000  }
0x161: {  	[sflag:s12] =	ssyncset.done $0x0  }
0x162: {  	[sflag:s12] =	ssyncadd.s32 $0xFFFFC000  }
0x163: {  	_ =	swait.ge [sflag:s12], $0x4000  }
0x164: {  	[sflag:s12] =	ssyncset.done $0x0  }
0x165: {  	[sflag:s12] =	ssyncadd.s32 $0xFFFFC000  }
0x166: {  	_ =	swait.ge [sflag:s12], $0x4000  }
0x167: {  	[sflag:s12] =	ssyncset.done $0x0  }
0x168: {  	[sflag:s12] =	ssyncadd.s32 $0xFFFFC000  }
0x169: {  	_ =	swait.ge [sflag:s12], $0x4000  }
0x16a: {  	[sflag:s12] =	ssyncset.done $0x0  }
0x16b: {  	[sflag:s12] =	ssyncadd.s32 $0xFFFFC000  }
0x16c: {  	_ =	swait.ge [sflag:s12], $0x4000  }
0x16d: {  	[sflag:s12] =	ssyncset.done $0x0  }
0x16e: {  	[sflag:s12] =	ssyncadd.s32 $0xFFFFC000  }
0x16f: {  	_ =	swait.ge [sflag:s12], $0x4000  }
0x170: {  	s19 =	sld [smem:$0x7B8]  }
0x171: {  	[sflag:s12] =	ssyncset.done $0x0  }
0x172: {  	s20 =	sld [smem:$0x7B9];
	[sflag:s12] =	ssyncadd.s32 $0xFFFFC000  }
0x173: {  	[hbm4b:s19+s2] =	stream.linear.scatter [tilespmem:s14], [sflag:$0x1], $0x4000, $0x38;
	[tilespmem:$0xC000] =	vst v63  }
0x174: {  	s21 =	sld [smem:$0x7BA]  }
0x175: {  	[hbm4b:s20+s2] =	stream.linear.scatter [tilespmem:s14], [sflag:$0x1], $0x4000, $0x38;
	[tilespmem:$0xC000] =	vst v63  }
0x176: {  	s22 =	sld [smem:$0x7BB]  }
0x177: {  	[hbm4b:s21+s2] =	stream.linear.scatter [tilespmem:s14], [sflag:$0x1], $0x4000, $0x38;
	[tilespmem:$0xC000] =	vst v63  }
0x178: {  	s17 =	sld [smem:$0x7BC]  }
0x179: {  	[hbm4b:s22+s2] =	stream.linear.scatter [tilespmem:s14], [sflag:$0x1], $0x4000, $0x38;
	[tilespmem:$0xC000] =	vst v63  }
0x17a: {  	s18 =	sld [smem:$0x7BD]  }
0x17b: {  	[hbm4b:s17+s2] =	stream.linear.scatter [tilespmem:s14], [sflag:$0x1], $0x4000, $0x38;
	[tilespmem:$0xC000] =	vst v63  }
0x17c: {  	s19 =	sld [smem:$0x7BE]  }
0x17d: {  	[hbm4b:s18+s2] =	stream.linear.scatter [tilespmem:s14], [sflag:$0x1], $0x4000, $0x38;
	[tilespmem:$0xC000] =	vst v63  }
0x17e: {  	s20 =	sld [smem:$0x7BF]  }
0x17f: {  	[hbm4b:s19+s2] =	stream.linear.scatter [tilespmem:s14], [sflag:$0x1], $0x4000, $0x38;
	[tilespmem:$0xC000] =	vst v63  }
0x180: {  	_ = 	snop  }
0x181: {  	[hbm4b:s20+s2] =	stream.linear.scatter [tilespmem:s14], [sflag:$0x1], $0x4000, $0x38;
	[tilespmem:$0xC000] =	vst v63  }
0x182: {  	_ =	swait.ge [sflag:s12], $0x4000  }
0x183: {  	[sflag:s12] =	ssyncset.done $0x0  }
0x184: {  	[sflag:s12] =	ssyncadd.s32 $0xFFFFC000  }
0x185: {  	_ =	swait.ge [sflag:s12], $0x4000  }
0x186: {  	[sflag:s12] =	ssyncset.done $0x0  }
0x187: {  	[sflag:s12] =	ssyncadd.s32 $0xFFFFC000  }
0x188: {  	_ =	swait.ge [sflag:s12], $0x4000  }
0x189: {  	[sflag:s12] =	ssyncset.done $0x0  }
0x18a: {  	[sflag:s12] =	ssyncadd.s32 $0xFFFFC000  }
0x18b: {  	_ =	swait.ge [sflag:s12], $0x4000  }
0x18c: {  	[sflag:s12] =	ssyncset.done $0x0  }
0x18d: {  	[sflag:s12] =	ssyncadd.s32 $0xFFFFC000  }
0x18e: {  	_ =	swait.ge [sflag:s12], $0x4000  }
0x18f: {  	[sflag:s12] =	ssyncset.done $0x0  }
0x190: {  	[sflag:s12] =	ssyncadd.s32 $0xFFFFC000  }
0x191: {  	_ =	swait.ge [sflag:s12], $0x4000  }
0x192: {  	[sflag:s12] =	ssyncset.done $0x0  }
0x193: {  	[sflag:s12] =	ssyncadd.s32 $0xFFFFC000  }
0x194: {  	_ =	swait.ge [sflag:s12], $0x4000  }
0x195: {  	[sflag:s12] =	ssyncset.done $0x0  }
0x196: {  	[sflag:s12] =	ssyncadd.s32 $0xFFFFC000  }
0x197: {  	_ =	swait.ge [sflag:s12], $0x4000  }
0x198: {  	s21 =	sld [smem:$0x7C0]  }
0x199: {  	[sflag:s12] =	ssyncset.done $0x0  }
0x19a: {  	s22 =	sld [smem:$0x7C1];
	[sflag:s12] =	ssyncadd.s32 $0xFFFFC000  }
0x19b: {  	[hbm4b:s21+s2] =	stream.linear.scatter [tilespmem:s14], [sflag:$0x1], $0x4000, $0x38;
	[tilespmem:$0xC000] =	vst v63  }
0x19c: {  	s17 =	sld [smem:$0x7C2]  }
0x19d: {  	[hbm4b:s22+s2] =	stream.linear.scatter [tilespmem:s14], [sflag:$0x1], $0x4000, $0x38;
	[tilespmem:$0xC000] =	vst v63  }
0x19e: {  	s18 =	sld [smem:$0x7C3]  }
0x19f: {  	[hbm4b:s17+s2] =	stream.linear.scatter [tilespmem:s14], [sflag:$0x1], $0x4000, $0x38;
	[tilespmem:$0xC000] =	vst v63  }
0x1a0: {  	s19 =	sld [smem:$0x7C4]  }
0x1a1: {  	[hbm4b:s18+s2] =	stream.linear.scatter [tilespmem:s14], [sflag:$0x1], $0x4000, $0x38;
	[tilespmem:$0xC000] =	vst v63  }
0x1a2: {  	s20 =	sld [smem:$0x7C5]  }
0x1a3: {  	[hbm4b:s19+s2] =	stream.linear.scatter [tilespmem:s14], [sflag:$0x1], $0x4000, $0x38;
	[tilespmem:$0xC000] =	vst v63  }
0x1a4: {  	s21 =	sld [smem:$0x7C6]  }
0x1a5: {  	[hbm4b:s20+s2] =	stream.linear.scatter [tilespmem:s14], [sflag:$0x1], $0x4000, $0x38;
	[tilespmem:$0xC000] =	vst v63  }
0x1a6: {  	s22 =	sld [smem:$0x7C7]  }
0x1a7: {  	[hbm4b:s21+s2] =	stream.linear.scatter [tilespmem:s14], [sflag:$0x1], $0x4000, $0x38;
	[tilespmem:$0xC000] =	vst v63  }
0x1a8: {  	_ = 	snop  }
0x1a9: {  	[hbm4b:s22+s2] =	stream.linear.scatter [tilespmem:s14], [sflag:$0x1], $0x4000, $0x38;
	[tilespmem:$0xC000] =	vst v63  }
0x1aa: {  	_ =	swait.ge [sflag:s12], $0x4000  }
0x1ab: {  	[sflag:s12] =	ssyncset.done $0x0  }
0x1ac: {  	[sflag:s12] =	ssyncadd.s32 $0xFFFFC000  }
0x1ad: {  	_ =	swait.ge [sflag:s12], $0x4000  }
0x1ae: {  	[sflag:s12] =	ssyncset.done $0x0  }
0x1af: {  	[sflag:s12] =	ssyncadd.s32 $0xFFFFC000  }
0x1b0: {  	_ =	swait.ge [sflag:s12], $0x4000  }
0x1b1: {  	[sflag:s12] =	ssyncset.done $0x0  }
0x1b2: {  	[sflag:s12] =	ssyncadd.s32 $0xFFFFC000  }
0x1b3: {  	_ =	swait.ge [sflag:s12], $0x4000  }
0x1b4: {  	[sflag:s12] =	ssyncset.done $0x0  }
0x1b5: {  	[sflag:s12] =	ssyncadd.s32 $0xFFFFC000  }
0x1b6: {  	_ =	swait.ge [sflag:s12], $0x4000  }
0x1b7: {  	[sflag:s12] =	ssyncset.done $0x0  }
0x1b8: {  	[sflag:s12] =	ssyncadd.s32 $0xFFFFC000  }
0x1b9: {  	_ =	swait.ge [sflag:s12], $0x4000  }
0x1ba: {  	[sflag:s12] =	ssyncset.done $0x0  }
0x1bb: {  	[sflag:s12] =	ssyncadd.s32 $0xFFFFC000  }
0x1bc: {  	_ =	swait.ge [sflag:s12], $0x4000  }
0x1bd: {  	[sflag:s12] =	ssyncset.done $0x0  }
0x1be: {  	[sflag:s12] =	ssyncadd.s32 $0xFFFFC000  }
0x1bf: {  	_ =	swait.ge [sflag:s12], $0x4000  }
0x1c0: {  	s17 =	sld [smem:$0x7C8]  }
0x1c1: {  	[sflag:s12] =	ssyncset.done $0x0  }
0x1c2: {  	s18 =	sld [smem:$0x7C9];
	[sflag:s12] =	ssyncadd.s32 $0xFFFFC000  }
0x1c3: {  	[hbm4b:s17+s2] =	stream.linear.scatter [tilespmem:s14], [sflag:$0x1], $0x4000, $0x38;
	[tilespmem:$0xC000] =	vst v63  }
0x1c4: {  	s19 =	sld [smem:$0x7CA]  }
0x1c5: {  	[hbm4b:s18+s2] =	stream.linear.scatter [tilespmem:s14], [sflag:$0x1], $0x4000, $0x38;
	[tilespmem:$0xC000] =	vst v63  }
0x1c6: {  	s20 =	sld [smem:$0x7CB]  }
0x1c7: {  	[hbm4b:s19+s2] =	stream.linear.scatter [tilespmem:s14], [sflag:$0x1], $0x4000, $0x38;
	[tilespmem:$0xC000] =	vst v63  }
0x1c8: {  	s21 =	sld [smem:$0x7CC]  }
0x1c9: {  	[hbm4b:s20+s2] =	stream.linear.scatter [tilespmem:s14], [sflag:$0x1], $0x4000, $0x38;
	[tilespmem:$0xC000] =	vst v63  }
0x1ca: {  	s22 =	sld [smem:$0x7CD]  }
0x1cb: {  	[hbm4b:s21+s2] =	stream.linear.scatter [tilespmem:s14], [sflag:$0x1], $0x4000, $0x38;
	[tilespmem:$0xC000] =	vst v63  }
0x1cc: {  	s17 =	sld [smem:$0x7CE]  }
0x1cd: {  	[hbm4b:s22+s2] =	stream.linear.scatter [tilespmem:s14], [sflag:$0x1], $0x4000, $0x38;
	[tilespmem:$0xC000] =	vst v63  }
0x1ce: {  	s18 =	sld [smem:$0x7CF]  }
0x1cf: {  	[hbm4b:s17+s2] =	stream.linear.scatter [tilespmem:s14], [sflag:$0x1], $0x4000, $0x38;
	[tilespmem:$0xC000] =	vst v63  }
0x1d0: {  	_ = 	snop  }
0x1d1: {  	[hbm4b:s18+s2] =	stream.linear.scatter [tilespmem:s14], [sflag:$0x1], $0x4000, $0x38;
	[tilespmem:$0xC000] =	vst v63  }
0x1d2: {  	_ =	swait.ge [sflag:s12], $0x4000  }
0x1d3: {  	[sflag:s12] =	ssyncset.done $0x0  }
0x1d4: {  	[sflag:s12] =	ssyncadd.s32 $0xFFFFC000  }
0x1d5: {  	_ =	swait.ge [sflag:s12], $0x4000  }
0x1d6: {  	[sflag:s12] =	ssyncset.done $0x0  }
0x1d7: {  	[sflag:s12] =	ssyncadd.s32 $0xFFFFC000  }
0x1d8: {  	_ =	swait.ge [sflag:s12], $0x4000  }
0x1d9: {  	[sflag:s12] =	ssyncset.done $0x0  }
0x1da: {  	[sflag:s12] =	ssyncadd.s32 $0xFFFFC000  }
0x1db: {  	_ =	swait.ge [sflag:s12], $0x4000  }
0x1dc: {  	[sflag:s12] =	ssyncset.done $0x0  }
0x1dd: {  	[sflag:s12] =	ssyncadd.s32 $0xFFFFC000  }
0x1de: {  	_ =	swait.ge [sflag:s12], $0x4000  }
0x1df: {  	[sflag:s12] =	ssyncset.done $0x0  }
0x1e0: {  	[sflag:s12] =	ssyncadd.s32 $0xFFFFC000  }
0x1e1: {  	_ =	swait.ge [sflag:s12], $0x4000  }
0x1e2: {  	[sflag:s12] =	ssyncset.done $0x0  }
0x1e3: {  	[sflag:s12] =	ssyncadd.s32 $0xFFFFC000  }
0x1e4: {  	_ =	swait.ge [sflag:s12], $0x4000  }
0x1e5: {  	[sflag:s12] =	ssyncset.done $0x0  }
0x1e6: {  	[sflag:s12] =	ssyncadd.s32 $0xFFFFC000  }
0x1e7: {  	_ =	swait.ge [sflag:s12], $0x4000  }
0x1e8: {  	s19 =	sld [smem:$0x7D0]  }
0x1e9: {  	[sflag:s12] =	ssyncset.done $0x0  }
0x1ea: {  	s20 =	sld [smem:$0x7D1];
	[sflag:s12] =	ssyncadd.s32 $0xFFFFC000  }
0x1eb: {  	[hbm4b:s19+s2] =	stream.linear.scatter [tilespmem:s2], [sflag:$0x1], $0x4000, $0x38;
	[tilespmem:$0xC000] =	vst v63  }
0x1ec: {  	s21 =	sld [smem:$0x7D2]  }
0x1ed: {  	[hbm4b:s20+s2] =	stream.linear.scatter [tilespmem:s2], [sflag:$0x1], $0x4000, $0x38;
	[tilespmem:$0xC000] =	vst v63  }
0x1ee: {  	s22 =	sld [smem:$0x7D3]  }
0x1ef: {  	[hbm4b:s21+s2] =	stream.linear.scatter [tilespmem:s2], [sflag:$0x1], $0x4000, $0x38;
	[tilespmem:$0xC000] =	vst v63  }
0x1f0: {  	s17 =	sld [smem:$0x7D4]  }
0x1f1: {  	[hbm4b:s22+s2] =	stream.linear.scatter [tilespmem:s2], [sflag:$0x1], $0x4000, $0x38;
	[tilespmem:$0xC000] =	vst v63  }
0x1f2: {  	s18 =	sld [smem:$0x7D5]  }
0x1f3: {  	[hbm4b:s17+s2] =	stream.linear.scatter [tilespmem:s2], [sflag:$0x1], $0x4000, $0x38;
	[tilespmem:$0xC000] =	vst v63  }
0x1f4: {  	s19 =	sld [smem:$0x7D6]  }
0x1f5: {  	[hbm4b:s18+s2] =	stream.linear.scatter [tilespmem:s2], [sflag:$0x1], $0x4000, $0x38;
	[tilespmem:$0xC000] =	vst v63  }
0x1f6: {  	s20 =	sld [smem:$0x7D7]  }
0x1f7: {  	[hbm4b:s19+s2] =	stream.linear.scatter [tilespmem:s2], [sflag:$0x1], $0x4000, $0x38;
	[tilespmem:$0xC000] =	vst v63  }
0x1f8: {  	_ = 	snop  }
0x1f9: {  	[hbm4b:s20+s2] =	stream.linear.scatter [tilespmem:s2], [sflag:$0x1], $0x4000, $0x38;
	[tilespmem:$0xC000] =	vst v63  }
0x1fa: {  	_ =	swait.ge [sflag:s12], $0x4000  }
0x1fb: {  	[sflag:s12] =	ssyncset.done $0x0  }
0x1fc: {  	[sflag:s12] =	ssyncadd.s32 $0xFFFFC000  }
0x1fd: {  	_ =	swait.ge [sflag:s12], $0x4000  }
0x1fe: {  	[sflag:s12] =	ssyncset.done $0x0  }
0x1ff: {  	[sflag:s12] =	ssyncadd.s32 $0xFFFFC000  }
0x200: {  	_ =	swait.ge [sflag:s12], $0x4000  }
0x201: {  	[sflag:s12] =	ssyncset.done $0x0  }
0x202: {  	[sflag:s12] =	ssyncadd.s32 $0xFFFFC000  }
0x203: {  	_ =	swait.ge [sflag:s12], $0x4000  }
0x204: {  	[sflag:s12] =	ssyncset.done $0x0  }
0x205: {  	[sflag:s12] =	ssyncadd.s32 $0xFFFFC000  }
0x206: {  	_ =	swait.ge [sflag:s12], $0x4000  }
0x207: {  	[sflag:s12] =	ssyncset.done $0x0  }
0x208: {  	[sflag:s12] =	ssyncadd.s32 $0xFFFFC000  }
0x209: {  	_ =	swait.ge [sflag:s12], $0x4000  }
0x20a: {  	[sflag:s12] =	ssyncset.done $0x0  }
0x20b: {  	[sflag:s12] =	ssyncadd.s32 $0xFFFFC000  }
0x20c: {  	_ =	swait.ge [sflag:s12], $0x4000  }
0x20d: {  	[sflag:s12] =	ssyncset.done $0x0  }
0x20e: {  	[sflag:s12] =	ssyncadd.s32 $0xFFFFC000  }
0x20f: {  	_ =	swait.ge [sflag:s12], $0x4000  }
0x210: {  	s21 =	sld [smem:$0x7D8]  }
0x211: {  	[sflag:s12] =	ssyncset.done $0x0  }
0x212: {  	s22 =	sld [smem:$0x7D9];
	[sflag:s12] =	ssyncadd.s32 $0xFFFFC000  }
0x213: {  	[hbm4b:s21+s2] =	stream.linear.scatter [tilespmem:s2], [sflag:$0x1], $0x4000, $0x38;
	[tilespmem:$0xC000] =	vst v63  }
0x214: {  	s17 =	sld [smem:$0x7DA]  }
0x215: {  	[hbm4b:s22+s2] =	stream.linear.scatter [tilespmem:s2], [sflag:$0x1], $0x4000, $0x38;
	[tilespmem:$0xC000] =	vst v63  }
0x216: {  	s18 =	sld [smem:$0x7DB]  }
0x217: {  	[hbm4b:s17+s2] =	stream.linear.scatter [tilespmem:s2], [sflag:$0x1], $0x4000, $0x38;
	[tilespmem:$0xC000] =	vst v63  }
0x218: {  	s19 =	sld [smem:$0x7DC]  }
0x219: {  	[hbm4b:s18+s2] =	stream.linear.scatter [tilespmem:s2], [sflag:$0x1], $0x4000, $0x38;
	[tilespmem:$0xC000] =	vst v63  }
0x21a: {  	s20 =	sld [smem:$0x7DD]  }
0x21b: {  	[hbm4b:s19+s2] =	stream.linear.scatter [tilespmem:s2], [sflag:$0x1], $0x4000, $0x38;
	[tilespmem:$0xC000] =	vst v63  }
0x21c: {  	s21 =	sld [smem:$0x7DE]  }
0x21d: {  	[hbm4b:s20+s2] =	stream.linear.scatter [tilespmem:s2], [sflag:$0x1], $0x4000, $0x38;
	[tilespmem:$0xC000] =	vst v63  }
0x21e: {  	s22 =	sld [smem:$0x7DF]  }
0x21f: {  	[hbm4b:s21+s2] =	stream.linear.scatter [tilespmem:s2], [sflag:$0x1], $0x4000, $0x38;
	[tilespmem:$0xC000] =	vst v63  }
0x220: {  	_ = 	snop  }
0x221: {  	[hbm4b:s22+s2] =	stream.linear.scatter [tilespmem:s2], [sflag:$0x1], $0x4000, $0x38;
	[tilespmem:$0xC000] =	vst v63  }
0x222: {  	_ =	swait.ge [sflag:s12], $0x4000  }
0x223: {  	[sflag:s12] =	ssyncset.done $0x0  }
0x224: {  	[sflag:s12] =	ssyncadd.s32 $0xFFFFC000  }
0x225: {  	_ =	swait.ge [sflag:s12], $0x4000  }
0x226: {  	[sflag:s12] =	ssyncset.done $0x0  }
0x227: {  	[sflag:s12] =	ssyncadd.s32 $0xFFFFC000  }
0x228: {  	_ =	swait.ge [sflag:s12], $0x4000  }
0x229: {  	[sflag:s12] =	ssyncset.done $0x0  }
0x22a: {  	[sflag:s12] =	ssyncadd.s32 $0xFFFFC000  }
0x22b: {  	_ =	swait.ge [sflag:s12], $0x4000  }
0x22c: {  	[sflag:s12] =	ssyncset.done $0x0  }
0x22d: {  	[sflag:s12] =	ssyncadd.s32 $0xFFFFC000  }
0x22e: {  	_ =	swait.ge [sflag:s12], $0x4000  }
0x22f: {  	[sflag:s12] =	ssyncset.done $0x0  }
0x230: {  	[sflag:s12] =	ssyncadd.s32 $0xFFFFC000  }
0x231: {  	_ =	swait.ge [sflag:s12], $0x4000  }
0x232: {  	[sflag:s12] =	ssyncset.done $0x0  }
0x233: {  	[sflag:s12] =	ssyncadd.s32 $0xFFFFC000  }
0x234: {  	_ =	swait.ge [sflag:s12], $0x4000  }
0x235: {  	[sflag:s12] =	ssyncset.done $0x0  }
0x236: {  	[sflag:s12] =	ssyncadd.s32 $0xFFFFC000  }
0x237: {  	_ =	swait.ge [sflag:s12], $0x4000  }
0x238: {  	s17 =	sld [smem:$0x7E0]  }
0x239: {  	[sflag:s12] =	ssyncset.done $0x0  }
0x23a: {  	s18 =	sld [smem:$0x7E1];
	[sflag:s12] =	ssyncadd.s32 $0xFFFFC000  }
0x23b: {  	[hbm4b:s17+s2] =	stream.linear.scatter [tilespmem:s2], [sflag:$0x1], $0x4000, $0x38;
	[tilespmem:$0xC000] =	vst v63  }
0x23c: {  	s19 =	sld [smem:$0x7E2]  }
0x23d: {  	[hbm4b:s18+s2] =	stream.linear.scatter [tilespmem:s2], [sflag:$0x1], $0x4000, $0x38;
	[tilespmem:$0xC000] =	vst v63  }
0x23e: {  	s20 =	sld [smem:$0x7E3]  }
0x23f: {  	[hbm4b:s19+s2] =	stream.linear.scatter [tilespmem:s2], [sflag:$0x1], $0x4000, $0x38;
	[tilespmem:$0xC000] =	vst v63  }
0x240: {  	s21 =	sld [smem:$0x7E4]  }
0x241: {  	[hbm4b:s20+s2] =	stream.linear.scatter [tilespmem:s2], [sflag:$0x1], $0x4000, $0x38;
	[tilespmem:$0xC000] =	vst v63  }
0x242: {  	s22 =	sld [smem:$0x7E5]  }
0x243: {  	[hbm4b:s21+s2] =	stream.linear.scatter [tilespmem:s2], [sflag:$0x1], $0x4000, $0x38;
	[tilespmem:$0xC000] =	vst v63  }
0x244: {  	s17 =	sld [smem:$0x7E6]  }
0x245: {  	[hbm4b:s22+s2] =	stream.linear.scatter [tilespmem:s2], [sflag:$0x1], $0x4000, $0x38;
	[tilespmem:$0xC000] =	vst v63  }
0x246: {  	s18 =	sld [smem:$0x7E7]  }
0x247: {  	[hbm4b:s17+s2] =	stream.linear.scatter [tilespmem:s2], [sflag:$0x1], $0x4000, $0x38;
	[tilespmem:$0xC000] =	vst v63  }
0x248: {  	_ = 	snop  }
0x249: {  	[hbm4b:s18+s2] =	stream.linear.scatter [tilespmem:s2], [sflag:$0x1], $0x4000, $0x38;
	[tilespmem:$0xC000] =	vst v63  }
0x24a: {  	_ =	swait.ge [sflag:s12], $0x4000  }
0x24b: {  	[sflag:s12] =	ssyncset.done $0x0  }
0x24c: {  	[sflag:s12] =	ssyncadd.s32 $0xFFFFC000  }
0x24d: {  	_ =	swait.ge [sflag:s12], $0x4000  }
0x24e: {  	[sflag:s12] =	ssyncset.done $0x0  }
0x24f: {  	[sflag:s12] =	ssyncadd.s32 $0xFFFFC000  }
0x250: {  	_ =	swait.ge [sflag:s12], $0x4000  }
0x251: {  	[sflag:s12] =	ssyncset.done $0x0  }
0x252: {  	[sflag:s12] =	ssyncadd.s32 $0xFFFFC000  }
0x253: {  	_ =	swait.ge [sflag:s12], $0x4000  }
0x254: {  	[sflag:s12] =	ssyncset.done $0x0  }
0x255: {  	[sflag:s12] =	ssyncadd.s32 $0xFFFFC000  }
0x256: {  	_ =	swait.ge [sflag:s12], $0x4000  }
0x257: {  	[sflag:s12] =	ssyncset.done $0x0  }
0x258: {  	[sflag:s12] =	ssyncadd.s32 $0xFFFFC000  }
0x259: {  	_ =	swait.ge [sflag:s12], $0x4000  }
0x25a: {  	[sflag:s12] =	ssyncset.done $0x0  }
0x25b: {  	[sflag:s12] =	ssyncadd.s32 $0xFFFFC000  }
0x25c: {  	_ =	swait.ge [sflag:s12], $0x4000  }
0x25d: {  	[sflag:s12] =	ssyncset.done $0x0  }
0x25e: {  	[sflag:s12] =	ssyncadd.s32 $0xFFFFC000  }
0x25f: {  	_ =	swait.ge [sflag:s12], $0x4000  }
0x260: {  	s19 =	sld [smem:$0x7E8]  }
0x261: {  	[sflag:s12] =	ssyncset.done $0x0  }
0x262: {  	s20 =	sld [smem:$0x7E9];
	[sflag:s12] =	ssyncadd.s32 $0xFFFFC000  }
0x263: {  	[hbm4b:s19+s2] =	stream.linear.scatter [tilespmem:s2], [sflag:$0x1], $0x4000, $0x38;
	[tilespmem:$0xC000] =	vst v63  }
0x264: {  	s21 =	sld [smem:$0x7EA]  }
0x265: {  	[hbm4b:s20+s2] =	stream.linear.scatter [tilespmem:s2], [sflag:$0x1], $0x4000, $0x38;
	[tilespmem:$0xC000] =	vst v63  }
0x266: {  	s22 =	sld [smem:$0x7EB]  }
0x267: {  	[hbm4b:s21+s2] =	stream.linear.scatter [tilespmem:s2], [sflag:$0x1], $0x4000, $0x38;
	[tilespmem:$0xC000] =	vst v63  }
0x268: {  	s17 =	sld [smem:$0x7EC]  }
0x269: {  	[hbm4b:s22+s2] =	stream.linear.scatter [tilespmem:s2], [sflag:$0x1], $0x4000, $0x38;
	[tilespmem:$0xC000] =	vst v63  }
0x26a: {  	s18 =	sld [smem:$0x7ED]  }
0x26b: {  	[hbm4b:s17+s2] =	stream.linear.scatter [tilespmem:s2], [sflag:$0x1], $0x4000, $0x38;
	[tilespmem:$0xC000] =	vst v63  }
0x26c: {  	s19 =	sld [smem:$0x7EE]  }
0x26d: {  	[hbm4b:s18+s2] =	stream.linear.scatter [tilespmem:s2], [sflag:$0x1], $0x4000, $0x38;
	[tilespmem:$0xC000] =	vst v63  }
0x26e: {  	s20 =	sld [smem:$0x7EF]  }
0x26f: {  	[hbm4b:s19+s2] =	stream.linear.scatter [tilespmem:s2], [sflag:$0x1], $0x4000, $0x38;
	[tilespmem:$0xC000] =	vst v63  }
0x270: {  	_ = 	snop  }
0x271: {  	[hbm4b:s20+s2] =	stream.linear.scatter [tilespmem:s2], [sflag:$0x1], $0x4000, $0x38;
	[tilespmem:$0xC000] =	vst v63  }
0x272: {  	_ =	swait.ge [sflag:s12], $0x4000  }
0x273: {  	[sflag:s12] =	ssyncset.done $0x0  }
0x274: {  	[sflag:s12] =	ssyncadd.s32 $0xFFFFC000  }
0x275: {  	_ =	swait.ge [sflag:s12], $0x4000  }
0x276: {  	[sflag:s12] =	ssyncset.done $0x0  }
0x277: {  	[sflag:s12] =	ssyncadd.s32 $0xFFFFC000  }
0x278: {  	_ =	swait.ge [sflag:s12], $0x4000  }
0x279: {  	[sflag:s12] =	ssyncset.done $0x0  }
0x27a: {  	[sflag:s12] =	ssyncadd.s32 $0xFFFFC000  }
0x27b: {  	_ =	swait.ge [sflag:s12], $0x4000  }
0x27c: {  	[sflag:s12] =	ssyncset.done $0x0  }
0x27d: {  	[sflag:s12] =	ssyncadd.s32 $0xFFFFC000  }
0x27e: {  	_ =	swait.ge [sflag:s12], $0x4000  }
0x27f: {  	[sflag:s12] =	ssyncset.done $0x0  }
0x280: {  	[sflag:s12] =	ssyncadd.s32 $0xFFFFC000  }
0x281: {  	_ =	swait.ge [sflag:s12], $0x4000  }
0x282: {  	[sflag:s12] =	ssyncset.done $0x0  }
0x283: {  	[sflag:s12] =	ssyncadd.s32 $0xFFFFC000  }
0x284: {  	_ =	swait.ge [sflag:s12], $0x4000  }
0x285: {  	[sflag:s12] =	ssyncset.done $0x0  }
0x286: {  	[sflag:s12] =	ssyncadd.s32 $0xFFFFC000  }
0x287: {  	_ =	swait.ge [sflag:s12], $0x4000  }
0x288: {  	s21 =	sld [smem:$0x7F0]  }
0x289: {  	[sflag:s12] =	ssyncset.done $0x0  }
0x28a: {  	s22 =	sld [smem:$0x7F1];
	[sflag:s12] =	ssyncadd.s32 $0xFFFFC000  }
0x28b: {  	[hbm4b:s21+s2] =	stream.linear.scatter [tilespmem:s13], [sflag:$0x1], $0x4000, $0x38;
	[tilespmem:$0xC000] =	vst v63  }
0x28c: {  	s17 =	sld [smem:$0x7F2]  }
0x28d: {  	[hbm4b:s22+s2] =	stream.linear.scatter [tilespmem:s14], [sflag:$0x1], $0x4000, $0x38;
	[tilespmem:$0xC000] =	vst v63  }
0x28e: {  	s18 =	sld [smem:$0x7F3]  }
0x28f: {  	[hbm4b:s17+s2] =	stream.linear.scatter [tilespmem:s14], [sflag:$0x1], $0x4000, $0x38;
	[tilespmem:$0xC000] =	vst v63  }
0x290: {  	s19 =	sld [smem:$0x7F4]  }
0x291: {  	[hbm4b:s18+s2] =	stream.linear.scatter [tilespmem:s14], [sflag:$0x1], $0x4000, $0x38;
	[tilespmem:$0xC000] =	vst v63  }
0x292: {  	s20 =	sld [smem:$0x7F5]  }
0x293: {  	[hbm4b:s19+s2] =	stream.linear.scatter [tilespmem:s14], [sflag:$0x1], $0x4000, $0x38;
	[tilespmem:$0xC000] =	vst v63  }
0x294: {  	s21 =	sld [smem:$0x7F6]  }
0x295: {  	[hbm4b:s20+s2] =	stream.linear.scatter [tilespmem:s14], [sflag:$0x1], $0x4000, $0x38;
	[tilespmem:$0xC000] =	vst v63  }
0x296: {  	s22 =	sld [smem:$0x7F7]  }
0x297: {  	[hbm4b:s21+s2] =	stream.linear.scatter [tilespmem:s14], [sflag:$0x1], $0x4000, $0x38;
	[tilespmem:$0xC000] =	vst v63  }
0x298: {  	_ = 	snop  }
0x299: {  	[hbm4b:s22+s2] =	stream.linear.scatter [tilespmem:s14], [sflag:$0x1], $0x4000, $0x38;
	[tilespmem:$0xC000] =	vst v63  }
0x29a: {  	_ =	swait.ge [sflag:s12], $0x4000  }
0x29b: {  	[sflag:s12] =	ssyncset.done $0x0  }
0x29c: {  	[sflag:s12] =	ssyncadd.s32 $0xFFFFC000  }
0x29d: {  	_ =	swait.ge [sflag:s12], $0x4000  }
0x29e: {  	[sflag:s12] =	ssyncset.done $0x0  }
0x29f: {  	[sflag:s12] =	ssyncadd.s32 $0xFFFFC000  }
0x2a0: {  	_ =	swait.ge [sflag:s12], $0x4000  }
0x2a1: {  	[sflag:s12] =	ssyncset.done $0x0  }
0x2a2: {  	[sflag:s12] =	ssyncadd.s32 $0xFFFFC000  }
0x2a3: {  	_ =	swait.ge [sflag:s12], $0x4000  }
0x2a4: {  	[sflag:s12] =	ssyncset.done $0x0  }
0x2a5: {  	[sflag:s12] =	ssyncadd.s32 $0xFFFFC000  }
0x2a6: {  	_ =	swait.ge [sflag:s12], $0x4000  }
0x2a7: {  	[sflag:s12] =	ssyncset.done $0x0  }
0x2a8: {  	[sflag:s12] =	ssyncadd.s32 $0xFFFFC000  }
0x2a9: {  	_ =	swait.ge [sflag:s12], $0x4000  }
0x2aa: {  	[sflag:s12] =	ssyncset.done $0x0  }
0x2ab: {  	[sflag:s12] =	ssyncadd.s32 $0xFFFFC000  }
0x2ac: {  	_ =	swait.ge [sflag:s12], $0x4000  }
0x2ad: {  	[sflag:s12] =	ssyncset.done $0x0  }
0x2ae: {  	[sflag:s12] =	ssyncadd.s32 $0xFFFFC000  }
0x2af: {  	_ =	swait.ge [sflag:s12], $0x4000  }
0x2b0: {  	s17 =	sld [smem:$0x7F8]  }
0x2b1: {  	[sflag:s12] =	ssyncset.done $0x0  }
0x2b2: {  	s18 =	sld [smem:$0x7F9];
	[sflag:s12] =	ssyncadd.s32 $0xFFFFC000  }
0x2b3: {  	[hbm4b:s17+s2] =	stream.linear.scatter [tilespmem:s14], [sflag:$0x1], $0x4000, $0x38;
	[tilespmem:$0xC000] =	vst v63  }
0x2b4: {  	s19 =	sld [smem:$0x7FA]  }
0x2b5: {  	[hbm4b:s18+s2] =	stream.linear.scatter [tilespmem:s14], [sflag:$0x1], $0x4000, $0x38;
	[tilespmem:$0xC000] =	vst v63  }
0x2b6: {  	s20 =	sld [smem:$0x7FB]  }
0x2b7: {  	[hbm4b:s19+s2] =	stream.linear.scatter [tilespmem:s14], [sflag:$0x1], $0x4000, $0x38;
	[tilespmem:$0xC000] =	vst v63  }
0x2b8: {  	s21 =	sld [smem:$0x7FC]  }
0x2b9: {  	[hbm4b:s20+s2] =	stream.linear.scatter [tilespmem:s14], [sflag:$0x1], $0x4000, $0x38;
	[tilespmem:$0xC000] =	vst v63  }
0x2ba: {  	s22 =	sld [smem:$0x7FD]  }
0x2bb: {  	[hbm4b:s21+s2] =	stream.linear.scatter [tilespmem:s14], [sflag:$0x1], $0x4000, $0x38;
	[tilespmem:$0xC000] =	vst v63  }
0x2bc: {  	_ = 	snop  }
0x2bd: {  	[hbm4b:s22+s2] =	stream.linear.scatter [tilespmem:s14], [sflag:$0x1], $0x4000, $0x38;
	[tilespmem:$0xC000] =	vst v63  }
0x2be: {  	_ = 	snop  }
0x2bf: {  	[hbm4b:s23+s2] =	stream.linear.scatter [tilespmem:s14], [sflag:$0x1], $0x4000, $0x38;
	[tilespmem:$0xC000] =	vst v63  }
0x2c0: {  	_ = 	snop  }
0x2c1: {  	[hbm4b:s24+s2] =	stream.linear.scatter [tilespmem:s14], [sflag:$0x1], $0x4000, $0x38;
	[tilespmem:$0xC000] =	vst v63  }
0x2c2: {  	_ =	swait.ge [sflag:s12], $0x4000  }
0x2c3: {  	[sflag:s12] =	ssyncset.done $0x0  }
0x2c4: {  	[sflag:s12] =	ssyncadd.s32 $0xFFFFC000  }
0x2c5: {  	_ =	swait.ge [sflag:s12], $0x4000  }
0x2c6: {  	[sflag:s12] =	ssyncset.done $0x0  }
0x2c7: {  	[sflag:s12] =	ssyncadd.s32 $0xFFFFC000  }
0x2c8: {  	_ =	swait.ge [sflag:s12], $0x4000  }
0x2c9: {  	[sflag:s12] =	ssyncset.done $0x0  }
0x2ca: {  	[sflag:s12] =	ssyncadd.s32 $0xFFFFC000  }
0x2cb: {  	_ =	swait.ge [sflag:s12], $0x4000  }
0x2cc: {  	[sflag:s12] =	ssyncset.done $0x0  }
0x2cd: {  	[sflag:s12] =	ssyncadd.s32 $0xFFFFC000  }
0x2ce: {  	_ =	swait.ge [sflag:s12], $0x4000  }
0x2cf: {  	[sflag:s12] =	ssyncset.done $0x0  }
0x2d0: {  	[sflag:s12] =	ssyncadd.s32 $0xFFFFC000  }
0x2d1: {  	_ =	swait.ge [sflag:s12], $0x4000  }
0x2d2: {  	[sflag:s12] =	ssyncset.done $0x0  }
0x2d3: {  	[sflag:s12] =	ssyncadd.s32 $0xFFFFC000  }
0x2d4: {  	_ =	swait.ge [sflag:s12], $0x4000  }
0x2d5: {  	[sflag:s12] =	ssyncset.done $0x0  }
0x2d6: {  	[sflag:s12] =	ssyncadd.s32 $0xFFFFC000  }
0x2d7: {  	_ =	swait.ge [sflag:s12], $0x4000  }
0x2d8: {  	[sflag:s12] =	ssyncset.done $0x0  }
0x2d9: {  	[sflag:s12] =	ssyncadd.s32 $0xFFFFC000  }
0x2da: {  	[hbm4b:s25+s2] =	stream.linear.scatter [tilespmem:s14], [sflag:$0x1], $0x4000, $0x38;
	[tilespmem:$0xC000] =	vst v63  }
0x2db: {  	_ = 	snop  }
0x2dc: {  	[hbm4b:s26+s2] =	stream.linear.scatter [tilespmem:s14], [sflag:$0x1], $0x4000, $0x38;
	[tilespmem:$0xC000] =	vst v63  }
0x2dd: {  	_ = 	snop  }
0x2de: {  	[hbm4b:s28+s2] =	stream.linear.scatter [tilespmem:s14], [sflag:$0x1], $0x4000, $0x38;
	[tilespmem:$0xC000] =	vst v63  }
0x2df: {  	_ = 	snop  }
0x2e0: {  	[hbm4b:s29+s2] =	stream.linear.scatter [tilespmem:s14], [sflag:$0x1], $0x4000, $0x38;
	[tilespmem:$0xC000] =	vst v63  }
0x2e1: {  	_ = 	snop  }
0x2e2: {  	[hbm4b:s30+s2] =	stream.linear.scatter [tilespmem:s14], [sflag:$0x1], $0x4000, $0x38;
	[tilespmem:$0xC000] =	vst v63  }
0x2e3: {  	_ = 	snop  }
0x2e4: {  	[hbm4b:s31+s2] =	stream.linear.scatter [tilespmem:s14], [sflag:$0x1], $0x4000, $0x38;
	[tilespmem:$0xC000] =	vst v63  }
0x2e5: {  	_ = 	snop  }
0x2e6: {  	[hbm4b:s0+s2] =	stream.linear.scatter [tilespmem:s14], [sflag:$0x1], $0x4000, $0x38;
	[tilespmem:$0xC000] =	vst v63  }
0x2e7: {  	_ = 	snop  }
0x2e8: {  	[hbm4b:s1+s2] =	stream.linear.scatter [tilespmem:s14], [sflag:$0x1], $0x4000, $0x38;
	[tilespmem:$0xC000] =	vst v63  }
0x2e9: {  	_ =	swait.ge [sflag:s12], $0x4000  }
0x2ea: {  	[sflag:s12] =	ssyncset.done $0x0  }
0x2eb: {  	[sflag:s12] =	ssyncadd.s32 $0xFFFFC000  }
0x2ec: {  	_ =	swait.ge [sflag:s12], $0x4000  }
0x2ed: {  	[sflag:s12] =	ssyncset.done $0x0  }
0x2ee: {  	[sflag:s12] =	ssyncadd.s32 $0xFFFFC000  }
0x2ef: {  	_ =	swait.ge [sflag:s12], $0x4000  }
0x2f0: {  	[sflag:s12] =	ssyncset.done $0x0  }
0x2f1: {  	[sflag:s12] =	ssyncadd.s32 $0xFFFFC000  }
0x2f2: {  	_ =	swait.ge [sflag:s12], $0x4000  }
0x2f3: {  	[sflag:s12] =	ssyncset.done $0x0  }
0x2f4: {  	[sflag:s12] =	ssyncadd.s32 $0xFFFFC000  }
0x2f5: {  	_ =	swait.ge [sflag:s12], $0x4000  }
0x2f6: {  	[sflag:s12] =	ssyncset.done $0x0  }
0x2f7: {  	[sflag:s12] =	ssyncadd.s32 $0xFFFFC000  }
0x2f8: {  	_ =	swait.ge [sflag:s12], $0x4000  }
0x2f9: {  	[sflag:s12] =	ssyncset.done $0x0  }
0x2fa: {  	[sflag:s12] =	ssyncadd.s32 $0xFFFFC000  }
0x2fb: {  	_ =	swait.ge [sflag:s12], $0x4000  }
0x2fc: {  	[sflag:s12] =	ssyncset.done $0x0  }
0x2fd: {  	[sflag:s12] =	ssyncadd.s32 $0xFFFFC000  }
0x2fe: {  	_ =	swait.ge [sflag:s12], $0x4000  }
0x2ff: {  	[sflag:s12] =	ssyncset.done $0x0  }
0x300: {  	[sflag:s12] =	ssyncadd.s32 $0xFFFFC000  }
0x301: {  	[hbm4b:s3+s2] =	stream.linear.scatter [tilespmem:s14], [sflag:$0x1], $0x4000, $0x38;
	[tilespmem:$0xC000] =	vst v63  }
0x302: {  	_ = 	snop  }
0x303: {  	[hbm4b:s4+s2] =	stream.linear.scatter [tilespmem:s14], [sflag:$0x1], $0x4000, $0x38;
	[tilespmem:$0xC000] =	vst v63  }
0x304: {  	_ = 	snop  }
0x305: {  	[hbm4b:s5+s2] =	stream.linear.scatter [tilespmem:s14], [sflag:$0x1], $0x4000, $0x38;
	[tilespmem:$0xC000] =	vst v63  }
0x306: {  	_ = 	snop  }
0x307: {  	[hbm4b:s6+s2] =	stream.linear.scatter [tilespmem:s14], [sflag:$0x1], $0x4000, $0x38;
	[tilespmem:$0xC000] =	vst v63  }
0x308: {  	_ = 	snop  }
0x309: {  	[hbm4b:s7+s2] =	stream.linear.scatter [tilespmem:s14], [sflag:$0x1], $0x4000, $0x38;
	[tilespmem:$0xC000] =	vst v63  }
0x30a: {  	_ = 	snop  }
0x30b: {  	[hbm4b:s8+s2] =	stream.linear.scatter [tilespmem:s14], [sflag:$0x1], $0x4000, $0x38;
	[tilespmem:$0xC000] =	vst v63  }
0x30c: {  	_ = 	snop  }
0x30d: {  	[hbm4b:s9+s2] =	stream.linear.scatter [tilespmem:s14], [sflag:$0x1], $0x4000, $0x38;
	[tilespmem:$0xC000] =	vst v63  }
0x30e: {  	_ = 	snop  }
0x30f: {  	[hbm4b:s10+s2] =	stream.linear.scatter [tilespmem:s14], [sflag:$0x1], $0x4000, $0x38;
	[tilespmem:$0xC000] =	vst v63  }
0x310: {  	_ =	swait.ge [sflag:s12], $0x4000  }
0x311: {  	[sflag:s12] =	ssyncset.done $0x0  }
0x312: {  	[sflag:s12] =	ssyncadd.s32 $0xFFFFC000  }
0x313: {  	_ =	swait.ge [sflag:s12], $0x4000  }
0x314: {  	[sflag:s12] =	ssyncset.done $0x0  }
0x315: {  	[sflag:s12] =	ssyncadd.s32 $0xFFFFC000  }
0x316: {  	_ =	swait.ge [sflag:s12], $0x4000  }
0x317: {  	[sflag:s12] =	ssyncset.done $0x0  }
0x318: {  	[sflag:s12] =	ssyncadd.s32 $0xFFFFC000  }
0x319: {  	_ =	swait.ge [sflag:s12], $0x4000  }
0x31a: {  	[sflag:s12] =	ssyncset.done $0x0  }
0x31b: {  	[sflag:s12] =	ssyncadd.s32 $0xFFFFC000  }
0x31c: {  	_ =	swait.ge [sflag:s12], $0x4000  }
0x31d: {  	[sflag:s12] =	ssyncset.done $0x0  }
0x31e: {  	[sflag:s12] =	ssyncadd.s32 $0xFFFFC000  }
0x31f: {  	_ =	swait.ge [sflag:s12], $0x4000  }
0x320: {  	[sflag:s12] =	ssyncset.done $0x0  }
0x321: {  	s15 =	sadd.s32 $0x1, s15;
	[sflag:s12] =	ssyncadd.s32 $0xFFFFC000  }
0x322: {  	p0 =	sne.s32 s15, s11;
	_ =	swait.ge [sflag:s12], $0x4000  }
.Ltmp2:
0x323: {  	[sflag:s12] =	ssyncset.done $0x0;
	(pc) =	sbr.rel @p0 .LBB2_1-.Ltmp2, $4  }
0x324: {  	[sflag:s12] =	ssyncadd.s32 $0xFFFFC000  }
0x325: {  	_ =	swait.ge [sflag:s12], $0x4000  }
0x326: {  	[sflag:s12] =	ssyncset.done $0x0  }
0x327: {  	[sflag:s12] =	ssyncadd.s32 $0xFFFFC000  }
0x328: {  	_ =	sfence.sel $0x180000  }
0x329: {  	[bflag:$0x0] =	sbarrier.arrive $0xFFFF  }
0x32a: {  	_ =	strace $0x90000047  }
0x32b: {  	s0 =	stileid.u32;
	[bflag:$0x2] =	sbarrier.arrive $0xFFFF  }
0x32c: {  	p0 =	sne.s32 s0, $0x0;
	s0 =	rddreg [dreg:$0x1]  }
0x32d: {  	s0 =	sadd.s32 @!p0 $0x100000, s0  }
0x32e: {  	[sflag:s0] =	ssyncadd.tile.s32 @!p0 $0x1;
	_ =	shalt  }
.Lfunc_end2:
_tile_overlayer_lowered:
.L_overlay_start_2:
0x32f: {  	(tag) =	ssettag $0x2  }
0x330: {  	s0 =	rddreg [dreg:$0x0];
	s2 =	stileid.u32  }
0x331: {  	s1 =	rddreg [dreg:$0x1];
	p0 =	sne.s32 s2, $0x0  }
0x332: {  	s3 =	rddreg [dreg:$0x2];
	[bflag:$0x3] =	sbarrier.arrive $0xFFFF;
	s2 =	simm.s32 @!p0 $0x1C02  }
0x333: {  	[timem:s3], [sflag:s2] =	dma.local @!p0 [hbm:s0], s1  }
0x334: {  	s0 =	simm.s32 @!p0 $0x2  }
0x335: {  	_ =	swait.ge @!p0 [sflag:s0], s1  }
0x336: {  	s1 =	ssub.s32 @!p0 $0x0, s1;
	[sflag:s0] =	ssyncset.done @!p0 $0x0  }
0x337: {  	[sflag:s0] =	ssyncadd.s32 @!p0 s1  }
0x338: {  	[bflag:$0x3] =	sbarrier.arrive $0xFFFF  }
0x339: {  	_ =	shalt  }

</sc_bundles>
